<compile_context>
chip_gen: v7x
topology: tpu7x:2x2x1
jax: 0.10.2.dev20260603
libtpu: 0.0.44.dev20260713+nightly
codegen_flags: <defaults>
</compile_context>

<pallas_src>
import jax
import jax.numpy as jnp
from jax import lax
from jax.experimental import pallas as pl
from jax.experimental.pallas import tpu as pltpu
from jax.experimental.pallas import tpu_sc as plsc

NC = 2
NS = 16
L = 16
CH = 128

F32 = jnp.float32
HIGH = jax.lax.Precision.HIGHEST


def _ceil_to(x, m):
    return (x + m - 1) // m * m


def _pick_blk(n, cap=1024):
    blk = 1
    for c in range(8, cap + 1, 8):
        if n % c == 0:
            blk = c
    return blk


def _stripe_bounds(np_pad):
    pt = np_pad // NS
    pieces = []
    off = 0
    while off < pt:
        step = min(CH, pt - off)
        pieces.append((off, step))
        off += step
    return pt, pieces


def _pq_matmul(h, a):
    n, d = h.shape
    g = a.shape[0]
    blk = _pick_blk(n)
    nb = n // blk

    def body(h_ref, a_ref, o_ref):
        o_ref[...] = jax.lax.dot(h_ref[...], a_ref[0], precision=HIGH,
                                 preferred_element_type=F32)

    return pl.pallas_call(
        body,
        grid=(g, nb),
        in_specs=[pl.BlockSpec((blk, d), lambda gi, i: (i, 0)),
                  pl.BlockSpec((1, d, d), lambda gi, i: (gi, 0, 0))],
        out_specs=pl.BlockSpec((blk, d), lambda gi, i: (gi * nb + i, 0)),
        out_shape=jax.ShapeDtypeStruct((g * n, d), F32),
    )(h, a)


def _sc_edge_pass(pq, h, srcp, dstp, typp, np_pad, n_real, r_rel):
    d = h.shape[1]
    ep_total = srcp.shape[0]
    total_chunks = ep_total // CH
    pair_chunks = total_chunks // NS
    ck0 = max(1, int(round(pair_chunks * 0.637)))
    ck1 = pair_chunks - ck0
    pt_rows, pieces = _stripe_bounds(np_pad)

    def body(pq_hbm, h_hbm, src_hbm, dst_hbm, typ_hbm,
             acc_out, cnt_out,
             src_v, dst_v, typ_v, idxp_v, idxq_v,
             p_rows, q_rows, h_rows,
             acc_sh, sem1, sem2, sem3):
        cid = lax.axis_index("c")
        sid = lax.axis_index("s")

        zvec = jnp.zeros((L,), F32)
        onevec = (1 - jnp.minimum(lax.iota(jnp.int32, L), 1)).astype(F32)

        def zero_p(i, carry):
            for j in range(d // L):
                p_rows[i, pl.ds(j * L, L)] = zvec
            return carry

        def zero_stripe():
            for (po, pn) in pieces:
                off = pl.multiple_of(sid * pt_rows + po, 8)
                pltpu.sync_copy(p_rows.at[pl.ds(0, pn)],
                                acc_sh.at[pl.ds(off, pn)])

        def dump_stripe(out_hbm):
            for (po, pn) in pieces:
                off = pl.multiple_of(sid * pt_rows + po, 8)
                pltpu.sync_copy(
                    acc_sh.at[pl.ds(off, pn)],
                    out_hbm.at[pl.ds(pl.multiple_of(cid * np_pad + off, 8),
                                     pn)])

        lax.fori_loop(0, CH, zero_p, 0)
        zero_stripe()
        plsc.subcore_barrier()

        start0 = sid * ck0
        start1 = NS * ck0 + sid * ck1

        def chunk_body(start_chunks):
          def chunk_body_inner(c, carry):
            base = pl.multiple_of((start_chunks + c) * CH, 8)
            pltpu.sync_copy(src_hbm.at[pl.ds(base, CH)], src_v)
            pltpu.sync_copy(dst_hbm.at[pl.ds(base, CH)], dst_v)
            pltpu.sync_copy(typ_hbm.at[pl.ds(base, CH)], typ_v)

            def idx_body(i, icarry):
                sl = pl.ds(i * L, L)
                t = typ_v[sl]
                idxp_v[sl] = t * n_real + dst_v[sl]
                idxq_v[sl] = (t + r_rel) * n_real + src_v[sl]
                return icarry

            lax.fori_loop(0, CH // L, idx_body, 0)

            cp1 = pltpu.async_copy(pq_hbm.at[idxp_v], p_rows, sem1)
            cp2 = pltpu.async_copy(pq_hbm.at[idxq_v], q_rows, sem2)
            cp3 = pltpu.async_copy(h_hbm.at[src_v], h_rows, sem3)
            cp1.wait()
            cp2.wait()
            cp3.wait()

            def edge_body(e, ecarry):
                for j in range(d // L):
                    sl = pl.ds(j * L, L)
                    x = p_rows[e, sl] + q_rows[e, sl]
                    gate = 1.0 / (1.0 + jnp.exp(-x))
                    p_rows[e, sl] = h_rows[e, sl] * gate
                return ecarry

            lax.fori_loop(0, CH, edge_body, 0)

            pltpu.sync_copy(p_rows, acc_sh.at[dst_v], add=True)
            return carry
          return chunk_body_inner

        @pl.when(cid == 0)
        def _():
            lax.fori_loop(0, ck0, chunk_body(start0), 0)

        @pl.when(cid == 1)
        def _():
            lax.fori_loop(0, ck1, chunk_body(start1), 0)

        plsc.subcore_barrier()

        dump_stripe(acc_out)
        lax.fori_loop(0, CH, zero_p, 0)
        zero_stripe()

        def ones_fill(i, carry):
            p_rows[i, pl.ds(0, L)] = onevec
            return carry

        lax.fori_loop(0, CH, ones_fill, 0)
        plsc.subcore_barrier()

        def count_body(start_chunks):
          def count_body_inner(c, carry):
            base = pl.multiple_of((start_chunks + c) * CH, 8)
            pltpu.sync_copy(dst_hbm.at[pl.ds(base, CH)], dst_v)
            pltpu.sync_copy(p_rows, acc_sh.at[dst_v], add=True)
            return carry
          return count_body_inner

        @pl.when(cid == 0)
        def _():
            lax.fori_loop(0, ck0, count_body(start0), 0)

        @pl.when(cid == 1)
        def _():
            lax.fori_loop(0, ck1, count_body(start1), 0)

        plsc.subcore_barrier()

        dump_stripe(cnt_out)

    run = pl.kernel(
        body,
        out_type=[jax.ShapeDtypeStruct((NC * np_pad, d), F32),
                  jax.ShapeDtypeStruct((NC * np_pad, d), F32)],
        mesh=plsc.VectorSubcoreMesh(core_axis_name="c", subcore_axis_name="s",
                                    num_cores=NC, num_subcores=NS),
        scratch_types=[
            pltpu.VMEM((CH,), jnp.int32),
            pltpu.VMEM((CH,), jnp.int32),
            pltpu.VMEM((CH,), jnp.int32),
            pltpu.VMEM((CH,), jnp.int32),
            pltpu.VMEM((CH,), jnp.int32),
            pltpu.VMEM((CH, d), F32),
            pltpu.VMEM((CH, d), F32),
            pltpu.VMEM((CH, d), F32),
            pltpu.VMEM_SHARED((np_pad, d), F32),
            pltpu.SemaphoreType.DMA,
            pltpu.SemaphoreType.DMA,
            pltpu.SemaphoreType.DMA,
        ],
    )
    return run(pq, h, srcp, dstp, typp)


def _final_head(h, acc2, cnt2, wt, b2):
    n, d = h.shape
    out_dim = wt.shape[1]
    blk = _pick_blk(n)
    nb = n // blk

    def body(h_ref, a_ref, c_ref, wt_ref, b_ref, o_ref):
        s = a_ref[0] + a_ref[1]
        cnt = c_ref[0, :, :1] + c_ref[1, :, :1]
        h_n = s / jnp.maximum(cnt, 1.0)
        o = (jax.lax.dot(h_ref[...], wt_ref[:d], precision=HIGH,
                         preferred_element_type=F32)
             + jax.lax.dot(h_n, wt_ref[d:], precision=HIGH,
                           preferred_element_type=F32)
             + b_ref[...])
        o_ref[...] = jnp.where(o >= 0.0, o, 0.01 * o)

    return pl.pallas_call(
        body,
        grid=(nb,),
        in_specs=[pl.BlockSpec((blk, d), lambda i: (i, 0)),
                  pl.BlockSpec((2, blk, d), lambda i: (0, i, 0)),
                  pl.BlockSpec((2, blk, d), lambda i: (0, i, 0)),
                  pl.BlockSpec((2 * d, out_dim), lambda i: (0, 0)),
                  pl.BlockSpec((1, out_dim), lambda i: (0, 0))],
        out_specs=pl.BlockSpec((blk, out_dim), lambda i: (i, 0)),
        out_shape=jax.ShapeDtypeStruct((n, out_dim), F32),
    )(h, acc2, cnt2, wt, b2)


def kernel(h, edge_index, edge_type, r, W, b):
    n, d = h.shape
    r_rel = r.shape[0]
    e = edge_index.shape[1]
    out_dim = W.shape[0]

    np_pad = _ceil_to(n + 1, NS * 8)
    ep_pad = _ceil_to(e, NC * NS * CH)

    a = jnp.concatenate([r[:, :d, :], r[:, d:, :]], axis=0)
    pq = _pq_matmul(h, a)

    src = edge_index[0].astype(jnp.int32)
    dst = edge_index[1].astype(jnp.int32)
    typ = edge_type.astype(jnp.int32)
    pad = ep_pad - e
    if pad:
        src = jnp.concatenate([src, jnp.zeros((pad,), jnp.int32)])
        dst = jnp.concatenate([dst, jnp.full((pad,), np_pad - 1, jnp.int32)])
        typ = jnp.concatenate([typ, jnp.zeros((pad,), jnp.int32)])

    accf, cntf = _sc_edge_pass(pq, h, src, dst, typ, np_pad, n, r_rel)
    acc2 = accf.reshape(NC, np_pad, d)
    cnt2 = cntf.reshape(NC, np_pad, d)

    return _final_head(h, acc2, cnt2, W.T, b.reshape(1, out_dim))

# --- scband reference (transcript-rebuilt; emitter-appended) ---
"""Pipeline reference for scband-gin-rec-conv-62637803045254 (READ-ONLY COPY).

The authoritative reference and input builder live on the scoring server;
editing this copy changes nothing except your own understanding.
"""

import jax, jax.numpy as jnp
import numpy as np

N = 10000
E = 160000
D = 128
R = 4
OUT = 128

def setup_inputs(seed: int = 0) -> dict:
    key = jax.random.key(seed)
    ks = jax.random.split(key, 6)
    h = jax.random.normal(ks[0], (N, D), dtype=jnp.float32)
    edge_index = jax.random.randint(ks[1], (2, E), 0, N, dtype=jnp.int32)
    edge_type = jax.random.randint(ks[2], (E,), 0, R, dtype=jnp.int32)
    r = jax.random.normal(ks[3], (R, 2 * D, D), dtype=jnp.float32) * (1.0 / np.sqrt(2 * D))
    W = jax.random.normal(ks[4], (OUT, 2 * D), dtype=jnp.float32) * (1.0 / np.sqrt(2 * D))
    b = jnp.zeros((OUT,), dtype=jnp.float32)
    return {"h": h, "edge_index": edge_index, "edge_type": edge_type, "r": r, "W": W, "b": b}

def reference(h, edge_index, edge_type, r, W, b):
    # GInRecConv forward: gate_type='concat', aggregator='graphsage', relations=True,
    # gate_fn=sigmoid, activation=LeakyReLU, no attention, fn.mean reduce.
    src = edge_index[0]
    dst = edge_index[1]
    subj = jnp.take(h, dst, axis=0)   # edges.dst['h'] (subject)
    obj = jnp.take(h, src, axis=0)    # edges.src['h'] (object)
    # gates: gather_mm(subj, r[:, :D, :], idx_b=type) + gather_mm(obj, r[:, D:, :], idx_b=type)
    # == concat(subj, obj) @ r[type]  (r: [R, 2D, D])
    cat = jnp.concatenate([subj, obj], axis=-1)                 # [E, 2D]
    y = jnp.einsum('ec,rck->erk', cat, r)                       # [E, R, D]
    idx = jnp.broadcast_to(edge_type[:, None, None].astype(jnp.int32), (y.shape[0], 1, y.shape[2]))
    gate = jax.nn.sigmoid(jnp.take_along_axis(y, idx, axis=1)[:, 0, :])  # [E, D]
    # message: u_mul_e('h', 'scale') then fn.mean over incoming edges per dst
    m = obj * gate
    s = jax.ops.segment_sum(m, dst, num_segments=h.shape[0])
    cnt = jax.ops.segment_sum(jnp.ones((m.shape[0],), dtype=h.dtype), dst, num_segments=h.shape[0])
    h_N = s / jnp.maximum(cnt, 1.0)[:, None]
    # graphsage aggregate: LeakyReLU(Linear(concat(h, h_N)))
    c = jnp.concatenate([h, h_N], axis=-1)
    out = c @ W.T + b
    return jax.nn.leaky_relu(out, negative_slope=0.01)

if __name__ == "__main__":
    import jax
    _d = setup_inputs()
    print(jax.jit(kernel)(*tuple(_d.values())))

</pallas_src>

<mosaic_0001>
#map = affine_map<(d0, d1) -> (0, 0)>
#map1 = affine_map<(d0, d1) -> (0)>
module attributes {stable_mosaic.version = 14 : i64} {
  func.func @body(%arg0: i32, %arg1: i32, %arg2: memref<80000x128xf32, #tpu.memory_space<hbm>>, %arg3: memref<10000x128xf32, #tpu.memory_space<hbm>>, %arg4: memref<163840xi32, #tpu.memory_space<hbm>>, %arg5: memref<163840xi32, #tpu.memory_space<hbm>>, %arg6: memref<163840xi32, #tpu.memory_space<hbm>>, %arg7: memref<20224x128xf32, #tpu.memory_space<hbm>>, %arg8: memref<20224x128xf32, #tpu.memory_space<hbm>>, %arg9: memref<128xi32, #tpu.memory_space<vmem>>, %arg10: memref<128xi32, #tpu.memory_space<vmem>>, %arg11: memref<128xi32, #tpu.memory_space<vmem>>, %arg12: memref<128xi32, #tpu.memory_space<vmem>>, %arg13: memref<128xi32, #tpu.memory_space<vmem>>, %arg14: memref<128x128xf32, #tpu.memory_space<vmem>>, %arg15: memref<128x128xf32, #tpu.memory_space<vmem>>, %arg16: memref<128x128xf32, #tpu.memory_space<vmem>>, %arg17: memref<10112x128xf32, #tpu.memory_space<vmem_shared>>, %arg18: memref<!tpu.dma_semaphore, #tpu.memory_space<semaphore_mem>>, %arg19: memref<!tpu.dma_semaphore, #tpu.memory_space<semaphore_mem>>, %arg20: memref<!tpu.dma_semaphore, #tpu.memory_space<semaphore_mem>>) attributes {dimension_semantics = [#tpu.dimension_semantics<core_parallel>, #tpu.dimension_semantics<subcore_parallel>], iteration_bounds = array<i64: 2, 16>, scalar_prefetch = 0 : i64, scratch_operands = 12 : i64, tpu.core_type = #tpu.core_type<sc_vector_subcore>, window_params = [{transform_indices = #map}, {transform_indices = #map}, {transform_indices = #map1}, {transform_indices = #map1}, {transform_indices = #map1}, {transform_indices = #map}, {transform_indices = #map}]} {
    %broadcast_in_dim3A = arith.constant 0.000000e+00 : f32
    %broadcast_in_dim3A_0 = vector.broadcast %broadcast_in_dim3A : f32 to vector<16xf32>
    %iota3A = tpu.iota {dimensions = array<i32: 0>} : vector<16xi32>
    %min3A = arith.constant 1 : i32
    %min3A_1 = vector.broadcast %min3A : i32 to vector<16xi32>
    %min3A_2 = arith.minsi %iota3A, %min3A_1 : vector<16xi32>
    %sub3A = arith.constant 1 : i32
    %sub3A_3 = vector.broadcast %sub3A : i32 to vector<16xi32>
    %sub3A_4 = arith.subi %sub3A_3, %min3A_2 : vector<16xi32>
    %convert_element_type3A = arith.sitofp %sub3A_4 : vector<16xi32> to vector<16xf32>
    %scan3A = arith.constant 0 : i32
    %scan3A_5 = arith.constant 0 : i32
    %scan3A_6 = arith.constant 128 : i32
    %scan3A_7 = arith.addi %scan3A_5, %scan3A_6 : i32
    %scan3A_8 = arith.constant 1 : i32
    scf.for %scan3A_186 = %scan3A_5 to %scan3A_7 step %scan3A_8  : i32 {
      %swap3A = arith.index_cast %scan3A_186 : i32 to index
      %swap3A_187 = arith.constant 0 : index
      %swap3A_188 = tpu.vector_load %arg14[%swap3A, %swap3A_187] {strides = array<i32>} : memref<128x128xf32, #tpu.memory_space<vmem>>, vector<1x16xf32>,
      %swap3A_189 = vector.shape_cast %swap3A_188 : vector<1x16xf32> to vector<16xf32>
      %swap3A_190 = vector.shape_cast %broadcast_in_dim3A_0 : vector<16xf32> to vector<1x16xf32>
      tpu.vector_store %arg14[%swap3A, %swap3A_187], %swap3A_190 {strides = array<i32>} : memref<128x128xf32, #tpu.memory_space<vmem>>, vector<1x16xf32>,
      %swap3A_191 = arith.index_cast %scan3A_186 : i32 to index
      %swap3A_192 = arith.constant 16 : index
      %swap3A_193 = tpu.vector_load %arg14[%swap3A_191, %swap3A_192] {strides = array<i32>} : memref<128x128xf32, #tpu.memory_space<vmem>>, vector<1x16xf32>,
      %swap3A_194 = vector.shape_cast %swap3A_193 : vector<1x16xf32> to vector<16xf32>
      %swap3A_195 = vector.shape_cast %broadcast_in_dim3A_0 : vector<16xf32> to vector<1x16xf32>
      tpu.vector_store %arg14[%swap3A_191, %swap3A_192], %swap3A_195 {strides = array<i32>} : memref<128x128xf32, #tpu.memory_space<vmem>>, vector<1x16xf32>,
      %swap3A_196 = arith.index_cast %scan3A_186 : i32 to index
      %swap3A_197 = arith.constant 32 : index
      %swap3A_198 = tpu.vector_load %arg14[%swap3A_196, %swap3A_197] {strides = array<i32>} : memref<128x128xf32, #tpu.memory_space<vmem>>, vector<1x16xf32>,
      %swap3A_199 = vector.shape_cast %swap3A_198 : vector<1x16xf32> to vector<16xf32>
      %swap3A_200 = vector.shape_cast %broadcast_in_dim3A_0 : vector<16xf32> to vector<1x16xf32>
      tpu.vector_store %arg14[%swap3A_196, %swap3A_197], %swap3A_200 {strides = array<i32>} : memref<128x128xf32, #tpu.memory_space<vmem>>, vector<1x16xf32>,
      %swap3A_201 = arith.index_cast %scan3A_186 : i32 to index
      %swap3A_202 = arith.constant 48 : index
      %swap3A_203 = tpu.vector_load %arg14[%swap3A_201, %swap3A_202] {strides = array<i32>} : memref<128x128xf32, #tpu.memory_space<vmem>>, vector<1x16xf32>,
      %swap3A_204 = vector.shape_cast %swap3A_203 : vector<1x16xf32> to vector<16xf32>
      %swap3A_205 = vector.shape_cast %broadcast_in_dim3A_0 : vector<16xf32> to vector<1x16xf32>
      tpu.vector_store %arg14[%swap3A_201, %swap3A_202], %swap3A_205 {strides = array<i32>} : memref<128x128xf32, #tpu.memory_space<vmem>>, vector<1x16xf32>,
      %swap3A_206 = arith.index_cast %scan3A_186 : i32 to index
      %swap3A_207 = arith.constant 64 : index
      %swap3A_208 = tpu.vector_load %arg14[%swap3A_206, %swap3A_207] {strides = array<i32>} : memref<128x128xf32, #tpu.memory_space<vmem>>, vector<1x16xf32>,
      %swap3A_209 = vector.shape_cast %swap3A_208 : vector<1x16xf32> to vector<16xf32>
      %swap3A_210 = vector.shape_cast %broadcast_in_dim3A_0 : vector<16xf32> to vector<1x16xf32>
      tpu.vector_store %arg14[%swap3A_206, %swap3A_207], %swap3A_210 {strides = array<i32>} : memref<128x128xf32, #tpu.memory_space<vmem>>, vector<1x16xf32>,
      %swap3A_211 = arith.index_cast %scan3A_186 : i32 to index
      %swap3A_212 = arith.constant 80 : index
      %swap3A_213 = tpu.vector_load %arg14[%swap3A_211, %swap3A_212] {strides = array<i32>} : memref<128x128xf32, #tpu.memory_space<vmem>>, vector<1x16xf32>,
      %swap3A_214 = vector.shape_cast %swap3A_213 : vector<1x16xf32> to vector<16xf32>
      %swap3A_215 = vector.shape_cast %broadcast_in_dim3A_0 : vector<16xf32> to vector<1x16xf32>
      tpu.vector_store %arg14[%swap3A_211, %swap3A_212], %swap3A_215 {strides = array<i32>} : memref<128x128xf32, #tpu.memory_space<vmem>>, vector<1x16xf32>,
      %swap3A_216 = arith.index_cast %scan3A_186 : i32 to index
      %swap3A_217 = arith.constant 96 : index
      %swap3A_218 = tpu.vector_load %arg14[%swap3A_216, %swap3A_217] {strides = array<i32>} : memref<128x128xf32, #tpu.memory_space<vmem>>, vector<1x16xf32>,
      %swap3A_219 = vector.shape_cast %swap3A_218 : vector<1x16xf32> to vector<16xf32>
      %swap3A_220 = vector.shape_cast %broadcast_in_dim3A_0 : vector<16xf32> to vector<1x16xf32>
      tpu.vector_store %arg14[%swap3A_216, %swap3A_217], %swap3A_220 {strides = array<i32>} : memref<128x128xf32, #tpu.memory_space<vmem>>, vector<1x16xf32>,
      %swap3A_221 = arith.index_cast %scan3A_186 : i32 to index
      %swap3A_222 = arith.constant 112 : index
      %swap3A_223 = tpu.vector_load %arg14[%swap3A_221, %swap3A_222] {strides = array<i32>} : memref<128x128xf32, #tpu.memory_space<vmem>>, vector<1x16xf32>,
      %swap3A_224 = vector.shape_cast %swap3A_223 : vector<1x16xf32> to vector<16xf32>
      %swap3A_225 = vector.shape_cast %broadcast_in_dim3A_0 : vector<16xf32> to vector<1x16xf32>
      tpu.vector_store %arg14[%swap3A_221, %swap3A_222], %swap3A_225 {strides = array<i32>} : memref<128x128xf32, #tpu.memory_space<vmem>>, vector<1x16xf32>,
    }
    %scan3A_9 = arith.constant 128 : i32
    %mul3A = arith.constant 632 : i32
    %mul3A_10 = arith.muli %arg1, %mul3A : i32
    %add3A = arith.constant 0 : i32
    %add3A_11 = arith.addi %mul3A_10, %add3A : i32
    %multiple_of3A = tpu.assume_multiple %add3A_11, 8 : i32
    "tpu.region"() ({
      %run_scoped3A = tpu.sem_alloc : memref<!tpu.dma_semaphore, #tpu.memory_space<semaphore_mem>>
      %dma_start3A = arith.constant 0 : i32
      %dma_start3A_186 = arith.constant 0 : i32
      %dma_start3A_187 = tpu.memref_slice %arg14[%dma_start3A, %dma_start3A_186] : memref<128x128xf32, #tpu.memory_space<vmem>> -> memref<128x128xf32, #tpu.memory_space<vmem>>
      %dma_start3A_188 = arith.constant 0 : i32
      %dma_start3A_189 = tpu.memref_slice %arg17[%multiple_of3A, %dma_start3A_188] : memref<10112x128xf32, #tpu.memory_space<vmem_shared>> -> memref<128x128xf32, #tpu.memory_space<vmem_shared>>
      %dma_start3A_190 = arith.constant 0 : i32
      %dma_start3A_191 = tpu.memref_slice %arg17[%multiple_of3A, %dma_start3A_190] : memref<10112x128xf32, #tpu.memory_space<vmem_shared>> -> memref<128x128xf32, #tpu.memory_space<vmem_shared>>
      %dma_start3A_192 = arith.constant 0 : i32
      %dma_start3A_193 = arith.constant 0 : i32
      %dma_start3A_194 = tpu.memref_slice %arg14[%dma_start3A_192, %dma_start3A_193] : memref<128x128xf32, #tpu.memory_space<vmem>> -> memref<128x128xf32, #tpu.memory_space<vmem>>
      tpu.enqueue_dma source(%dma_start3A_194 : memref<128x128xf32, #tpu.memory_space<vmem>>) target(%dma_start3A_191 : memref<128x128xf32, #tpu.memory_space<vmem_shared>>) target_semaphore(%run_scoped3A : memref<!tpu.dma_semaphore, #tpu.memory_space<semaphore_mem>>)
      %dma_wait3A = arith.constant 0 : i32
      %dma_wait3A_195 = arith.constant 0 : i32
      %dma_wait3A_196 = tpu.memref_slice %arg14[%dma_wait3A, %dma_wait3A_195] : memref<128x128xf32, #tpu.memory_space<vmem>> -> memref<128x128xf32, #tpu.memory_space<vmem>>
      %dma_wait3A_197 = arith.constant 0 : i32
      %dma_wait3A_198 = tpu.memref_slice %arg17[%multiple_of3A, %dma_wait3A_197] : memref<10112x128xf32, #tpu.memory_space<vmem_shared>> -> memref<128x128xf32, #tpu.memory_space<vmem_shared>>
      %dma_wait3A_199 = arith.constant 0 : i32
      %dma_wait3A_200 = tpu.memref_slice %arg17[%multiple_of3A, %dma_wait3A_199] : memref<10112x128xf32, #tpu.memory_space<vmem_shared>> -> memref<128x128xf32, #tpu.memory_space<vmem_shared>>
      %dma_wait3A_201 = arith.constant 0 : i32
      %dma_wait3A_202 = arith.constant 0 : i32
      %dma_wait3A_203 = tpu.memref_slice %arg14[%dma_wait3A_201, %dma_wait3A_202] : memref<128x128xf32, #tpu.memory_space<vmem>> -> memref<128x128xf32, #tpu.memory_space<vmem>>
      tpu.wait_dma2 semaphore(%run_scoped3A : memref<!tpu.dma_semaphore, #tpu.memory_space<semaphore_mem>>) src(%dma_wait3A_203 : memref<128x128xf32, #tpu.memory_space<vmem>>) dst(%dma_wait3A_200 : memref<128x128xf32, #tpu.memory_space<vmem_shared>>)
      tpu.yield
    }) : () -> ()
    %mul3A_12 = arith.constant 632 : i32
    %mul3A_13 = arith.muli %arg1, %mul3A_12 : i32
    %add3A_14 = arith.constant 128 : i32
    %add3A_15 = arith.addi %mul3A_13, %add3A_14 : i32
    %multiple_of3A_16 = tpu.assume_multiple %add3A_15, 8 : i32
    "tpu.region"() ({
      %run_scoped3A = tpu.sem_alloc : memref<!tpu.dma_semaphore, #tpu.memory_space<semaphore_mem>>
      %dma_start3A = arith.constant 0 : i32
      %dma_start3A_186 = arith.constant 0 : i32
      %dma_start3A_187 = tpu.memref_slice %arg14[%dma_start3A, %dma_start3A_186] : memref<128x128xf32, #tpu.memory_space<vmem>> -> memref<128x128xf32, #tpu.memory_space<vmem>>
      %dma_start3A_188 = arith.constant 0 : i32
      %dma_start3A_189 = tpu.memref_slice %arg17[%multiple_of3A_16, %dma_start3A_188] : memref<10112x128xf32, #tpu.memory_space<vmem_shared>> -> memref<128x128xf32, #tpu.memory_space<vmem_shared>>
      %dma_start3A_190 = arith.constant 0 : i32
      %dma_start3A_191 = tpu.memref_slice %arg17[%multiple_of3A_16, %dma_start3A_190] : memref<10112x128xf32, #tpu.memory_space<vmem_shared>> -> memref<128x128xf32, #tpu.memory_space<vmem_shared>>
      %dma_start3A_192 = arith.constant 0 : i32
      %dma_start3A_193 = arith.constant 0 : i32
      %dma_start3A_194 = tpu.memref_slice %arg14[%dma_start3A_192, %dma_start3A_193] : memref<128x128xf32, #tpu.memory_space<vmem>> -> memref<128x128xf32, #tpu.memory_space<vmem>>
      tpu.enqueue_dma source(%dma_start3A_194 : memref<128x128xf32, #tpu.memory_space<vmem>>) target(%dma_start3A_191 : memref<128x128xf32, #tpu.memory_space<vmem_shared>>) target_semaphore(%run_scoped3A : memref<!tpu.dma_semaphore, #tpu.memory_space<semaphore_mem>>)
      %dma_wait3A = arith.constant 0 : i32
      %dma_wait3A_195 = arith.constant 0 : i32
      %dma_wait3A_196 = tpu.memref_slice %arg14[%dma_wait3A, %dma_wait3A_195] : memref<128x128xf32, #tpu.memory_space<vmem>> -> memref<128x128xf32, #tpu.memory_space<vmem>>
      %dma_wait3A_197 = arith.constant 0 : i32
      %dma_wait3A_198 = tpu.memref_slice %arg17[%multiple_of3A_16, %dma_wait3A_197] : memref<10112x128xf32, #tpu.memory_space<vmem_shared>> -> memref<128x128xf32, #tpu.memory_space<vmem_shared>>
      %dma_wait3A_199 = arith.constant 0 : i32
      %dma_wait3A_200 = tpu.memref_slice %arg17[%multiple_of3A_16, %dma_wait3A_199] : memref<10112x128xf32, #tpu.memory_space<vmem_shared>> -> memref<128x128xf32, #tpu.memory_space<vmem_shared>>
      %dma_wait3A_201 = arith.constant 0 : i32
      %dma_wait3A_202 = arith.constant 0 : i32
      %dma_wait3A_203 = tpu.memref_slice %arg14[%dma_wait3A_201, %dma_wait3A_202] : memref<128x128xf32, #tpu.memory_space<vmem>> -> memref<128x128xf32, #tpu.memory_space<vmem>>
      tpu.wait_dma2 semaphore(%run_scoped3A : memref<!tpu.dma_semaphore, #tpu.memory_space<semaphore_mem>>) src(%dma_wait3A_203 : memref<128x128xf32, #tpu.memory_space<vmem>>) dst(%dma_wait3A_200 : memref<128x128xf32, #tpu.memory_space<vmem_shared>>)
      tpu.yield
    }) : () -> ()
    %mul3A_17 = arith.constant 632 : i32
    %mul3A_18 = arith.muli %arg1, %mul3A_17 : i32
    %add3A_19 = arith.constant 256 : i32
    %add3A_20 = arith.addi %mul3A_18, %add3A_19 : i32
    %multiple_of3A_21 = tpu.assume_multiple %add3A_20, 8 : i32
    "tpu.region"() ({
      %run_scoped3A = tpu.sem_alloc : memref<!tpu.dma_semaphore, #tpu.memory_space<semaphore_mem>>
      %dma_start3A = arith.constant 0 : i32
      %dma_start3A_186 = arith.constant 0 : i32
      %dma_start3A_187 = tpu.memref_slice %arg14[%dma_start3A, %dma_start3A_186] : memref<128x128xf32, #tpu.memory_space<vmem>> -> memref<128x128xf32, #tpu.memory_space<vmem>>
      %dma_start3A_188 = arith.constant 0 : i32
      %dma_start3A_189 = tpu.memref_slice %arg17[%multiple_of3A_21, %dma_start3A_188] : memref<10112x128xf32, #tpu.memory_space<vmem_shared>> -> memref<128x128xf32, #tpu.memory_space<vmem_shared>>
      %dma_start3A_190 = arith.constant 0 : i32
      %dma_start3A_191 = tpu.memref_slice %arg17[%multiple_of3A_21, %dma_start3A_190] : memref<10112x128xf32, #tpu.memory_space<vmem_shared>> -> memref<128x128xf32, #tpu.memory_space<vmem_shared>>
      %dma_start3A_192 = arith.constant 0 : i32
      %dma_start3A_193 = arith.constant 0 : i32
      %dma_start3A_194 = tpu.memref_slice %arg14[%dma_start3A_192, %dma_start3A_193] : memref<128x128xf32, #tpu.memory_space<vmem>> -> memref<128x128xf32, #tpu.memory_space<vmem>>
      tpu.enqueue_dma source(%dma_start3A_194 : memref<128x128xf32, #tpu.memory_space<vmem>>) target(%dma_start3A_191 : memref<128x128xf32, #tpu.memory_space<vmem_shared>>) target_semaphore(%run_scoped3A : memref<!tpu.dma_semaphore, #tpu.memory_space<semaphore_mem>>)
      %dma_wait3A = arith.constant 0 : i32
      %dma_wait3A_195 = arith.constant 0 : i32
      %dma_wait3A_196 = tpu.memref_slice %arg14[%dma_wait3A, %dma_wait3A_195] : memref<128x128xf32, #tpu.memory_space<vmem>> -> memref<128x128xf32, #tpu.memory_space<vmem>>
      %dma_wait3A_197 = arith.constant 0 : i32
      %dma_wait3A_198 = tpu.memref_slice %arg17[%multiple_of3A_21, %dma_wait3A_197] : memref<10112x128xf32, #tpu.memory_space<vmem_shared>> -> memref<128x128xf32, #tpu.memory_space<vmem_shared>>
      %dma_wait3A_199 = arith.constant 0 : i32
      %dma_wait3A_200 = tpu.memref_slice %arg17[%multiple_of3A_21, %dma_wait3A_199] : memref<10112x128xf32, #tpu.memory_space<vmem_shared>> -> memref<128x128xf32, #tpu.memory_space<vmem_shared>>
      %dma_wait3A_201 = arith.constant 0 : i32
      %dma_wait3A_202 = arith.constant 0 : i32
      %dma_wait3A_203 = tpu.memref_slice %arg14[%dma_wait3A_201, %dma_wait3A_202] : memref<128x128xf32, #tpu.memory_space<vmem>> -> memref<128x128xf32, #tpu.memory_space<vmem>>
      tpu.wait_dma2 semaphore(%run_scoped3A : memref<!tpu.dma_semaphore, #tpu.memory_space<semaphore_mem>>) src(%dma_wait3A_203 : memref<128x128xf32, #tpu.memory_space<vmem>>) dst(%dma_wait3A_200 : memref<128x128xf32, #tpu.memory_space<vmem_shared>>)
      tpu.yield
    }) : () -> ()
    %mul3A_22 = arith.constant 632 : i32
    %mul3A_23 = arith.muli %arg1, %mul3A_22 : i32
    %add3A_24 = arith.constant 384 : i32
    %add3A_25 = arith.addi %mul3A_23, %add3A_24 : i32
    %multiple_of3A_26 = tpu.assume_multiple %add3A_25, 8 : i32
    "tpu.region"() ({
      %run_scoped3A = tpu.sem_alloc : memref<!tpu.dma_semaphore, #tpu.memory_space<semaphore_mem>>
      %dma_start3A = arith.constant 0 : i32
      %dma_start3A_186 = arith.constant 0 : i32
      %dma_start3A_187 = tpu.memref_slice %arg14[%dma_start3A, %dma_start3A_186] : memref<128x128xf32, #tpu.memory_space<vmem>> -> memref<128x128xf32, #tpu.memory_space<vmem>>
      %dma_start3A_188 = arith.constant 0 : i32
      %dma_start3A_189 = tpu.memref_slice %arg17[%multiple_of3A_26, %dma_start3A_188] : memref<10112x128xf32, #tpu.memory_space<vmem_shared>> -> memref<128x128xf32, #tpu.memory_space<vmem_shared>>
      %dma_start3A_190 = arith.constant 0 : i32
      %dma_start3A_191 = tpu.memref_slice %arg17[%multiple_of3A_26, %dma_start3A_190] : memref<10112x128xf32, #tpu.memory_space<vmem_shared>> -> memref<128x128xf32, #tpu.memory_space<vmem_shared>>
      %dma_start3A_192 = arith.constant 0 : i32
      %dma_start3A_193 = arith.constant 0 : i32
      %dma_start3A_194 = tpu.memref_slice %arg14[%dma_start3A_192, %dma_start3A_193] : memref<128x128xf32, #tpu.memory_space<vmem>> -> memref<128x128xf32, #tpu.memory_space<vmem>>
      tpu.enqueue_dma source(%dma_start3A_194 : memref<128x128xf32, #tpu.memory_space<vmem>>) target(%dma_start3A_191 : memref<128x128xf32, #tpu.memory_space<vmem_shared>>) target_semaphore(%run_scoped3A : memref<!tpu.dma_semaphore, #tpu.memory_space<semaphore_mem>>)
      %dma_wait3A = arith.constant 0 : i32
      %dma_wait3A_195 = arith.constant 0 : i32
      %dma_wait3A_196 = tpu.memref_slice %arg14[%dma_wait3A, %dma_wait3A_195] : memref<128x128xf32, #tpu.memory_space<vmem>> -> memref<128x128xf32, #tpu.memory_space<vmem>>
      %dma_wait3A_197 = arith.constant 0 : i32
      %dma_wait3A_198 = tpu.memref_slice %arg17[%multiple_of3A_26, %dma_wait3A_197] : memref<10112x128xf32, #tpu.memory_space<vmem_shared>> -> memref<128x128xf32, #tpu.memory_space<vmem_shared>>
      %dma_wait3A_199 = arith.constant 0 : i32
      %dma_wait3A_200 = tpu.memref_slice %arg17[%multiple_of3A_26, %dma_wait3A_199] : memref<10112x128xf32, #tpu.memory_space<vmem_shared>> -> memref<128x128xf32, #tpu.memory_space<vmem_shared>>
      %dma_wait3A_201 = arith.constant 0 : i32
      %dma_wait3A_202 = arith.constant 0 : i32
      %dma_wait3A_203 = tpu.memref_slice %arg14[%dma_wait3A_201, %dma_wait3A_202] : memref<128x128xf32, #tpu.memory_space<vmem>> -> memref<128x128xf32, #tpu.memory_space<vmem>>
      tpu.wait_dma2 semaphore(%run_scoped3A : memref<!tpu.dma_semaphore, #tpu.memory_space<semaphore_mem>>) src(%dma_wait3A_203 : memref<128x128xf32, #tpu.memory_space<vmem>>) dst(%dma_wait3A_200 : memref<128x128xf32, #tpu.memory_space<vmem_shared>>)
      tpu.yield
    }) : () -> ()
    %mul3A_27 = arith.constant 632 : i32
    %mul3A_28 = arith.muli %arg1, %mul3A_27 : i32
    %add3A_29 = arith.constant 512 : i32
    %add3A_30 = arith.addi %mul3A_28, %add3A_29 : i32
    %multiple_of3A_31 = tpu.assume_multiple %add3A_30, 8 : i32
    "tpu.region"() ({
      %run_scoped3A = tpu.sem_alloc : memref<!tpu.dma_semaphore, #tpu.memory_space<semaphore_mem>>
      %dma_start3A = arith.constant 0 : i32
      %dma_start3A_186 = arith.constant 0 : i32
      %dma_start3A_187 = tpu.memref_slice %arg14[%dma_start3A, %dma_start3A_186] : memref<128x128xf32, #tpu.memory_space<vmem>> -> memref<120x128xf32, #tpu.memory_space<vmem>>
      %dma_start3A_188 = arith.constant 0 : i32
      %dma_start3A_189 = tpu.memref_slice %arg17[%multiple_of3A_31, %dma_start3A_188] : memref<10112x128xf32, #tpu.memory_space<vmem_shared>> -> memref<120x128xf32, #tpu.memory_space<vmem_shared>>
      %dma_start3A_190 = arith.constant 0 : i32
      %dma_start3A_191 = tpu.memref_slice %arg17[%multiple_of3A_31, %dma_start3A_190] : memref<10112x128xf32, #tpu.memory_space<vmem_shared>> -> memref<120x128xf32, #tpu.memory_space<vmem_shared>>
      %dma_start3A_192 = arith.constant 0 : i32
      %dma_start3A_193 = arith.constant 0 : i32
      %dma_start3A_194 = tpu.memref_slice %arg14[%dma_start3A_192, %dma_start3A_193] : memref<128x128xf32, #tpu.memory_space<vmem>> -> memref<120x128xf32, #tpu.memory_space<vmem>>
      tpu.enqueue_dma source(%dma_start3A_194 : memref<120x128xf32, #tpu.memory_space<vmem>>) target(%dma_start3A_191 : memref<120x128xf32, #tpu.memory_space<vmem_shared>>) target_semaphore(%run_scoped3A : memref<!tpu.dma_semaphore, #tpu.memory_space<semaphore_mem>>)
      %dma_wait3A = arith.constant 0 : i32
      %dma_wait3A_195 = arith.constant 0 : i32
      %dma_wait3A_196 = tpu.memref_slice %arg14[%dma_wait3A, %dma_wait3A_195] : memref<128x128xf32, #tpu.memory_space<vmem>> -> memref<120x128xf32, #tpu.memory_space<vmem>>
      %dma_wait3A_197 = arith.constant 0 : i32
      %dma_wait3A_198 = tpu.memref_slice %arg17[%multiple_of3A_31, %dma_wait3A_197] : memref<10112x128xf32, #tpu.memory_space<vmem_shared>> -> memref<120x128xf32, #tpu.memory_space<vmem_shared>>
      %dma_wait3A_199 = arith.constant 0 : i32
      %dma_wait3A_200 = tpu.memref_slice %arg17[%multiple_of3A_31, %dma_wait3A_199] : memref<10112x128xf32, #tpu.memory_space<vmem_shared>> -> memref<120x128xf32, #tpu.memory_space<vmem_shared>>
      %dma_wait3A_201 = arith.constant 0 : i32
      %dma_wait3A_202 = arith.constant 0 : i32
      %dma_wait3A_203 = tpu.memref_slice %arg14[%dma_wait3A_201, %dma_wait3A_202] : memref<128x128xf32, #tpu.memory_space<vmem>> -> memref<120x128xf32, #tpu.memory_space<vmem>>
      tpu.wait_dma2 semaphore(%run_scoped3A : memref<!tpu.dma_semaphore, #tpu.memory_space<semaphore_mem>>) src(%dma_wait3A_203 : memref<120x128xf32, #tpu.memory_space<vmem>>) dst(%dma_wait3A_200 : memref<120x128xf32, #tpu.memory_space<vmem_shared>>)
      tpu.yield
    }) : () -> ()
    %barrier3A = arith.constant 0 : index
    tpu.barrier barrier_id(%barrier3A)
    %mul3A_32 = arith.constant 51 : i32
    %mul3A_33 = arith.muli %arg1, %mul3A_32 : i32
    %mul3A_34 = arith.constant 29 : i32
    %mul3A_35 = arith.muli %arg1, %mul3A_34 : i32
    %add3A_36 = arith.constant 816 : i32
    %add3A_37 = arith.addi %add3A_36, %mul3A_35 : i32
    %eq3A = arith.constant 0 : i32
    %eq3A_38 = arith.cmpi eq, %arg0, %eq3A : i32
    %convert_element_type3A_39 = arith.extui %eq3A_38 : i1 to i32
    %cond3A = arith.constant 0 : i32
    %cond3A_40 = arith.cmpi ne, %convert_element_type3A_39, %cond3A : i32
    scf.if %cond3A_40 {
      %scan3A_186 = arith.constant 0 : i32
      %scan3A_187 = arith.constant 0 : i32
      %scan3A_188 = arith.constant 51 : i32
      %scan3A_189 = arith.addi %scan3A_187, %scan3A_188 : i32
      %scan3A_190 = arith.constant 1 : i32
      scf.for %scan3A_192 = %scan3A_187 to %scan3A_189 step %scan3A_190  : i32 {
        %add3A_193 = arith.addi %mul3A_33, %scan3A_192 : i32
        %mul3A_194 = arith.constant 128 : i32
        %mul3A_195 = arith.muli %add3A_193, %mul3A_194 : i32
        %multiple_of3A_196 = tpu.assume_multiple %mul3A_195, 8 : i32
        "tpu.region"() ({
          %run_scoped3A = tpu.sem_alloc : memref<!tpu.dma_semaphore, #tpu.memory_space<semaphore_mem>>
          %dma_start3A_225 = tpu.memref_slice %arg4[%multiple_of3A_196] : memref<163840xi32, #tpu.memory_space<hbm>> -> memref<128xi32, #tpu.memory_space<hbm>>
          %dma_start3A_226 = tpu.memref_slice %arg4[%multiple_of3A_196] : memref<163840xi32, #tpu.memory_space<hbm>> -> memref<128xi32, #tpu.memory_space<hbm>>
          tpu.enqueue_dma source(%dma_start3A_226 : memref<128xi32, #tpu.memory_space<hbm>>) target(%arg9 : memref<128xi32, #tpu.memory_space<vmem>>) target_semaphore(%run_scoped3A : memref<!tpu.dma_semaphore, #tpu.memory_space<semaphore_mem>>)
          %dma_wait3A_227 = tpu.memref_slice %arg4[%multiple_of3A_196] : memref<163840xi32, #tpu.memory_space<hbm>> -> memref<128xi32, #tpu.memory_space<hbm>>
          %dma_wait3A_228 = tpu.memref_slice %arg4[%multiple_of3A_196] : memref<163840xi32, #tpu.memory_space<hbm>> -> memref<128xi32, #tpu.memory_space<hbm>>
          tpu.wait_dma2 semaphore(%run_scoped3A : memref<!tpu.dma_semaphore, #tpu.memory_space<semaphore_mem>>) src(%dma_wait3A_228 : memref<128xi32, #tpu.memory_space<hbm>>) dst(%arg9 : memref<128xi32, #tpu.memory_space<vmem>>)
          tpu.yield
        }) : () -> ()
        "tpu.region"() ({
          %run_scoped3A = tpu.sem_alloc : memref<!tpu.dma_semaphore, #tpu.memory_space<semaphore_mem>>
          %dma_start3A_225 = tpu.memref_slice %arg5[%multiple_of3A_196] : memref<163840xi32, #tpu.memory_space<hbm>> -> memref<128xi32, #tpu.memory_space<hbm>>
          %dma_start3A_226 = tpu.memref_slice %arg5[%multiple_of3A_196] : memref<163840xi32, #tpu.memory_space<hbm>> -> memref<128xi32, #tpu.memory_space<hbm>>
          tpu.enqueue_dma source(%dma_start3A_226 : memref<128xi32, #tpu.memory_space<hbm>>) target(%arg10 : memref<128xi32, #tpu.memory_space<vmem>>) target_semaphore(%run_scoped3A : memref<!tpu.dma_semaphore, #tpu.memory_space<semaphore_mem>>)
          %dma_wait3A_227 = tpu.memref_slice %arg5[%multiple_of3A_196] : memref<163840xi32, #tpu.memory_space<hbm>> -> memref<128xi32, #tpu.memory_space<hbm>>
          %dma_wait3A_228 = tpu.memref_slice %arg5[%multiple_of3A_196] : memref<163840xi32, #tpu.memory_space<hbm>> -> memref<128xi32, #tpu.memory_space<hbm>>
          tpu.wait_dma2 semaphore(%run_scoped3A : memref<!tpu.dma_semaphore, #tpu.memory_space<semaphore_mem>>) src(%dma_wait3A_228 : memref<128xi32, #tpu.memory_space<hbm>>) dst(%arg10 : memref<128xi32, #tpu.memory_space<vmem>>)
          tpu.yield
        }) : () -> ()
        "tpu.region"() ({
          %run_scoped3A = tpu.sem_alloc : memref<!tpu.dma_semaphore, #tpu.memory_space<semaphore_mem>>
          %dma_start3A_225 = tpu.memref_slice %arg6[%multiple_of3A_196] : memref<163840xi32, #tpu.memory_space<hbm>> -> memref<128xi32, #tpu.memory_space<hbm>>
          %dma_start3A_226 = tpu.memref_slice %arg6[%multiple_of3A_196] : memref<163840xi32, #tpu.memory_space<hbm>> -> memref<128xi32, #tpu.memory_space<hbm>>
          tpu.enqueue_dma source(%dma_start3A_226 : memref<128xi32, #tpu.memory_space<hbm>>) target(%arg11 : memref<128xi32, #tpu.memory_space<vmem>>) target_semaphore(%run_scoped3A : memref<!tpu.dma_semaphore, #tpu.memory_space<semaphore_mem>>)
          %dma_wait3A_227 = tpu.memref_slice %arg6[%multiple_of3A_196] : memref<163840xi32, #tpu.memory_space<hbm>> -> memref<128xi32, #tpu.memory_space<hbm>>
          %dma_wait3A_228 = tpu.memref_slice %arg6[%multiple_of3A_196] : memref<163840xi32, #tpu.memory_space<hbm>> -> memref<128xi32, #tpu.memory_space<hbm>>
          tpu.wait_dma2 semaphore(%run_scoped3A : memref<!tpu.dma_semaphore, #tpu.memory_space<semaphore_mem>>) src(%dma_wait3A_228 : memref<128xi32, #tpu.memory_space<hbm>>) dst(%arg11 : memref<128xi32, #tpu.memory_space<vmem>>)
          tpu.yield
        }) : () -> ()
        %scan3A_197 = arith.constant 0 : i32
        %scan3A_198 = arith.constant 0 : i32
        %scan3A_199 = arith.constant 8 : i32
        %scan3A_200 = arith.addi %scan3A_198, %scan3A_199 : i32
        %scan3A_201 = arith.constant 1 : i32
        scf.for %scan3A_225 = %scan3A_198 to %scan3A_200 step %scan3A_201  : i32 {
          %mul3A_226 = arith.constant 16 : i32
          %mul3A_227 = arith.muli %scan3A_225, %mul3A_226 : i32
          %get3A = arith.index_cast %mul3A_227 : i32 to index
          %get3A_228 = tpu.vector_load %arg11[%get3A] {strides = array<i32>} : memref<128xi32, #tpu.memory_space<vmem>>, vector<16xi32>,
          %get3A_229 = vector.shape_cast %get3A_228 : vector<16xi32> to vector<16xi32>
          %mul3A_230 = arith.constant 10000 : i32
          %mul3A_231 = vector.broadcast %mul3A_230 : i32 to vector<16xi32>
          %mul3A_232 = arith.muli %get3A_229, %mul3A_231 : vector<16xi32>
          %get3A_233 = arith.index_cast %mul3A_227 : i32 to index
          %get3A_234 = tpu.vector_load %arg10[%get3A_233] {strides = array<i32>} : memref<128xi32, #tpu.memory_space<vmem>>, vector<16xi32>,
          %get3A_235 = vector.shape_cast %get3A_234 : vector<16xi32> to vector<16xi32>
          %add3A_236 = arith.addi %mul3A_232, %get3A_235 : vector<16xi32>
          %swap3A = arith.index_cast %mul3A_227 : i32 to index
          %swap3A_237 = tpu.vector_load %arg12[%swap3A] {strides = array<i32>} : memref<128xi32, #tpu.memory_space<vmem>>, vector<16xi32>,
          %swap3A_238 = vector.shape_cast %swap3A_237 : vector<16xi32> to vector<16xi32>
          %swap3A_239 = vector.shape_cast %add3A_236 : vector<16xi32> to vector<16xi32>
          tpu.vector_store %arg12[%swap3A], %swap3A_239 {strides = array<i32>} : memref<128xi32, #tpu.memory_space<vmem>>, vector<16xi32>,
          %add3A_240 = arith.constant 4 : i32
          %add3A_241 = vector.broadcast %add3A_240 : i32 to vector<16xi32>
          %add3A_242 = arith.addi %get3A_229, %add3A_241 : vector<16xi32>
          %mul3A_243 = arith.constant 10000 : i32
          %mul3A_244 = vector.broadcast %mul3A_243 : i32 to vector<16xi32>
          %mul3A_245 = arith.muli %add3A_242, %mul3A_244 : vector<16xi32>
          %get3A_246 = arith.index_cast %mul3A_227 : i32 to index
          %get3A_247 = tpu.vector_load %arg9[%get3A_246] {strides = array<i32>} : memref<128xi32, #tpu.memory_space<vmem>>, vector<16xi32>,
          %get3A_248 = vector.shape_cast %get3A_247 : vector<16xi32> to vector<16xi32>
          %add3A_249 = arith.addi %mul3A_245, %get3A_248 : vector<16xi32>
          %swap3A_250 = arith.index_cast %mul3A_227 : i32 to index
          %swap3A_251 = tpu.vector_load %arg13[%swap3A_250] {strides = array<i32>} : memref<128xi32, #tpu.memory_space<vmem>>, vector<16xi32>,
          %swap3A_252 = vector.shape_cast %swap3A_251 : vector<16xi32> to vector<16xi32>
          %swap3A_253 = vector.shape_cast %add3A_249 : vector<16xi32> to vector<16xi32>
          tpu.vector_store %arg13[%swap3A_250], %swap3A_253 {strides = array<i32>} : memref<128xi32, #tpu.memory_space<vmem>>, vector<16xi32>,
        }
        %scan3A_202 = arith.constant 8 : i32
        %dma_start3A = arith.constant 0 : i32
        %dma_start3A_203 = arith.constant 0 : i32
        %dma_start3A_204 = tpu.memref_slice %arg2[%dma_start3A, %dma_start3A_203] : memref<80000x128xf32, #tpu.memory_space<hbm>> -> memref<80000x128xf32, #tpu.memory_space<hbm>>
        tpu.enqueue_indirect_dma source(%dma_start3A_204 : memref<80000x128xf32, #tpu.memory_space<hbm>>) target(%arg14 : memref<128x128xf32, #tpu.memory_space<vmem>>) offsets(%arg12 : memref<128xi32, #tpu.memory_space<vmem>>) semaphore(%arg18 : memref<!tpu.dma_semaphore, #tpu.memory_space<semaphore_mem>>)
        %dma_start3A_205 = arith.constant 0 : i32
        %dma_start3A_206 = arith.constant 0 : i32
        %dma_start3A_207 = tpu.memref_slice %arg2[%dma_start3A_205, %dma_start3A_206] : memref<80000x128xf32, #tpu.memory_space<hbm>> -> memref<80000x128xf32, #tpu.memory_space<hbm>>
        tpu.enqueue_indirect_dma source(%dma_start3A_207 : memref<80000x128xf32, #tpu.memory_space<hbm>>) target(%arg15 : memref<128x128xf32, #tpu.memory_space<vmem>>) offsets(%arg13 : memref<128xi32, #tpu.memory_space<vmem>>) semaphore(%arg19 : memref<!tpu.dma_semaphore, #tpu.memory_space<semaphore_mem>>)
        %dma_start3A_208 = arith.constant 0 : i32
        %dma_start3A_209 = arith.constant 0 : i32
        %dma_start3A_210 = tpu.memref_slice %arg3[%dma_start3A_208, %dma_start3A_209] : memref<10000x128xf32, #tpu.memory_space<hbm>> -> memref<10000x128xf32, #tpu.memory_space<hbm>>
        tpu.enqueue_indirect_dma source(%dma_start3A_210 : memref<10000x128xf32, #tpu.memory_space<hbm>>) target(%arg16 : memref<128x128xf32, #tpu.memory_space<vmem>>) offsets(%arg9 : memref<128xi32, #tpu.memory_space<vmem>>) semaphore(%arg20 : memref<!tpu.dma_semaphore, #tpu.memory_space<semaphore_mem>>)
        %dma_wait3A = arith.constant 0 : i32
        %dma_wait3A_211 = arith.constant 0 : i32
        %dma_wait3A_212 = tpu.memref_slice %arg2[%dma_wait3A, %dma_wait3A_211] : memref<80000x128xf32, #tpu.memory_space<hbm>> -> memref<80000x128xf32, #tpu.memory_space<hbm>>
        tpu.wait_indirect_dma semaphore(%arg18 : memref<!tpu.dma_semaphore, #tpu.memory_space<semaphore_mem>>) src(%dma_wait3A_212 : memref<80000x128xf32, #tpu.memory_space<hbm>>) dst(%arg14 : memref<128x128xf32, #tpu.memory_space<vmem>>)
        %dma_wait3A_213 = arith.constant 0 : i32
        %dma_wait3A_214 = arith.constant 0 : i32
        %dma_wait3A_215 = tpu.memref_slice %arg2[%dma_wait3A_213, %dma_wait3A_214] : memref<80000x128xf32, #tpu.memory_space<hbm>> -> memref<80000x128xf32, #tpu.memory_space<hbm>>
        tpu.wait_indirect_dma semaphore(%arg19 : memref<!tpu.dma_semaphore, #tpu.memory_space<semaphore_mem>>) src(%dma_wait3A_215 : memref<80000x128xf32, #tpu.memory_space<hbm>>) dst(%arg15 : memref<128x128xf32, #tpu.memory_space<vmem>>)
        %dma_wait3A_216 = arith.constant 0 : i32
        %dma_wait3A_217 = arith.constant 0 : i32
        %dma_wait3A_218 = tpu.memref_slice %arg3[%dma_wait3A_216, %dma_wait3A_217] : memref<10000x128xf32, #tpu.memory_space<hbm>> -> memref<10000x128xf32, #tpu.memory_space<hbm>>
        tpu.wait_indirect_dma semaphore(%arg20 : memref<!tpu.dma_semaphore, #tpu.memory_space<semaphore_mem>>) src(%dma_wait3A_218 : memref<10000x128xf32, #tpu.memory_space<hbm>>) dst(%arg16 : memref<128x128xf32, #tpu.memory_space<vmem>>)
        %scan3A_219 = arith.constant 0 : i32
        %scan3A_220 = arith.constant 0 : i32
        %scan3A_221 = arith.constant 128 : i32
        %scan3A_222 = arith.addi %scan3A_220, %scan3A_221 : i32
        %scan3A_223 = arith.constant 1 : i32
        scf.for %scan3A_225 = %scan3A_220 to %scan3A_222 step %scan3A_223  : i32 {
          %get3A = arith.index_cast %scan3A_225 : i32 to index
          %get3A_226 = arith.constant 0 : index
          %get3A_227 = tpu.vector_load %arg14[%get3A, %get3A_226] {strides = array<i32>} : memref<128x128xf32, #tpu.memory_space<vmem>>, vector<1x16xf32>,
          %get3A_228 = vector.shape_cast %get3A_227 : vector<1x16xf32> to vector<16xf32>
          %get3A_229 = arith.index_cast %scan3A_225 : i32 to index
          %get3A_230 = arith.constant 0 : index
          %get3A_231 = tpu.vector_load %arg15[%get3A_229, %get3A_230] {strides = array<i32>} : memref<128x128xf32, #tpu.memory_space<vmem>>, vector<1x16xf32>,
          %get3A_232 = vector.shape_cast %get3A_231 : vector<1x16xf32> to vector<16xf32>
          %add3A_233 = arith.addf %get3A_228, %get3A_232 : vector<16xf32>
          %neg3A = arith.constant 0.000000e+00 : f32
          %neg3A_234 = vector.broadcast %neg3A : f32 to vector<16xf32>
          %neg3A_235 = arith.subf %neg3A_234, %add3A_233 : vector<16xf32>
          %exp3A = math.exp %neg3A_235 : vector<16xf32>
          %add3A_236 = arith.constant 1.000000e+00 : f32
          %add3A_237 = vector.broadcast %add3A_236 : f32 to vector<16xf32>
          %add3A_238 = arith.addf %add3A_237, %exp3A : vector<16xf32>
          %div3A = arith.constant 1.000000e+00 : f32
          %div3A_239 = vector.broadcast %div3A : f32 to vector<16xf32>
          %div3A_240 = arith.divf %div3A_239, %add3A_238 : vector<16xf32>
          %get3A_241 = arith.index_cast %scan3A_225 : i32 to index
          %get3A_242 = arith.constant 0 : index
          %get3A_243 = tpu.vector_load %arg16[%get3A_241, %get3A_242] {strides = array<i32>} : memref<128x128xf32, #tpu.memory_space<vmem>>, vector<1x16xf32>,
          %get3A_244 = vector.shape_cast %get3A_243 : vector<1x16xf32> to vector<16xf32>
          %mul3A_245 = arith.mulf %get3A_244, %div3A_240 : vector<16xf32>
          %swap3A = arith.index_cast %scan3A_225 : i32 to index
          %swap3A_246 = arith.constant 0 : index
          %swap3A_247 = tpu.vector_load %arg14[%swap3A, %swap3A_246] {strides = array<i32>} : memref<128x128xf32, #tpu.memory_space<vmem>>, vector<1x16xf32>,
          %swap3A_248 = vector.shape_cast %swap3A_247 : vector<1x16xf32> to vector<16xf32>
          %swap3A_249 = vector.shape_cast %mul3A_245 : vector<16xf32> to vector<1x16xf32>
          tpu.vector_store %arg14[%swap3A, %swap3A_246], %swap3A_249 {strides = array<i32>} : memref<128x128xf32, #tpu.memory_space<vmem>>, vector<1x16xf32>,
          %get3A_250 = arith.index_cast %scan3A_225 : i32 to index
          %get3A_251 = arith.constant 16 : index
          %get3A_252 = tpu.vector_load %arg14[%get3A_250, %get3A_251] {strides = array<i32>} : memref<128x128xf32, #tpu.memory_space<vmem>>, vector<1x16xf32>,
          %get3A_253 = vector.shape_cast %get3A_252 : vector<1x16xf32> to vector<16xf32>
          %get3A_254 = arith.index_cast %scan3A_225 : i32 to index
          %get3A_255 = arith.constant 16 : index
          %get3A_256 = tpu.vector_load %arg15[%get3A_254, %get3A_255] {strides = array<i32>} : memref<128x128xf32, #tpu.memory_space<vmem>>, vector<1x16xf32>,
          %get3A_257 = vector.shape_cast %get3A_256 : vector<1x16xf32> to vector<16xf32>
          %add3A_258 = arith.addf %get3A_253, %get3A_257 : vector<16xf32>
          %neg3A_259 = arith.constant 0.000000e+00 : f32
          %neg3A_260 = vector.broadcast %neg3A_259 : f32 to vector<16xf32>
          %neg3A_261 = arith.subf %neg3A_260, %add3A_258 : vector<16xf32>
          %exp3A_262 = math.exp %neg3A_261 : vector<16xf32>
          %add3A_263 = arith.constant 1.000000e+00 : f32
          %add3A_264 = vector.broadcast %add3A_263 : f32 to vector<16xf32>
          %add3A_265 = arith.addf %add3A_264, %exp3A_262 : vector<16xf32>
          %div3A_266 = arith.constant 1.000000e+00 : f32
          %div3A_267 = vector.broadcast %div3A_266 : f32 to vector<16xf32>
          %div3A_268 = arith.divf %div3A_267, %add3A_265 : vector<16xf32>
          %get3A_269 = arith.index_cast %scan3A_225 : i32 to index
          %get3A_270 = arith.constant 16 : index
          %get3A_271 = tpu.vector_load %arg16[%get3A_269, %get3A_270] {strides = array<i32>} : memref<128x128xf32, #tpu.memory_space<vmem>>, vector<1x16xf32>,
          %get3A_272 = vector.shape_cast %get3A_271 : vector<1x16xf32> to vector<16xf32>
          %mul3A_273 = arith.mulf %get3A_272, %div3A_268 : vector<16xf32>
          %swap3A_274 = arith.index_cast %scan3A_225 : i32 to index
          %swap3A_275 = arith.constant 16 : index
          %swap3A_276 = tpu.vector_load %arg14[%swap3A_274, %swap3A_275] {strides = array<i32>} : memref<128x128xf32, #tpu.memory_space<vmem>>, vector<1x16xf32>,
          %swap3A_277 = vector.shape_cast %swap3A_276 : vector<1x16xf32> to vector<16xf32>
          %swap3A_278 = vector.shape_cast %mul3A_273 : vector<16xf32> to vector<1x16xf32>
          tpu.vector_store %arg14[%swap3A_274, %swap3A_275], %swap3A_278 {strides = array<i32>} : memref<128x128xf32, #tpu.memory_space<vmem>>, vector<1x16xf32>,
          %get3A_279 = arith.index_cast %scan3A_225 : i32 to index
          %get3A_280 = arith.constant 32 : index
          %get3A_281 = tpu.vector_load %arg14[%get3A_279, %get3A_280] {strides = array<i32>} : memref<128x128xf32, #tpu.memory_space<vmem>>, vector<1x16xf32>,
          %get3A_282 = vector.shape_cast %get3A_281 : vector<1x16xf32> to vector<16xf32>
          %get3A_283 = arith.index_cast %scan3A_225 : i32 to index
          %get3A_284 = arith.constant 32 : index
          %get3A_285 = tpu.vector_load %arg15[%get3A_283, %get3A_284] {strides = array<i32>} : memref<128x128xf32, #tpu.memory_space<vmem>>, vector<1x16xf32>,
          %get3A_286 = vector.shape_cast %get3A_285 : vector<1x16xf32> to vector<16xf32>
          %add3A_287 = arith.addf %get3A_282, %get3A_286 : vector<16xf32>
          %neg3A_288 = arith.constant 0.000000e+00 : f32
          %neg3A_289 = vector.broadcast %neg3A_288 : f32 to vector<16xf32>
          %neg3A_290 = arith.subf %neg3A_289, %add3A_287 : vector<16xf32>
          %exp3A_291 = math.exp %neg3A_290 : vector<16xf32>
          %add3A_292 = arith.constant 1.000000e+00 : f32
          %add3A_293 = vector.broadcast %add3A_292 : f32 to vector<16xf32>
          %add3A_294 = arith.addf %add3A_293, %exp3A_291 : vector<16xf32>
          %div3A_295 = arith.constant 1.000000e+00 : f32
          %div3A_296 = vector.broadcast %div3A_295 : f32 to vector<16xf32>
          %div3A_297 = arith.divf %div3A_296, %add3A_294 : vector<16xf32>
          %get3A_298 = arith.index_cast %scan3A_225 : i32 to index
          %get3A_299 = arith.constant 32 : index
          %get3A_300 = tpu.vector_load %arg16[%get3A_298, %get3A_299] {strides = array<i32>} : memref<128x128xf32, #tpu.memory_space<vmem>>, vector<1x16xf32>,
          %get3A_301 = vector.shape_cast %get3A_300 : vector<1x16xf32> to vector<16xf32>
          %mul3A_302 = arith.mulf %get3A_301, %div3A_297 : vector<16xf32>
          %swap3A_303 = arith.index_cast %scan3A_225 : i32 to index
          %swap3A_304 = arith.constant 32 : index
          %swap3A_305 = tpu.vector_load %arg14[%swap3A_303, %swap3A_304] {strides = array<i32>} : memref<128x128xf32, #tpu.memory_space<vmem>>, vector<1x16xf32>,
          %swap3A_306 = vector.shape_cast %swap3A_305 : vector<1x16xf32> to vector<16xf32>
          %swap3A_307 = vector.shape_cast %mul3A_302 : vector<16xf32> to vector<1x16xf32>
          tpu.vector_store %arg14[%swap3A_303, %swap3A_304], %swap3A_307 {strides = array<i32>} : memref<128x128xf32, #tpu.memory_space<vmem>>, vector<1x16xf32>,
          %get3A_308 = arith.index_cast %scan3A_225 : i32 to index
          %get3A_309 = arith.constant 48 : index
          %get3A_310 = tpu.vector_load %arg14[%get3A_308, %get3A_309] {strides = array<i32>} : memref<128x128xf32, #tpu.memory_space<vmem>>, vector<1x16xf32>,
          %get3A_311 = vector.shape_cast %get3A_310 : vector<1x16xf32> to vector<16xf32>
          %get3A_312 = arith.index_cast %scan3A_225 : i32 to index
          %get3A_313 = arith.constant 48 : index
          %get3A_314 = tpu.vector_load %arg15[%get3A_312, %get3A_313] {strides = array<i32>} : memref<128x128xf32, #tpu.memory_space<vmem>>, vector<1x16xf32>,
          %get3A_315 = vector.shape_cast %get3A_314 : vector<1x16xf32> to vector<16xf32>
          %add3A_316 = arith.addf %get3A_311, %get3A_315 : vector<16xf32>
          %neg3A_317 = arith.constant 0.000000e+00 : f32
          %neg3A_318 = vector.broadcast %neg3A_317 : f32 to vector<16xf32>
          %neg3A_319 = arith.subf %neg3A_318, %add3A_316 : vector<16xf32>
          %exp3A_320 = math.exp %neg3A_319 : vector<16xf32>
          %add3A_321 = arith.constant 1.000000e+00 : f32
          %add3A_322 = vector.broadcast %add3A_321 : f32 to vector<16xf32>
          %add3A_323 = arith.addf %add3A_322, %exp3A_320 : vector<16xf32>
          %div3A_324 = arith.constant 1.000000e+00 : f32
          %div3A_325 = vector.broadcast %div3A_324 : f32 to vector<16xf32>
          %div3A_326 = arith.divf %div3A_325, %add3A_323 : vector<16xf32>
          %get3A_327 = arith.index_cast %scan3A_225 : i32 to index
          %get3A_328 = arith.constant 48 : index
          %get3A_329 = tpu.vector_load %arg16[%get3A_327, %get3A_328] {strides = array<i32>} : memref<128x128xf32, #tpu.memory_space<vmem>>, vector<1x16xf32>,
          %get3A_330 = vector.shape_cast %get3A_329 : vector<1x16xf32> to vector<16xf32>
          %mul3A_331 = arith.mulf %get3A_330, %div3A_326 : vector<16xf32>
          %swap3A_332 = arith.index_cast %scan3A_225 : i32 to index
          %swap3A_333 = arith.constant 48 : index
          %swap3A_334 = tpu.vector_load %arg14[%swap3A_332, %swap3A_333] {strides = array<i32>} : memref<128x128xf32, #tpu.memory_space<vmem>>, vector<1x16xf32>,
          %swap3A_335 = vector.shape_cast %swap3A_334 : vector<1x16xf32> to vector<16xf32>
          %swap3A_336 = vector.shape_cast %mul3A_331 : vector<16xf32> to vector<1x16xf32>
          tpu.vector_store %arg14[%swap3A_332, %swap3A_333], %swap3A_336 {strides = array<i32>} : memref<128x128xf32, #tpu.memory_space<vmem>>, vector<1x16xf32>,
          %get3A_337 = arith.index_cast %scan3A_225 : i32 to index
          %get3A_338 = arith.constant 64 : index
          %get3A_339 = tpu.vector_load %arg14[%get3A_337, %get3A_338] {strides = array<i32>} : memref<128x128xf32, #tpu.memory_space<vmem>>, vector<1x16xf32>,
          %get3A_340 = vector.shape_cast %get3A_339 : vector<1x16xf32> to vector<16xf32>
          %get3A_341 = arith.index_cast %scan3A_225 : i32 to index
          %get3A_342 = arith.constant 64 : index
          %get3A_343 = tpu.vector_load %arg15[%get3A_341, %get3A_342] {strides = array<i32>} : memref<128x128xf32, #tpu.memory_space<vmem>>, vector<1x16xf32>,
          %get3A_344 = vector.shape_cast %get3A_343 : vector<1x16xf32> to vector<16xf32>
          %add3A_345 = arith.addf %get3A_340, %get3A_344 : vector<16xf32>
          %neg3A_346 = arith.constant 0.000000e+00 : f32
          %neg3A_347 = vector.broadcast %neg3A_346 : f32 to vector<16xf32>
          %neg3A_348 = arith.subf %neg3A_347, %add3A_345 : vector<16xf32>
          %exp3A_349 = math.exp %neg3A_348 : vector<16xf32>
          %add3A_350 = arith.constant 1.000000e+00 : f32
          %add3A_351 = vector.broadcast %add3A_350 : f32 to vector<16xf32>
          %add3A_352 = arith.addf %add3A_351, %exp3A_349 : vector<16xf32>
          %div3A_353 = arith.constant 1.000000e+00 : f32
          %div3A_354 = vector.broadcast %div3A_353 : f32 to vector<16xf32>
          %div3A_355 = arith.divf %div3A_354, %add3A_352 : vector<16xf32>
          %get3A_356 = arith.index_cast %scan3A_225 : i32 to index
          %get3A_357 = arith.constant 64 : index
          %get3A_358 = tpu.vector_load %arg16[%get3A_356, %get3A_357] {strides = array<i32>} : memref<128x128xf32, #tpu.memory_space<vmem>>, vector<1x16xf32>,
          %get3A_359 = vector.shape_cast %get3A_358 : vector<1x16xf32> to vector<16xf32>
          %mul3A_360 = arith.mulf %get3A_359, %div3A_355 : vector<16xf32>
          %swap3A_361 = arith.index_cast %scan3A_225 : i32 to index
          %swap3A_362 = arith.constant 64 : index
          %swap3A_363 = tpu.vector_load %arg14[%swap3A_361, %swap3A_362] {strides = array<i32>} : memref<128x128xf32, #tpu.memory_space<vmem>>, vector<1x16xf32>,
          %swap3A_364 = vector.shape_cast %swap3A_363 : vector<1x16xf32> to vector<16xf32>
          %swap3A_365 = vector.shape_cast %mul3A_360 : vector<16xf32> to vector<1x16xf32>
          tpu.vector_store %arg14[%swap3A_361, %swap3A_362], %swap3A_365 {strides = array<i32>} : memref<128x128xf32, #tpu.memory_space<vmem>>, vector<1x16xf32>,
          %get3A_366 = arith.index_cast %scan3A_225 : i32 to index
          %get3A_367 = arith.constant 80 : index
          %get3A_368 = tpu.vector_load %arg14[%get3A_366, %get3A_367] {strides = array<i32>} : memref<128x128xf32, #tpu.memory_space<vmem>>, vector<1x16xf32>,
          %get3A_369 = vector.shape_cast %get3A_368 : vector<1x16xf32> to vector<16xf32>
          %get3A_370 = arith.index_cast %scan3A_225 : i32 to index
          %get3A_371 = arith.constant 80 : index
          %get3A_372 = tpu.vector_load %arg15[%get3A_370, %get3A_371] {strides = array<i32>} : memref<128x128xf32, #tpu.memory_space<vmem>>, vector<1x16xf32>,
          %get3A_373 = vector.shape_cast %get3A_372 : vector<1x16xf32> to vector<16xf32>
          %add3A_374 = arith.addf %get3A_369, %get3A_373 : vector<16xf32>
          %neg3A_375 = arith.constant 0.000000e+00 : f32
          %neg3A_376 = vector.broadcast %neg3A_375 : f32 to vector<16xf32>
          %neg3A_377 = arith.subf %neg3A_376, %add3A_374 : vector<16xf32>
          %exp3A_378 = math.exp %neg3A_377 : vector<16xf32>
          %add3A_379 = arith.constant 1.000000e+00 : f32
          %add3A_380 = vector.broadcast %add3A_379 : f32 to vector<16xf32>
          %add3A_381 = arith.addf %add3A_380, %exp3A_378 : vector<16xf32>
          %div3A_382 = arith.constant 1.000000e+00 : f32
          %div3A_383 = vector.broadcast %div3A_382 : f32 to vector<16xf32>
          %div3A_384 = arith.divf %div3A_383, %add3A_381 : vector<16xf32>
          %get3A_385 = arith.index_cast %scan3A_225 : i32 to index
          %get3A_386 = arith.constant 80 : index
          %get3A_387 = tpu.vector_load %arg16[%get3A_385, %get3A_386] {strides = array<i32>} : memref<128x128xf32, #tpu.memory_space<vmem>>, vector<1x16xf32>,
          %get3A_388 = vector.shape_cast %get3A_387 : vector<1x16xf32> to vector<16xf32>
          %mul3A_389 = arith.mulf %get3A_388, %div3A_384 : vector<16xf32>
          %swap3A_390 = arith.index_cast %scan3A_225 : i32 to index
          %swap3A_391 = arith.constant 80 : index
          %swap3A_392 = tpu.vector_load %arg14[%swap3A_390, %swap3A_391] {strides = array<i32>} : memref<128x128xf32, #tpu.memory_space<vmem>>, vector<1x16xf32>,
          %swap3A_393 = vector.shape_cast %swap3A_392 : vector<1x16xf32> to vector<16xf32>
          %swap3A_394 = vector.shape_cast %mul3A_389 : vector<16xf32> to vector<1x16xf32>
          tpu.vector_store %arg14[%swap3A_390, %swap3A_391], %swap3A_394 {strides = array<i32>} : memref<128x128xf32, #tpu.memory_space<vmem>>, vector<1x16xf32>,
          %get3A_395 = arith.index_cast %scan3A_225 : i32 to index
          %get3A_396 = arith.constant 96 : index
          %get3A_397 = tpu.vector_load %arg14[%get3A_395, %get3A_396] {strides = array<i32>} : memref<128x128xf32, #tpu.memory_space<vmem>>, vector<1x16xf32>,
          %get3A_398 = vector.shape_cast %get3A_397 : vector<1x16xf32> to vector<16xf32>
          %get3A_399 = arith.index_cast %scan3A_225 : i32 to index
          %get3A_400 = arith.constant 96 : index
          %get3A_401 = tpu.vector_load %arg15[%get3A_399, %get3A_400] {strides = array<i32>} : memref<128x128xf32, #tpu.memory_space<vmem>>, vector<1x16xf32>,
          %get3A_402 = vector.shape_cast %get3A_401 : vector<1x16xf32> to vector<16xf32>
          %add3A_403 = arith.addf %get3A_398, %get3A_402 : vector<16xf32>
          %neg3A_404 = arith.constant 0.000000e+00 : f32
          %neg3A_405 = vector.broadcast %neg3A_404 : f32 to vector<16xf32>
          %neg3A_406 = arith.subf %neg3A_405, %add3A_403 : vector<16xf32>
          %exp3A_407 = math.exp %neg3A_406 : vector<16xf32>
          %add3A_408 = arith.constant 1.000000e+00 : f32
          %add3A_409 = vector.broadcast %add3A_408 : f32 to vector<16xf32>
          %add3A_410 = arith.addf %add3A_409, %exp3A_407 : vector<16xf32>
          %div3A_411 = arith.constant 1.000000e+00 : f32
          %div3A_412 = vector.broadcast %div3A_411 : f32 to vector<16xf32>
          %div3A_413 = arith.divf %div3A_412, %add3A_410 : vector<16xf32>
          %get3A_414 = arith.index_cast %scan3A_225 : i32 to index
          %get3A_415 = arith.constant 96 : index
          %get3A_416 = tpu.vector_load %arg16[%get3A_414, %get3A_415] {strides = array<i32>} : memref<128x128xf32, #tpu.memory_space<vmem>>, vector<1x16xf32>,
          %get3A_417 = vector.shape_cast %get3A_416 : vector<1x16xf32> to vector<16xf32>
          %mul3A_418 = arith.mulf %get3A_417, %div3A_413 : vector<16xf32>
          %swap3A_419 = arith.index_cast %scan3A_225 : i32 to index
          %swap3A_420 = arith.constant 96 : index
          %swap3A_421 = tpu.vector_load %arg14[%swap3A_419, %swap3A_420] {strides = array<i32>} : memref<128x128xf32, #tpu.memory_space<vmem>>, vector<1x16xf32>,
          %swap3A_422 = vector.shape_cast %swap3A_421 : vector<1x16xf32> to vector<16xf32>
          %swap3A_423 = vector.shape_cast %mul3A_418 : vector<16xf32> to vector<1x16xf32>
          tpu.vector_store %arg14[%swap3A_419, %swap3A_420], %swap3A_423 {strides = array<i32>} : memref<128x128xf32, #tpu.memory_space<vmem>>, vector<1x16xf32>,
          %get3A_424 = arith.index_cast %scan3A_225 : i32 to index
          %get3A_425 = arith.constant 112 : index
          %get3A_426 = tpu.vector_load %arg14[%get3A_424, %get3A_425] {strides = array<i32>} : memref<128x128xf32, #tpu.memory_space<vmem>>, vector<1x16xf32>,
          %get3A_427 = vector.shape_cast %get3A_426 : vector<1x16xf32> to vector<16xf32>
          %get3A_428 = arith.index_cast %scan3A_225 : i32 to index
          %get3A_429 = arith.constant 112 : index
          %get3A_430 = tpu.vector_load %arg15[%get3A_428, %get3A_429] {strides = array<i32>} : memref<128x128xf32, #tpu.memory_space<vmem>>, vector<1x16xf32>,
          %get3A_431 = vector.shape_cast %get3A_430 : vector<1x16xf32> to vector<16xf32>
          %add3A_432 = arith.addf %get3A_427, %get3A_431 : vector<16xf32>
          %neg3A_433 = arith.constant 0.000000e+00 : f32
          %neg3A_434 = vector.broadcast %neg3A_433 : f32 to vector<16xf32>
          %neg3A_435 = arith.subf %neg3A_434, %add3A_432 : vector<16xf32>
          %exp3A_436 = math.exp %neg3A_435 : vector<16xf32>
          %add3A_437 = arith.constant 1.000000e+00 : f32
          %add3A_438 = vector.broadcast %add3A_437 : f32 to vector<16xf32>
          %add3A_439 = arith.addf %add3A_438, %exp3A_436 : vector<16xf32>
          %div3A_440 = arith.constant 1.000000e+00 : f32
          %div3A_441 = vector.broadcast %div3A_440 : f32 to vector<16xf32>
          %div3A_442 = arith.divf %div3A_441, %add3A_439 : vector<16xf32>
          %get3A_443 = arith.index_cast %scan3A_225 : i32 to index
          %get3A_444 = arith.constant 112 : index
          %get3A_445 = tpu.vector_load %arg16[%get3A_443, %get3A_444] {strides = array<i32>} : memref<128x128xf32, #tpu.memory_space<vmem>>, vector<1x16xf32>,
          %get3A_446 = vector.shape_cast %get3A_445 : vector<1x16xf32> to vector<16xf32>
          %mul3A_447 = arith.mulf %get3A_446, %div3A_442 : vector<16xf32>
          %swap3A_448 = arith.index_cast %scan3A_225 : i32 to index
          %swap3A_449 = arith.constant 112 : index
          %swap3A_450 = tpu.vector_load %arg14[%swap3A_448, %swap3A_449] {strides = array<i32>} : memref<128x128xf32, #tpu.memory_space<vmem>>, vector<1x16xf32>,
          %swap3A_451 = vector.shape_cast %swap3A_450 : vector<1x16xf32> to vector<16xf32>
          %swap3A_452 = vector.shape_cast %mul3A_447 : vector<16xf32> to vector<1x16xf32>
          tpu.vector_store %arg14[%swap3A_448, %swap3A_449], %swap3A_452 {strides = array<i32>} : memref<128x128xf32, #tpu.memory_space<vmem>>, vector<1x16xf32>,
        }
        %scan3A_224 = arith.constant 128 : i32
        "tpu.region"() ({
          %run_scoped3A = tpu.sem_alloc : memref<!tpu.dma_semaphore, #tpu.memory_space<semaphore_mem>>
          %dma_start3A_225 = arith.constant 0 : i32
          %dma_start3A_226 = arith.constant 0 : i32
          %dma_start3A_227 = tpu.memref_slice %arg17[%dma_start3A_225, %dma_start3A_226] : memref<10112x128xf32, #tpu.memory_space<vmem_shared>> -> memref<10112x128xf32, #tpu.memory_space<vmem_shared>>
          tpu.enqueue_indirect_dma source(%arg14 : memref<128x128xf32, #tpu.memory_space<vmem>>) target(%dma_start3A_227 : memref<10112x128xf32, #tpu.memory_space<vmem_shared>>) offsets(%arg10 : memref<128xi32, #tpu.memory_space<vmem>>) semaphore(%run_scoped3A : memref<!tpu.dma_semaphore, #tpu.memory_space<semaphore_mem>>) {add = true}
          %dma_wait3A_228 = arith.constant 0 : i32
          %dma_wait3A_229 = arith.constant 0 : i32
          %dma_wait3A_230 = tpu.memref_slice %arg17[%dma_wait3A_228, %dma_wait3A_229] : memref<10112x128xf32, #tpu.memory_space<vmem_shared>> -> memref<10112x128xf32, #tpu.memory_space<vmem_shared>>
          tpu.wait_indirect_dma semaphore(%run_scoped3A : memref<!tpu.dma_semaphore, #tpu.memory_space<semaphore_mem>>) src(%arg14 : memref<128x128xf32, #tpu.memory_space<vmem>>) dst(%dma_wait3A_230 : memref<10112x128xf32, #tpu.memory_space<vmem_shared>>)
          tpu.yield
        }) : () -> ()
      }
      %scan3A_191 = arith.constant 51 : i32
    } else {
    }
    %eq3A_41 = arith.constant 1 : i32
    %eq3A_42 = arith.cmpi eq, %arg0, %eq3A_41 : i32
    %convert_element_type3A_43 = arith.extui %eq3A_42 : i1 to i32
    %cond3A_44 = arith.constant 0 : i32
    %cond3A_45 = arith.cmpi ne, %convert_element_type3A_43, %cond3A_44 : i32
    scf.if %cond3A_45 {
      %scan3A_186 = arith.constant 0 : i32
      %scan3A_187 = arith.constant 0 : i32
      %scan3A_188 = arith.constant 29 : i32
      %scan3A_189 = arith.addi %scan3A_187, %scan3A_188 : i32
      %scan3A_190 = arith.constant 1 : i32
      scf.for %scan3A_192 = %scan3A_187 to %scan3A_189 step %scan3A_190  : i32 {
        %add3A_193 = arith.addi %add3A_37, %scan3A_192 : i32
        %mul3A_194 = arith.constant 128 : i32
        %mul3A_195 = arith.muli %add3A_193, %mul3A_194 : i32
        %multiple_of3A_196 = tpu.assume_multiple %mul3A_195, 8 : i32
        "tpu.region"() ({
          %run_scoped3A = tpu.sem_alloc : memref<!tpu.dma_semaphore, #tpu.memory_space<semaphore_mem>>
          %dma_start3A_225 = tpu.memref_slice %arg4[%multiple_of3A_196] : memref<163840xi32, #tpu.memory_space<hbm>> -> memref<128xi32, #tpu.memory_space<hbm>>
          %dma_start3A_226 = tpu.memref_slice %arg4[%multiple_of3A_196] : memref<163840xi32, #tpu.memory_space<hbm>> -> memref<128xi32, #tpu.memory_space<hbm>>
          tpu.enqueue_dma source(%dma_start3A_226 : memref<128xi32, #tpu.memory_space<hbm>>) target(%arg9 : memref<128xi32, #tpu.memory_space<vmem>>) target_semaphore(%run_scoped3A : memref<!tpu.dma_semaphore, #tpu.memory_space<semaphore_mem>>)
          %dma_wait3A_227 = tpu.memref_slice %arg4[%multiple_of3A_196] : memref<163840xi32, #tpu.memory_space<hbm>> -> memref<128xi32, #tpu.memory_space<hbm>>
          %dma_wait3A_228 = tpu.memref_slice %arg4[%multiple_of3A_196] : memref<163840xi32, #tpu.memory_space<hbm>> -> memref<128xi32, #tpu.memory_space<hbm>>
          tpu.wait_dma2 semaphore(%run_scoped3A : memref<!tpu.dma_semaphore, #tpu.memory_space<semaphore_mem>>) src(%dma_wait3A_228 : memref<128xi32, #tpu.memory_space<hbm>>) dst(%arg9 : memref<128xi32, #tpu.memory_space<vmem>>)
          tpu.yield
        }) : () -> ()
        "tpu.region"() ({
          %run_scoped3A = tpu.sem_alloc : memref<!tpu.dma_semaphore, #tpu.memory_space<semaphore_mem>>
          %dma_start3A_225 = tpu.memref_slice %arg5[%multiple_of3A_196] : memref<163840xi32, #tpu.memory_space<hbm>> -> memref<128xi32, #tpu.memory_space<hbm>>
          %dma_start3A_226 = tpu.memref_slice %arg5[%multiple_of3A_196] : memref<163840xi32, #tpu.memory_space<hbm>> -> memref<128xi32, #tpu.memory_space<hbm>>
          tpu.enqueue_dma source(%dma_start3A_226 : memref<128xi32, #tpu.memory_space<hbm>>) target(%arg10 : memref<128xi32, #tpu.memory_space<vmem>>) target_semaphore(%run_scoped3A : memref<!tpu.dma_semaphore, #tpu.memory_space<semaphore_mem>>)
          %dma_wait3A_227 = tpu.memref_slice %arg5[%multiple_of3A_196] : memref<163840xi32, #tpu.memory_space<hbm>> -> memref<128xi32, #tpu.memory_space<hbm>>
          %dma_wait3A_228 = tpu.memref_slice %arg5[%multiple_of3A_196] : memref<163840xi32, #tpu.memory_space<hbm>> -> memref<128xi32, #tpu.memory_space<hbm>>
          tpu.wait_dma2 semaphore(%run_scoped3A : memref<!tpu.dma_semaphore, #tpu.memory_space<semaphore_mem>>) src(%dma_wait3A_228 : memref<128xi32, #tpu.memory_space<hbm>>) dst(%arg10 : memref<128xi32, #tpu.memory_space<vmem>>)
          tpu.yield
        }) : () -> ()
        "tpu.region"() ({
          %run_scoped3A = tpu.sem_alloc : memref<!tpu.dma_semaphore, #tpu.memory_space<semaphore_mem>>
          %dma_start3A_225 = tpu.memref_slice %arg6[%multiple_of3A_196] : memref<163840xi32, #tpu.memory_space<hbm>> -> memref<128xi32, #tpu.memory_space<hbm>>
          %dma_start3A_226 = tpu.memref_slice %arg6[%multiple_of3A_196] : memref<163840xi32, #tpu.memory_space<hbm>> -> memref<128xi32, #tpu.memory_space<hbm>>
          tpu.enqueue_dma source(%dma_start3A_226 : memref<128xi32, #tpu.memory_space<hbm>>) target(%arg11 : memref<128xi32, #tpu.memory_space<vmem>>) target_semaphore(%run_scoped3A : memref<!tpu.dma_semaphore, #tpu.memory_space<semaphore_mem>>)
          %dma_wait3A_227 = tpu.memref_slice %arg6[%multiple_of3A_196] : memref<163840xi32, #tpu.memory_space<hbm>> -> memref<128xi32, #tpu.memory_space<hbm>>
          %dma_wait3A_228 = tpu.memref_slice %arg6[%multiple_of3A_196] : memref<163840xi32, #tpu.memory_space<hbm>> -> memref<128xi32, #tpu.memory_space<hbm>>
          tpu.wait_dma2 semaphore(%run_scoped3A : memref<!tpu.dma_semaphore, #tpu.memory_space<semaphore_mem>>) src(%dma_wait3A_228 : memref<128xi32, #tpu.memory_space<hbm>>) dst(%arg11 : memref<128xi32, #tpu.memory_space<vmem>>)
          tpu.yield
        }) : () -> ()
        %scan3A_197 = arith.constant 0 : i32
        %scan3A_198 = arith.constant 0 : i32
        %scan3A_199 = arith.constant 8 : i32
        %scan3A_200 = arith.addi %scan3A_198, %scan3A_199 : i32
        %scan3A_201 = arith.constant 1 : i32
        scf.for %scan3A_225 = %scan3A_198 to %scan3A_200 step %scan3A_201  : i32 {
          %mul3A_226 = arith.constant 16 : i32
          %mul3A_227 = arith.muli %scan3A_225, %mul3A_226 : i32
          %get3A = arith.index_cast %mul3A_227 : i32 to index
          %get3A_228 = tpu.vector_load %arg11[%get3A] {strides = array<i32>} : memref<128xi32, #tpu.memory_space<vmem>>, vector<16xi32>,
          %get3A_229 = vector.shape_cast %get3A_228 : vector<16xi32> to vector<16xi32>
          %mul3A_230 = arith.constant 10000 : i32
          %mul3A_231 = vector.broadcast %mul3A_230 : i32 to vector<16xi32>
          %mul3A_232 = arith.muli %get3A_229, %mul3A_231 : vector<16xi32>
          %get3A_233 = arith.index_cast %mul3A_227 : i32 to index
          %get3A_234 = tpu.vector_load %arg10[%get3A_233] {strides = array<i32>} : memref<128xi32, #tpu.memory_space<vmem>>, vector<16xi32>,
          %get3A_235 = vector.shape_cast %get3A_234 : vector<16xi32> to vector<16xi32>
          %add3A_236 = arith.addi %mul3A_232, %get3A_235 : vector<16xi32>
          %swap3A = arith.index_cast %mul3A_227 : i32 to index
          %swap3A_237 = tpu.vector_load %arg12[%swap3A] {strides = array<i32>} : memref<128xi32, #tpu.memory_space<vmem>>, vector<16xi32>,
          %swap3A_238 = vector.shape_cast %swap3A_237 : vector<16xi32> to vector<16xi32>
          %swap3A_239 = vector.shape_cast %add3A_236 : vector<16xi32> to vector<16xi32>
          tpu.vector_store %arg12[%swap3A], %swap3A_239 {strides = array<i32>} : memref<128xi32, #tpu.memory_space<vmem>>, vector<16xi32>,
          %add3A_240 = arith.constant 4 : i32
          %add3A_241 = vector.broadcast %add3A_240 : i32 to vector<16xi32>
          %add3A_242 = arith.addi %get3A_229, %add3A_241 : vector<16xi32>
          %mul3A_243 = arith.constant 10000 : i32
          %mul3A_244 = vector.broadcast %mul3A_243 : i32 to vector<16xi32>
          %mul3A_245 = arith.muli %add3A_242, %mul3A_244 : vector<16xi32>
          %get3A_246 = arith.index_cast %mul3A_227 : i32 to index
          %get3A_247 = tpu.vector_load %arg9[%get3A_246] {strides = array<i32>} : memref<128xi32, #tpu.memory_space<vmem>>, vector<16xi32>,
          %get3A_248 = vector.shape_cast %get3A_247 : vector<16xi32> to vector<16xi32>
          %add3A_249 = arith.addi %mul3A_245, %get3A_248 : vector<16xi32>
          %swap3A_250 = arith.index_cast %mul3A_227 : i32 to index
          %swap3A_251 = tpu.vector_load %arg13[%swap3A_250] {strides = array<i32>} : memref<128xi32, #tpu.memory_space<vmem>>, vector<16xi32>,
          %swap3A_252 = vector.shape_cast %swap3A_251 : vector<16xi32> to vector<16xi32>
          %swap3A_253 = vector.shape_cast %add3A_249 : vector<16xi32> to vector<16xi32>
          tpu.vector_store %arg13[%swap3A_250], %swap3A_253 {strides = array<i32>} : memref<128xi32, #tpu.memory_space<vmem>>, vector<16xi32>,
        }
        %scan3A_202 = arith.constant 8 : i32
        %dma_start3A = arith.constant 0 : i32
        %dma_start3A_203 = arith.constant 0 : i32
        %dma_start3A_204 = tpu.memref_slice %arg2[%dma_start3A, %dma_start3A_203] : memref<80000x128xf32, #tpu.memory_space<hbm>> -> memref<80000x128xf32, #tpu.memory_space<hbm>>
        tpu.enqueue_indirect_dma source(%dma_start3A_204 : memref<80000x128xf32, #tpu.memory_space<hbm>>) target(%arg14 : memref<128x128xf32, #tpu.memory_space<vmem>>) offsets(%arg12 : memref<128xi32, #tpu.memory_space<vmem>>) semaphore(%arg18 : memref<!tpu.dma_semaphore, #tpu.memory_space<semaphore_mem>>)
        %dma_start3A_205 = arith.constant 0 : i32
        %dma_start3A_206 = arith.constant 0 : i32
        %dma_start3A_207 = tpu.memref_slice %arg2[%dma_start3A_205, %dma_start3A_206] : memref<80000x128xf32, #tpu.memory_space<hbm>> -> memref<80000x128xf32, #tpu.memory_space<hbm>>
        tpu.enqueue_indirect_dma source(%dma_start3A_207 : memref<80000x128xf32, #tpu.memory_space<hbm>>) target(%arg15 : memref<128x128xf32, #tpu.memory_space<vmem>>) offsets(%arg13 : memref<128xi32, #tpu.memory_space<vmem>>) semaphore(%arg19 : memref<!tpu.dma_semaphore, #tpu.memory_space<semaphore_mem>>)
        %dma_start3A_208 = arith.constant 0 : i32
        %dma_start3A_209 = arith.constant 0 : i32
        %dma_start3A_210 = tpu.memref_slice %arg3[%dma_start3A_208, %dma_start3A_209] : memref<10000x128xf32, #tpu.memory_space<hbm>> -> memref<10000x128xf32, #tpu.memory_space<hbm>>
        tpu.enqueue_indirect_dma source(%dma_start3A_210 : memref<10000x128xf32, #tpu.memory_space<hbm>>) target(%arg16 : memref<128x128xf32, #tpu.memory_space<vmem>>) offsets(%arg9 : memref<128xi32, #tpu.memory_space<vmem>>) semaphore(%arg20 : memref<!tpu.dma_semaphore, #tpu.memory_space<semaphore_mem>>)
        %dma_wait3A = arith.constant 0 : i32
        %dma_wait3A_211 = arith.constant 0 : i32
        %dma_wait3A_212 = tpu.memref_slice %arg2[%dma_wait3A, %dma_wait3A_211] : memref<80000x128xf32, #tpu.memory_space<hbm>> -> memref<80000x128xf32, #tpu.memory_space<hbm>>
        tpu.wait_indirect_dma semaphore(%arg18 : memref<!tpu.dma_semaphore, #tpu.memory_space<semaphore_mem>>) src(%dma_wait3A_212 : memref<80000x128xf32, #tpu.memory_space<hbm>>) dst(%arg14 : memref<128x128xf32, #tpu.memory_space<vmem>>)
        %dma_wait3A_213 = arith.constant 0 : i32
        %dma_wait3A_214 = arith.constant 0 : i32
        %dma_wait3A_215 = tpu.memref_slice %arg2[%dma_wait3A_213, %dma_wait3A_214] : memref<80000x128xf32, #tpu.memory_space<hbm>> -> memref<80000x128xf32, #tpu.memory_space<hbm>>
        tpu.wait_indirect_dma semaphore(%arg19 : memref<!tpu.dma_semaphore, #tpu.memory_space<semaphore_mem>>) src(%dma_wait3A_215 : memref<80000x128xf32, #tpu.memory_space<hbm>>) dst(%arg15 : memref<128x128xf32, #tpu.memory_space<vmem>>)
        %dma_wait3A_216 = arith.constant 0 : i32
        %dma_wait3A_217 = arith.constant 0 : i32
        %dma_wait3A_218 = tpu.memref_slice %arg3[%dma_wait3A_216, %dma_wait3A_217] : memref<10000x128xf32, #tpu.memory_space<hbm>> -> memref<10000x128xf32, #tpu.memory_space<hbm>>
        tpu.wait_indirect_dma semaphore(%arg20 : memref<!tpu.dma_semaphore, #tpu.memory_space<semaphore_mem>>) src(%dma_wait3A_218 : memref<10000x128xf32, #tpu.memory_space<hbm>>) dst(%arg16 : memref<128x128xf32, #tpu.memory_space<vmem>>)
        %scan3A_219 = arith.constant 0 : i32
        %scan3A_220 = arith.constant 0 : i32
        %scan3A_221 = arith.constant 128 : i32
        %scan3A_222 = arith.addi %scan3A_220, %scan3A_221 : i32
        %scan3A_223 = arith.constant 1 : i32
        scf.for %scan3A_225 = %scan3A_220 to %scan3A_222 step %scan3A_223  : i32 {
          %get3A = arith.index_cast %scan3A_225 : i32 to index
          %get3A_226 = arith.constant 0 : index
          %get3A_227 = tpu.vector_load %arg14[%get3A, %get3A_226] {strides = array<i32>} : memref<128x128xf32, #tpu.memory_space<vmem>>, vector<1x16xf32>,
          %get3A_228 = vector.shape_cast %get3A_227 : vector<1x16xf32> to vector<16xf32>
          %get3A_229 = arith.index_cast %scan3A_225 : i32 to index
          %get3A_230 = arith.constant 0 : index
          %get3A_231 = tpu.vector_load %arg15[%get3A_229, %get3A_230] {strides = array<i32>} : memref<128x128xf32, #tpu.memory_space<vmem>>, vector<1x16xf32>,
          %get3A_232 = vector.shape_cast %get3A_231 : vector<1x16xf32> to vector<16xf32>
          %add3A_233 = arith.addf %get3A_228, %get3A_232 : vector<16xf32>
          %neg3A = arith.constant 0.000000e+00 : f32
          %neg3A_234 = vector.broadcast %neg3A : f32 to vector<16xf32>
          %neg3A_235 = arith.subf %neg3A_234, %add3A_233 : vector<16xf32>
          %exp3A = math.exp %neg3A_235 : vector<16xf32>
          %add3A_236 = arith.constant 1.000000e+00 : f32
          %add3A_237 = vector.broadcast %add3A_236 : f32 to vector<16xf32>
          %add3A_238 = arith.addf %add3A_237, %exp3A : vector<16xf32>
          %div3A = arith.constant 1.000000e+00 : f32
          %div3A_239 = vector.broadcast %div3A : f32 to vector<16xf32>
          %div3A_240 = arith.divf %div3A_239, %add3A_238 : vector<16xf32>
          %get3A_241 = arith.index_cast %scan3A_225 : i32 to index
          %get3A_242 = arith.constant 0 : index
          %get3A_243 = tpu.vector_load %arg16[%get3A_241, %get3A_242] {strides = array<i32>} : memref<128x128xf32, #tpu.memory_space<vmem>>, vector<1x16xf32>,
          %get3A_244 = vector.shape_cast %get3A_243 : vector<1x16xf32> to vector<16xf32>
          %mul3A_245 = arith.mulf %get3A_244, %div3A_240 : vector<16xf32>
          %swap3A = arith.index_cast %scan3A_225 : i32 to index
          %swap3A_246 = arith.constant 0 : index
          %swap3A_247 = tpu.vector_load %arg14[%swap3A, %swap3A_246] {strides = array<i32>} : memref<128x128xf32, #tpu.memory_space<vmem>>, vector<1x16xf32>,
          %swap3A_248 = vector.shape_cast %swap3A_247 : vector<1x16xf32> to vector<16xf32>
          %swap3A_249 = vector.shape_cast %mul3A_245 : vector<16xf32> to vector<1x16xf32>
          tpu.vector_store %arg14[%swap3A, %swap3A_246], %swap3A_249 {strides = array<i32>} : memref<128x128xf32, #tpu.memory_space<vmem>>, vector<1x16xf32>,
          %get3A_250 = arith.index_cast %scan3A_225 : i32 to index
          %get3A_251 = arith.constant 16 : index
          %get3A_252 = tpu.vector_load %arg14[%get3A_250, %get3A_251] {strides = array<i32>} : memref<128x128xf32, #tpu.memory_space<vmem>>, vector<1x16xf32>,
          %get3A_253 = vector.shape_cast %get3A_252 : vector<1x16xf32> to vector<16xf32>
          %get3A_254 = arith.index_cast %scan3A_225 : i32 to index
          %get3A_255 = arith.constant 16 : index
          %get3A_256 = tpu.vector_load %arg15[%get3A_254, %get3A_255] {strides = array<i32>} : memref<128x128xf32, #tpu.memory_space<vmem>>, vector<1x16xf32>,
          %get3A_257 = vector.shape_cast %get3A_256 : vector<1x16xf32> to vector<16xf32>
          %add3A_258 = arith.addf %get3A_253, %get3A_257 : vector<16xf32>
          %neg3A_259 = arith.constant 0.000000e+00 : f32
          %neg3A_260 = vector.broadcast %neg3A_259 : f32 to vector<16xf32>
          %neg3A_261 = arith.subf %neg3A_260, %add3A_258 : vector<16xf32>
          %exp3A_262 = math.exp %neg3A_261 : vector<16xf32>
          %add3A_263 = arith.constant 1.000000e+00 : f32
          %add3A_264 = vector.broadcast %add3A_263 : f32 to vector<16xf32>
          %add3A_265 = arith.addf %add3A_264, %exp3A_262 : vector<16xf32>
          %div3A_266 = arith.constant 1.000000e+00 : f32
          %div3A_267 = vector.broadcast %div3A_266 : f32 to vector<16xf32>
          %div3A_268 = arith.divf %div3A_267, %add3A_265 : vector<16xf32>
          %get3A_269 = arith.index_cast %scan3A_225 : i32 to index
          %get3A_270 = arith.constant 16 : index
          %get3A_271 = tpu.vector_load %arg16[%get3A_269, %get3A_270] {strides = array<i32>} : memref<128x128xf32, #tpu.memory_space<vmem>>, vector<1x16xf32>,
          %get3A_272 = vector.shape_cast %get3A_271 : vector<1x16xf32> to vector<16xf32>
          %mul3A_273 = arith.mulf %get3A_272, %div3A_268 : vector<16xf32>
          %swap3A_274 = arith.index_cast %scan3A_225 : i32 to index
          %swap3A_275 = arith.constant 16 : index
          %swap3A_276 = tpu.vector_load %arg14[%swap3A_274, %swap3A_275] {strides = array<i32>} : memref<128x128xf32, #tpu.memory_space<vmem>>, vector<1x16xf32>,
          %swap3A_277 = vector.shape_cast %swap3A_276 : vector<1x16xf32> to vector<16xf32>
          %swap3A_278 = vector.shape_cast %mul3A_273 : vector<16xf32> to vector<1x16xf32>
          tpu.vector_store %arg14[%swap3A_274, %swap3A_275], %swap3A_278 {strides = array<i32>} : memref<128x128xf32, #tpu.memory_space<vmem>>, vector<1x16xf32>,
          %get3A_279 = arith.index_cast %scan3A_225 : i32 to index
          %get3A_280 = arith.constant 32 : index
          %get3A_281 = tpu.vector_load %arg14[%get3A_279, %get3A_280] {strides = array<i32>} : memref<128x128xf32, #tpu.memory_space<vmem>>, vector<1x16xf32>,
          %get3A_282 = vector.shape_cast %get3A_281 : vector<1x16xf32> to vector<16xf32>
          %get3A_283 = arith.index_cast %scan3A_225 : i32 to index
          %get3A_284 = arith.constant 32 : index
          %get3A_285 = tpu.vector_load %arg15[%get3A_283, %get3A_284] {strides = array<i32>} : memref<128x128xf32, #tpu.memory_space<vmem>>, vector<1x16xf32>,
          %get3A_286 = vector.shape_cast %get3A_285 : vector<1x16xf32> to vector<16xf32>
          %add3A_287 = arith.addf %get3A_282, %get3A_286 : vector<16xf32>
          %neg3A_288 = arith.constant 0.000000e+00 : f32
          %neg3A_289 = vector.broadcast %neg3A_288 : f32 to vector<16xf32>
          %neg3A_290 = arith.subf %neg3A_289, %add3A_287 : vector<16xf32>
          %exp3A_291 = math.exp %neg3A_290 : vector<16xf32>
          %add3A_292 = arith.constant 1.000000e+00 : f32
          %add3A_293 = vector.broadcast %add3A_292 : f32 to vector<16xf32>
          %add3A_294 = arith.addf %add3A_293, %exp3A_291 : vector<16xf32>
          %div3A_295 = arith.constant 1.000000e+00 : f32
          %div3A_296 = vector.broadcast %div3A_295 : f32 to vector<16xf32>
          %div3A_297 = arith.divf %div3A_296, %add3A_294 : vector<16xf32>
          %get3A_298 = arith.index_cast %scan3A_225 : i32 to index
          %get3A_299 = arith.constant 32 : index
          %get3A_300 = tpu.vector_load %arg16[%get3A_298, %get3A_299] {strides = array<i32>} : memref<128x128xf32, #tpu.memory_space<vmem>>, vector<1x16xf32>,
          %get3A_301 = vector.shape_cast %get3A_300 : vector<1x16xf32> to vector<16xf32>
          %mul3A_302 = arith.mulf %get3A_301, %div3A_297 : vector<16xf32>
          %swap3A_303 = arith.index_cast %scan3A_225 : i32 to index
          %swap3A_304 = arith.constant 32 : index
          %swap3A_305 = tpu.vector_load %arg14[%swap3A_303, %swap3A_304] {strides = array<i32>} : memref<128x128xf32, #tpu.memory_space<vmem>>, vector<1x16xf32>,
          %swap3A_306 = vector.shape_cast %swap3A_305 : vector<1x16xf32> to vector<16xf32>
          %swap3A_307 = vector.shape_cast %mul3A_302 : vector<16xf32> to vector<1x16xf32>
          tpu.vector_store %arg14[%swap3A_303, %swap3A_304], %swap3A_307 {strides = array<i32>} : memref<128x128xf32, #tpu.memory_space<vmem>>, vector<1x16xf32>,
          %get3A_308 = arith.index_cast %scan3A_225 : i32 to index
          %get3A_309 = arith.constant 48 : index
          %get3A_310 = tpu.vector_load %arg14[%get3A_308, %get3A_309] {strides = array<i32>} : memref<128x128xf32, #tpu.memory_space<vmem>>, vector<1x16xf32>,
          %get3A_311 = vector.shape_cast %get3A_310 : vector<1x16xf32> to vector<16xf32>
          %get3A_312 = arith.index_cast %scan3A_225 : i32 to index
          %get3A_313 = arith.constant 48 : index
          %get3A_314 = tpu.vector_load %arg15[%get3A_312, %get3A_313] {strides = array<i32>} : memref<128x128xf32, #tpu.memory_space<vmem>>, vector<1x16xf32>,
          %get3A_315 = vector.shape_cast %get3A_314 : vector<1x16xf32> to vector<16xf32>
          %add3A_316 = arith.addf %get3A_311, %get3A_315 : vector<16xf32>
          %neg3A_317 = arith.constant 0.000000e+00 : f32
          %neg3A_318 = vector.broadcast %neg3A_317 : f32 to vector<16xf32>
          %neg3A_319 = arith.subf %neg3A_318, %add3A_316 : vector<16xf32>
          %exp3A_320 = math.exp %neg3A_319 : vector<16xf32>
          %add3A_321 = arith.constant 1.000000e+00 : f32
          %add3A_322 = vector.broadcast %add3A_321 : f32 to vector<16xf32>
          %add3A_323 = arith.addf %add3A_322, %exp3A_320 : vector<16xf32>
          %div3A_324 = arith.constant 1.000000e+00 : f32
          %div3A_325 = vector.broadcast %div3A_324 : f32 to vector<16xf32>
          %div3A_326 = arith.divf %div3A_325, %add3A_323 : vector<16xf32>
          %get3A_327 = arith.index_cast %scan3A_225 : i32 to index
          %get3A_328 = arith.constant 48 : index
          %get3A_329 = tpu.vector_load %arg16[%get3A_327, %get3A_328] {strides = array<i32>} : memref<128x128xf32, #tpu.memory_space<vmem>>, vector<1x16xf32>,
          %get3A_330 = vector.shape_cast %get3A_329 : vector<1x16xf32> to vector<16xf32>
          %mul3A_331 = arith.mulf %get3A_330, %div3A_326 : vector<16xf32>
          %swap3A_332 = arith.index_cast %scan3A_225 : i32 to index
          %swap3A_333 = arith.constant 48 : index
          %swap3A_334 = tpu.vector_load %arg14[%swap3A_332, %swap3A_333] {strides = array<i32>} : memref<128x128xf32, #tpu.memory_space<vmem>>, vector<1x16xf32>,
          %swap3A_335 = vector.shape_cast %swap3A_334 : vector<1x16xf32> to vector<16xf32>
          %swap3A_336 = vector.shape_cast %mul3A_331 : vector<16xf32> to vector<1x16xf32>
          tpu.vector_store %arg14[%swap3A_332, %swap3A_333], %swap3A_336 {strides = array<i32>} : memref<128x128xf32, #tpu.memory_space<vmem>>, vector<1x16xf32>,
          %get3A_337 = arith.index_cast %scan3A_225 : i32 to index
          %get3A_338 = arith.constant 64 : index
          %get3A_339 = tpu.vector_load %arg14[%get3A_337, %get3A_338] {strides = array<i32>} : memref<128x128xf32, #tpu.memory_space<vmem>>, vector<1x16xf32>,
          %get3A_340 = vector.shape_cast %get3A_339 : vector<1x16xf32> to vector<16xf32>
          %get3A_341 = arith.index_cast %scan3A_225 : i32 to index
          %get3A_342 = arith.constant 64 : index
          %get3A_343 = tpu.vector_load %arg15[%get3A_341, %get3A_342] {strides = array<i32>} : memref<128x128xf32, #tpu.memory_space<vmem>>, vector<1x16xf32>,
          %get3A_344 = vector.shape_cast %get3A_343 : vector<1x16xf32> to vector<16xf32>
          %add3A_345 = arith.addf %get3A_340, %get3A_344 : vector<16xf32>
          %neg3A_346 = arith.constant 0.000000e+00 : f32
          %neg3A_347 = vector.broadcast %neg3A_346 : f32 to vector<16xf32>
          %neg3A_348 = arith.subf %neg3A_347, %add3A_345 : vector<16xf32>
          %exp3A_349 = math.exp %neg3A_348 : vector<16xf32>
          %add3A_350 = arith.constant 1.000000e+00 : f32
          %add3A_351 = vector.broadcast %add3A_350 : f32 to vector<16xf32>
          %add3A_352 = arith.addf %add3A_351, %exp3A_349 : vector<16xf32>
          %div3A_353 = arith.constant 1.000000e+00 : f32
          %div3A_354 = vector.broadcast %div3A_353 : f32 to vector<16xf32>
          %div3A_355 = arith.divf %div3A_354, %add3A_352 : vector<16xf32>
          %get3A_356 = arith.index_cast %scan3A_225 : i32 to index
          %get3A_357 = arith.constant 64 : index
          %get3A_358 = tpu.vector_load %arg16[%get3A_356, %get3A_357] {strides = array<i32>} : memref<128x128xf32, #tpu.memory_space<vmem>>, vector<1x16xf32>,
          %get3A_359 = vector.shape_cast %get3A_358 : vector<1x16xf32> to vector<16xf32>
          %mul3A_360 = arith.mulf %get3A_359, %div3A_355 : vector<16xf32>
          %swap3A_361 = arith.index_cast %scan3A_225 : i32 to index
          %swap3A_362 = arith.constant 64 : index
          %swap3A_363 = tpu.vector_load %arg14[%swap3A_361, %swap3A_362] {strides = array<i32>} : memref<128x128xf32, #tpu.memory_space<vmem>>, vector<1x16xf32>,
          %swap3A_364 = vector.shape_cast %swap3A_363 : vector<1x16xf32> to vector<16xf32>
          %swap3A_365 = vector.shape_cast %mul3A_360 : vector<16xf32> to vector<1x16xf32>
          tpu.vector_store %arg14[%swap3A_361, %swap3A_362], %swap3A_365 {strides = array<i32>} : memref<128x128xf32, #tpu.memory_space<vmem>>, vector<1x16xf32>,
          %get3A_366 = arith.index_cast %scan3A_225 : i32 to index
          %get3A_367 = arith.constant 80 : index
          %get3A_368 = tpu.vector_load %arg14[%get3A_366, %get3A_367] {strides = array<i32>} : memref<128x128xf32, #tpu.memory_space<vmem>>, vector<1x16xf32>,
          %get3A_369 = vector.shape_cast %get3A_368 : vector<1x16xf32> to vector<16xf32>
          %get3A_370 = arith.index_cast %scan3A_225 : i32 to index
          %get3A_371 = arith.constant 80 : index
          %get3A_372 = tpu.vector_load %arg15[%get3A_370, %get3A_371] {strides = array<i32>} : memref<128x128xf32, #tpu.memory_space<vmem>>, vector<1x16xf32>,
          %get3A_373 = vector.shape_cast %get3A_372 : vector<1x16xf32> to vector<16xf32>
          %add3A_374 = arith.addf %get3A_369, %get3A_373 : vector<16xf32>
          %neg3A_375 = arith.constant 0.000000e+00 : f32
          %neg3A_376 = vector.broadcast %neg3A_375 : f32 to vector<16xf32>
          %neg3A_377 = arith.subf %neg3A_376, %add3A_374 : vector<16xf32>
          %exp3A_378 = math.exp %neg3A_377 : vector<16xf32>
          %add3A_379 = arith.constant 1.000000e+00 : f32
          %add3A_380 = vector.broadcast %add3A_379 : f32 to vector<16xf32>
          %add3A_381 = arith.addf %add3A_380, %exp3A_378 : vector<16xf32>
          %div3A_382 = arith.constant 1.000000e+00 : f32
          %div3A_383 = vector.broadcast %div3A_382 : f32 to vector<16xf32>
          %div3A_384 = arith.divf %div3A_383, %add3A_381 : vector<16xf32>
          %get3A_385 = arith.index_cast %scan3A_225 : i32 to index
          %get3A_386 = arith.constant 80 : index
          %get3A_387 = tpu.vector_load %arg16[%get3A_385, %get3A_386] {strides = array<i32>} : memref<128x128xf32, #tpu.memory_space<vmem>>, vector<1x16xf32>,
          %get3A_388 = vector.shape_cast %get3A_387 : vector<1x16xf32> to vector<16xf32>
          %mul3A_389 = arith.mulf %get3A_388, %div3A_384 : vector<16xf32>
          %swap3A_390 = arith.index_cast %scan3A_225 : i32 to index
          %swap3A_391 = arith.constant 80 : index
          %swap3A_392 = tpu.vector_load %arg14[%swap3A_390, %swap3A_391] {strides = array<i32>} : memref<128x128xf32, #tpu.memory_space<vmem>>, vector<1x16xf32>,
          %swap3A_393 = vector.shape_cast %swap3A_392 : vector<1x16xf32> to vector<16xf32>
          %swap3A_394 = vector.shape_cast %mul3A_389 : vector<16xf32> to vector<1x16xf32>
          tpu.vector_store %arg14[%swap3A_390, %swap3A_391], %swap3A_394 {strides = array<i32>} : memref<128x128xf32, #tpu.memory_space<vmem>>, vector<1x16xf32>,
          %get3A_395 = arith.index_cast %scan3A_225 : i32 to index
          %get3A_396 = arith.constant 96 : index
          %get3A_397 = tpu.vector_load %arg14[%get3A_395, %get3A_396] {strides = array<i32>} : memref<128x128xf32, #tpu.memory_space<vmem>>, vector<1x16xf32>,
          %get3A_398 = vector.shape_cast %get3A_397 : vector<1x16xf32> to vector<16xf32>
          %get3A_399 = arith.index_cast %scan3A_225 : i32 to index
          %get3A_400 = arith.constant 96 : index
          %get3A_401 = tpu.vector_load %arg15[%get3A_399, %get3A_400] {strides = array<i32>} : memref<128x128xf32, #tpu.memory_space<vmem>>, vector<1x16xf32>,
          %get3A_402 = vector.shape_cast %get3A_401 : vector<1x16xf32> to vector<16xf32>
          %add3A_403 = arith.addf %get3A_398, %get3A_402 : vector<16xf32>
          %neg3A_404 = arith.constant 0.000000e+00 : f32
          %neg3A_405 = vector.broadcast %neg3A_404 : f32 to vector<16xf32>
          %neg3A_406 = arith.subf %neg3A_405, %add3A_403 : vector<16xf32>
          %exp3A_407 = math.exp %neg3A_406 : vector<16xf32>
          %add3A_408 = arith.constant 1.000000e+00 : f32
          %add3A_409 = vector.broadcast %add3A_408 : f32 to vector<16xf32>
          %add3A_410 = arith.addf %add3A_409, %exp3A_407 : vector<16xf32>
          %div3A_411 = arith.constant 1.000000e+00 : f32
          %div3A_412 = vector.broadcast %div3A_411 : f32 to vector<16xf32>
          %div3A_413 = arith.divf %div3A_412, %add3A_410 : vector<16xf32>
          %get3A_414 = arith.index_cast %scan3A_225 : i32 to index
          %get3A_415 = arith.constant 96 : index
          %get3A_416 = tpu.vector_load %arg16[%get3A_414, %get3A_415] {strides = array<i32>} : memref<128x128xf32, #tpu.memory_space<vmem>>, vector<1x16xf32>,
          %get3A_417 = vector.shape_cast %get3A_416 : vector<1x16xf32> to vector<16xf32>
          %mul3A_418 = arith.mulf %get3A_417, %div3A_413 : vector<16xf32>
          %swap3A_419 = arith.index_cast %scan3A_225 : i32 to index
          %swap3A_420 = arith.constant 96 : index
          %swap3A_421 = tpu.vector_load %arg14[%swap3A_419, %swap3A_420] {strides = array<i32>} : memref<128x128xf32, #tpu.memory_space<vmem>>, vector<1x16xf32>,
          %swap3A_422 = vector.shape_cast %swap3A_421 : vector<1x16xf32> to vector<16xf32>
          %swap3A_423 = vector.shape_cast %mul3A_418 : vector<16xf32> to vector<1x16xf32>
          tpu.vector_store %arg14[%swap3A_419, %swap3A_420], %swap3A_423 {strides = array<i32>} : memref<128x128xf32, #tpu.memory_space<vmem>>, vector<1x16xf32>,
          %get3A_424 = arith.index_cast %scan3A_225 : i32 to index
          %get3A_425 = arith.constant 112 : index
          %get3A_426 = tpu.vector_load %arg14[%get3A_424, %get3A_425] {strides = array<i32>} : memref<128x128xf32, #tpu.memory_space<vmem>>, vector<1x16xf32>,
          %get3A_427 = vector.shape_cast %get3A_426 : vector<1x16xf32> to vector<16xf32>
          %get3A_428 = arith.index_cast %scan3A_225 : i32 to index
          %get3A_429 = arith.constant 112 : index
          %get3A_430 = tpu.vector_load %arg15[%get3A_428, %get3A_429] {strides = array<i32>} : memref<128x128xf32, #tpu.memory_space<vmem>>, vector<1x16xf32>,
          %get3A_431 = vector.shape_cast %get3A_430 : vector<1x16xf32> to vector<16xf32>
          %add3A_432 = arith.addf %get3A_427, %get3A_431 : vector<16xf32>
          %neg3A_433 = arith.constant 0.000000e+00 : f32
          %neg3A_434 = vector.broadcast %neg3A_433 : f32 to vector<16xf32>
          %neg3A_435 = arith.subf %neg3A_434, %add3A_432 : vector<16xf32>
          %exp3A_436 = math.exp %neg3A_435 : vector<16xf32>
          %add3A_437 = arith.constant 1.000000e+00 : f32
          %add3A_438 = vector.broadcast %add3A_437 : f32 to vector<16xf32>
          %add3A_439 = arith.addf %add3A_438, %exp3A_436 : vector<16xf32>
          %div3A_440 = arith.constant 1.000000e+00 : f32
          %div3A_441 = vector.broadcast %div3A_440 : f32 to vector<16xf32>
          %div3A_442 = arith.divf %div3A_441, %add3A_439 : vector<16xf32>
          %get3A_443 = arith.index_cast %scan3A_225 : i32 to index
          %get3A_444 = arith.constant 112 : index
          %get3A_445 = tpu.vector_load %arg16[%get3A_443, %get3A_444] {strides = array<i32>} : memref<128x128xf32, #tpu.memory_space<vmem>>, vector<1x16xf32>,
          %get3A_446 = vector.shape_cast %get3A_445 : vector<1x16xf32> to vector<16xf32>
          %mul3A_447 = arith.mulf %get3A_446, %div3A_442 : vector<16xf32>
          %swap3A_448 = arith.index_cast %scan3A_225 : i32 to index
          %swap3A_449 = arith.constant 112 : index
          %swap3A_450 = tpu.vector_load %arg14[%swap3A_448, %swap3A_449] {strides = array<i32>} : memref<128x128xf32, #tpu.memory_space<vmem>>, vector<1x16xf32>,
          %swap3A_451 = vector.shape_cast %swap3A_450 : vector<1x16xf32> to vector<16xf32>
          %swap3A_452 = vector.shape_cast %mul3A_447 : vector<16xf32> to vector<1x16xf32>
          tpu.vector_store %arg14[%swap3A_448, %swap3A_449], %swap3A_452 {strides = array<i32>} : memref<128x128xf32, #tpu.memory_space<vmem>>, vector<1x16xf32>,
        }
        %scan3A_224 = arith.constant 128 : i32
        "tpu.region"() ({
          %run_scoped3A = tpu.sem_alloc : memref<!tpu.dma_semaphore, #tpu.memory_space<semaphore_mem>>
          %dma_start3A_225 = arith.constant 0 : i32
          %dma_start3A_226 = arith.constant 0 : i32
          %dma_start3A_227 = tpu.memref_slice %arg17[%dma_start3A_225, %dma_start3A_226] : memref<10112x128xf32, #tpu.memory_space<vmem_shared>> -> memref<10112x128xf32, #tpu.memory_space<vmem_shared>>
          tpu.enqueue_indirect_dma source(%arg14 : memref<128x128xf32, #tpu.memory_space<vmem>>) target(%dma_start3A_227 : memref<10112x128xf32, #tpu.memory_space<vmem_shared>>) offsets(%arg10 : memref<128xi32, #tpu.memory_space<vmem>>) semaphore(%run_scoped3A : memref<!tpu.dma_semaphore, #tpu.memory_space<semaphore_mem>>) {add = true}
          %dma_wait3A_228 = arith.constant 0 : i32
          %dma_wait3A_229 = arith.constant 0 : i32
          %dma_wait3A_230 = tpu.memref_slice %arg17[%dma_wait3A_228, %dma_wait3A_229] : memref<10112x128xf32, #tpu.memory_space<vmem_shared>> -> memref<10112x128xf32, #tpu.memory_space<vmem_shared>>
          tpu.wait_indirect_dma semaphore(%run_scoped3A : memref<!tpu.dma_semaphore, #tpu.memory_space<semaphore_mem>>) src(%arg14 : memref<128x128xf32, #tpu.memory_space<vmem>>) dst(%dma_wait3A_230 : memref<10112x128xf32, #tpu.memory_space<vmem_shared>>)
          tpu.yield
        }) : () -> ()
      }
      %scan3A_191 = arith.constant 29 : i32
    } else {
    }
    %barrier3A_46 = arith.constant 0 : index
    tpu.barrier barrier_id(%barrier3A_46)
    %mul3A_47 = arith.constant 632 : i32
    %mul3A_48 = arith.muli %arg1, %mul3A_47 : i32
    %add3A_49 = arith.constant 0 : i32
    %add3A_50 = arith.addi %mul3A_48, %add3A_49 : i32
    %multiple_of3A_51 = tpu.assume_multiple %add3A_50, 8 : i32
    %mul3A_52 = arith.constant 10112 : i32
    %mul3A_53 = arith.muli %arg0, %mul3A_52 : i32
    %add3A_54 = arith.addi %mul3A_53, %multiple_of3A_51 : i32
    %multiple_of3A_55 = tpu.assume_multiple %add3A_54, 8 : i32
    "tpu.region"() ({
      %run_scoped3A = tpu.sem_alloc : memref<!tpu.dma_semaphore, #tpu.memory_space<semaphore_mem>>
      %dma_start3A = arith.constant 0 : i32
      %dma_start3A_186 = tpu.memref_slice %arg7[%multiple_of3A_55, %dma_start3A] : memref<20224x128xf32, #tpu.memory_space<hbm>> -> memref<128x128xf32, #tpu.memory_space<hbm>>
      %dma_start3A_187 = arith.constant 0 : i32
      %dma_start3A_188 = tpu.memref_slice %arg17[%multiple_of3A_51, %dma_start3A_187] : memref<10112x128xf32, #tpu.memory_space<vmem_shared>> -> memref<128x128xf32, #tpu.memory_space<vmem_shared>>
      tpu.enqueue_dma source(%dma_start3A_188 : memref<128x128xf32, #tpu.memory_space<vmem_shared>>) target(%dma_start3A_186 : memref<128x128xf32, #tpu.memory_space<hbm>>) target_semaphore(%run_scoped3A : memref<!tpu.dma_semaphore, #tpu.memory_space<semaphore_mem>>)
      %dma_wait3A = arith.constant 0 : i32
      %dma_wait3A_189 = tpu.memref_slice %arg7[%multiple_of3A_55, %dma_wait3A] : memref<20224x128xf32, #tpu.memory_space<hbm>> -> memref<128x128xf32, #tpu.memory_space<hbm>>
      %dma_wait3A_190 = arith.constant 0 : i32
      %dma_wait3A_191 = tpu.memref_slice %arg17[%multiple_of3A_51, %dma_wait3A_190] : memref<10112x128xf32, #tpu.memory_space<vmem_shared>> -> memref<128x128xf32, #tpu.memory_space<vmem_shared>>
      tpu.wait_dma2 semaphore(%run_scoped3A : memref<!tpu.dma_semaphore, #tpu.memory_space<semaphore_mem>>) src(%dma_wait3A_191 : memref<128x128xf32, #tpu.memory_space<vmem_shared>>) dst(%dma_wait3A_189 : memref<128x128xf32, #tpu.memory_space<hbm>>)
      tpu.yield
    }) : () -> ()
    %mul3A_56 = arith.constant 632 : i32
    %mul3A_57 = arith.muli %arg1, %mul3A_56 : i32
    %add3A_58 = arith.constant 128 : i32
    %add3A_59 = arith.addi %mul3A_57, %add3A_58 : i32
    %multiple_of3A_60 = tpu.assume_multiple %add3A_59, 8 : i32
    %mul3A_61 = arith.constant 10112 : i32
    %mul3A_62 = arith.muli %arg0, %mul3A_61 : i32
    %add3A_63 = arith.addi %mul3A_62, %multiple_of3A_60 : i32
    %multiple_of3A_64 = tpu.assume_multiple %add3A_63, 8 : i32
    "tpu.region"() ({
      %run_scoped3A = tpu.sem_alloc : memref<!tpu.dma_semaphore, #tpu.memory_space<semaphore_mem>>
      %dma_start3A = arith.constant 0 : i32
      %dma_start3A_186 = tpu.memref_slice %arg7[%multiple_of3A_64, %dma_start3A] : memref<20224x128xf32, #tpu.memory_space<hbm>> -> memref<128x128xf32, #tpu.memory_space<hbm>>
      %dma_start3A_187 = arith.constant 0 : i32
      %dma_start3A_188 = tpu.memref_slice %arg17[%multiple_of3A_60, %dma_start3A_187] : memref<10112x128xf32, #tpu.memory_space<vmem_shared>> -> memref<128x128xf32, #tpu.memory_space<vmem_shared>>
      tpu.enqueue_dma source(%dma_start3A_188 : memref<128x128xf32, #tpu.memory_space<vmem_shared>>) target(%dma_start3A_186 : memref<128x128xf32, #tpu.memory_space<hbm>>) target_semaphore(%run_scoped3A : memref<!tpu.dma_semaphore, #tpu.memory_space<semaphore_mem>>)
      %dma_wait3A = arith.constant 0 : i32
      %dma_wait3A_189 = tpu.memref_slice %arg7[%multiple_of3A_64, %dma_wait3A] : memref<20224x128xf32, #tpu.memory_space<hbm>> -> memref<128x128xf32, #tpu.memory_space<hbm>>
      %dma_wait3A_190 = arith.constant 0 : i32
      %dma_wait3A_191 = tpu.memref_slice %arg17[%multiple_of3A_60, %dma_wait3A_190] : memref<10112x128xf32, #tpu.memory_space<vmem_shared>> -> memref<128x128xf32, #tpu.memory_space<vmem_shared>>
      tpu.wait_dma2 semaphore(%run_scoped3A : memref<!tpu.dma_semaphore, #tpu.memory_space<semaphore_mem>>) src(%dma_wait3A_191 : memref<128x128xf32, #tpu.memory_space<vmem_shared>>) dst(%dma_wait3A_189 : memref<128x128xf32, #tpu.memory_space<hbm>>)
      tpu.yield
    }) : () -> ()
    %mul3A_65 = arith.constant 632 : i32
    %mul3A_66 = arith.muli %arg1, %mul3A_65 : i32
    %add3A_67 = arith.constant 256 : i32
    %add3A_68 = arith.addi %mul3A_66, %add3A_67 : i32
    %multiple_of3A_69 = tpu.assume_multiple %add3A_68, 8 : i32
    %mul3A_70 = arith.constant 10112 : i32
    %mul3A_71 = arith.muli %arg0, %mul3A_70 : i32
    %add3A_72 = arith.addi %mul3A_71, %multiple_of3A_69 : i32
    %multiple_of3A_73 = tpu.assume_multiple %add3A_72, 8 : i32
    "tpu.region"() ({
      %run_scoped3A = tpu.sem_alloc : memref<!tpu.dma_semaphore, #tpu.memory_space<semaphore_mem>>
      %dma_start3A = arith.constant 0 : i32
      %dma_start3A_186 = tpu.memref_slice %arg7[%multiple_of3A_73, %dma_start3A] : memref<20224x128xf32, #tpu.memory_space<hbm>> -> memref<128x128xf32, #tpu.memory_space<hbm>>
      %dma_start3A_187 = arith.constant 0 : i32
      %dma_start3A_188 = tpu.memref_slice %arg17[%multiple_of3A_69, %dma_start3A_187] : memref<10112x128xf32, #tpu.memory_space<vmem_shared>> -> memref<128x128xf32, #tpu.memory_space<vmem_shared>>
      tpu.enqueue_dma source(%dma_start3A_188 : memref<128x128xf32, #tpu.memory_space<vmem_shared>>) target(%dma_start3A_186 : memref<128x128xf32, #tpu.memory_space<hbm>>) target_semaphore(%run_scoped3A : memref<!tpu.dma_semaphore, #tpu.memory_space<semaphore_mem>>)
      %dma_wait3A = arith.constant 0 : i32
      %dma_wait3A_189 = tpu.memref_slice %arg7[%multiple_of3A_73, %dma_wait3A] : memref<20224x128xf32, #tpu.memory_space<hbm>> -> memref<128x128xf32, #tpu.memory_space<hbm>>
      %dma_wait3A_190 = arith.constant 0 : i32
      %dma_wait3A_191 = tpu.memref_slice %arg17[%multiple_of3A_69, %dma_wait3A_190] : memref<10112x128xf32, #tpu.memory_space<vmem_shared>> -> memref<128x128xf32, #tpu.memory_space<vmem_shared>>
      tpu.wait_dma2 semaphore(%run_scoped3A : memref<!tpu.dma_semaphore, #tpu.memory_space<semaphore_mem>>) src(%dma_wait3A_191 : memref<128x128xf32, #tpu.memory_space<vmem_shared>>) dst(%dma_wait3A_189 : memref<128x128xf32, #tpu.memory_space<hbm>>)
      tpu.yield
    }) : () -> ()
    %mul3A_74 = arith.constant 632 : i32
    %mul3A_75 = arith.muli %arg1, %mul3A_74 : i32
    %add3A_76 = arith.constant 384 : i32
    %add3A_77 = arith.addi %mul3A_75, %add3A_76 : i32
    %multiple_of3A_78 = tpu.assume_multiple %add3A_77, 8 : i32
    %mul3A_79 = arith.constant 10112 : i32
    %mul3A_80 = arith.muli %arg0, %mul3A_79 : i32
    %add3A_81 = arith.addi %mul3A_80, %multiple_of3A_78 : i32
    %multiple_of3A_82 = tpu.assume_multiple %add3A_81, 8 : i32
    "tpu.region"() ({
      %run_scoped3A = tpu.sem_alloc : memref<!tpu.dma_semaphore, #tpu.memory_space<semaphore_mem>>
      %dma_start3A = arith.constant 0 : i32
      %dma_start3A_186 = tpu.memref_slice %arg7[%multiple_of3A_82, %dma_start3A] : memref<20224x128xf32, #tpu.memory_space<hbm>> -> memref<128x128xf32, #tpu.memory_space<hbm>>
      %dma_start3A_187 = arith.constant 0 : i32
      %dma_start3A_188 = tpu.memref_slice %arg17[%multiple_of3A_78, %dma_start3A_187] : memref<10112x128xf32, #tpu.memory_space<vmem_shared>> -> memref<128x128xf32, #tpu.memory_space<vmem_shared>>
      tpu.enqueue_dma source(%dma_start3A_188 : memref<128x128xf32, #tpu.memory_space<vmem_shared>>) target(%dma_start3A_186 : memref<128x128xf32, #tpu.memory_space<hbm>>) target_semaphore(%run_scoped3A : memref<!tpu.dma_semaphore, #tpu.memory_space<semaphore_mem>>)
      %dma_wait3A = arith.constant 0 : i32
      %dma_wait3A_189 = tpu.memref_slice %arg7[%multiple_of3A_82, %dma_wait3A] : memref<20224x128xf32, #tpu.memory_space<hbm>> -> memref<128x128xf32, #tpu.memory_space<hbm>>
      %dma_wait3A_190 = arith.constant 0 : i32
      %dma_wait3A_191 = tpu.memref_slice %arg17[%multiple_of3A_78, %dma_wait3A_190] : memref<10112x128xf32, #tpu.memory_space<vmem_shared>> -> memref<128x128xf32, #tpu.memory_space<vmem_shared>>
      tpu.wait_dma2 semaphore(%run_scoped3A : memref<!tpu.dma_semaphore, #tpu.memory_space<semaphore_mem>>) src(%dma_wait3A_191 : memref<128x128xf32, #tpu.memory_space<vmem_shared>>) dst(%dma_wait3A_189 : memref<128x128xf32, #tpu.memory_space<hbm>>)
      tpu.yield
    }) : () -> ()
    %mul3A_83 = arith.constant 632 : i32
    %mul3A_84 = arith.muli %arg1, %mul3A_83 : i32
    %add3A_85 = arith.constant 512 : i32
    %add3A_86 = arith.addi %mul3A_84, %add3A_85 : i32
    %multiple_of3A_87 = tpu.assume_multiple %add3A_86, 8 : i32
    %mul3A_88 = arith.constant 10112 : i32
    %mul3A_89 = arith.muli %arg0, %mul3A_88 : i32
    %add3A_90 = arith.addi %mul3A_89, %multiple_of3A_87 : i32
    %multiple_of3A_91 = tpu.assume_multiple %add3A_90, 8 : i32
    "tpu.region"() ({
      %run_scoped3A = tpu.sem_alloc : memref<!tpu.dma_semaphore, #tpu.memory_space<semaphore_mem>>
      %dma_start3A = arith.constant 0 : i32
      %dma_start3A_186 = tpu.memref_slice %arg7[%multiple_of3A_91, %dma_start3A] : memref<20224x128xf32, #tpu.memory_space<hbm>> -> memref<120x128xf32, #tpu.memory_space<hbm>>
      %dma_start3A_187 = arith.constant 0 : i32
      %dma_start3A_188 = tpu.memref_slice %arg17[%multiple_of3A_87, %dma_start3A_187] : memref<10112x128xf32, #tpu.memory_space<vmem_shared>> -> memref<120x128xf32, #tpu.memory_space<vmem_shared>>
      tpu.enqueue_dma source(%dma_start3A_188 : memref<120x128xf32, #tpu.memory_space<vmem_shared>>) target(%dma_start3A_186 : memref<120x128xf32, #tpu.memory_space<hbm>>) target_semaphore(%run_scoped3A : memref<!tpu.dma_semaphore, #tpu.memory_space<semaphore_mem>>)
      %dma_wait3A = arith.constant 0 : i32
      %dma_wait3A_189 = tpu.memref_slice %arg7[%multiple_of3A_91, %dma_wait3A] : memref<20224x128xf32, #tpu.memory_space<hbm>> -> memref<120x128xf32, #tpu.memory_space<hbm>>
      %dma_wait3A_190 = arith.constant 0 : i32
      %dma_wait3A_191 = tpu.memref_slice %arg17[%multiple_of3A_87, %dma_wait3A_190] : memref<10112x128xf32, #tpu.memory_space<vmem_shared>> -> memref<120x128xf32, #tpu.memory_space<vmem_shared>>
      tpu.wait_dma2 semaphore(%run_scoped3A : memref<!tpu.dma_semaphore, #tpu.memory_space<semaphore_mem>>) src(%dma_wait3A_191 : memref<120x128xf32, #tpu.memory_space<vmem_shared>>) dst(%dma_wait3A_189 : memref<120x128xf32, #tpu.memory_space<hbm>>)
      tpu.yield
    }) : () -> ()
    %scan3A_92 = arith.constant 0 : i32
    %scan3A_93 = arith.constant 0 : i32
    %scan3A_94 = arith.constant 128 : i32
    %scan3A_95 = arith.addi %scan3A_93, %scan3A_94 : i32
    %scan3A_96 = arith.constant 1 : i32
    scf.for %scan3A_186 = %scan3A_93 to %scan3A_95 step %scan3A_96  : i32 {
      %swap3A = arith.index_cast %scan3A_186 : i32 to index
      %swap3A_187 = arith.constant 0 : index
      %swap3A_188 = tpu.vector_load %arg14[%swap3A, %swap3A_187] {strides = array<i32>} : memref<128x128xf32, #tpu.memory_space<vmem>>, vector<1x16xf32>,
      %swap3A_189 = vector.shape_cast %swap3A_188 : vector<1x16xf32> to vector<16xf32>
      %swap3A_190 = vector.shape_cast %broadcast_in_dim3A_0 : vector<16xf32> to vector<1x16xf32>
      tpu.vector_store %arg14[%swap3A, %swap3A_187], %swap3A_190 {strides = array<i32>} : memref<128x128xf32, #tpu.memory_space<vmem>>, vector<1x16xf32>,
      %swap3A_191 = arith.index_cast %scan3A_186 : i32 to index
      %swap3A_192 = arith.constant 16 : index
      %swap3A_193 = tpu.vector_load %arg14[%swap3A_191, %swap3A_192] {strides = array<i32>} : memref<128x128xf32, #tpu.memory_space<vmem>>, vector<1x16xf32>,
      %swap3A_194 = vector.shape_cast %swap3A_193 : vector<1x16xf32> to vector<16xf32>
      %swap3A_195 = vector.shape_cast %broadcast_in_dim3A_0 : vector<16xf32> to vector<1x16xf32>
      tpu.vector_store %arg14[%swap3A_191, %swap3A_192], %swap3A_195 {strides = array<i32>} : memref<128x128xf32, #tpu.memory_space<vmem>>, vector<1x16xf32>,
      %swap3A_196 = arith.index_cast %scan3A_186 : i32 to index
      %swap3A_197 = arith.constant 32 : index
      %swap3A_198 = tpu.vector_load %arg14[%swap3A_196, %swap3A_197] {strides = array<i32>} : memref<128x128xf32, #tpu.memory_space<vmem>>, vector<1x16xf32>,
      %swap3A_199 = vector.shape_cast %swap3A_198 : vector<1x16xf32> to vector<16xf32>
      %swap3A_200 = vector.shape_cast %broadcast_in_dim3A_0 : vector<16xf32> to vector<1x16xf32>
      tpu.vector_store %arg14[%swap3A_196, %swap3A_197], %swap3A_200 {strides = array<i32>} : memref<128x128xf32, #tpu.memory_space<vmem>>, vector<1x16xf32>,
      %swap3A_201 = arith.index_cast %scan3A_186 : i32 to index
      %swap3A_202 = arith.constant 48 : index
      %swap3A_203 = tpu.vector_load %arg14[%swap3A_201, %swap3A_202] {strides = array<i32>} : memref<128x128xf32, #tpu.memory_space<vmem>>, vector<1x16xf32>,
      %swap3A_204 = vector.shape_cast %swap3A_203 : vector<1x16xf32> to vector<16xf32>
      %swap3A_205 = vector.shape_cast %broadcast_in_dim3A_0 : vector<16xf32> to vector<1x16xf32>
      tpu.vector_store %arg14[%swap3A_201, %swap3A_202], %swap3A_205 {strides = array<i32>} : memref<128x128xf32, #tpu.memory_space<vmem>>, vector<1x16xf32>,
      %swap3A_206 = arith.index_cast %scan3A_186 : i32 to index
      %swap3A_207 = arith.constant 64 : index
      %swap3A_208 = tpu.vector_load %arg14[%swap3A_206, %swap3A_207] {strides = array<i32>} : memref<128x128xf32, #tpu.memory_space<vmem>>, vector<1x16xf32>,
      %swap3A_209 = vector.shape_cast %swap3A_208 : vector<1x16xf32> to vector<16xf32>
      %swap3A_210 = vector.shape_cast %broadcast_in_dim3A_0 : vector<16xf32> to vector<1x16xf32>
      tpu.vector_store %arg14[%swap3A_206, %swap3A_207], %swap3A_210 {strides = array<i32>} : memref<128x128xf32, #tpu.memory_space<vmem>>, vector<1x16xf32>,
      %swap3A_211 = arith.index_cast %scan3A_186 : i32 to index
      %swap3A_212 = arith.constant 80 : index
      %swap3A_213 = tpu.vector_load %arg14[%swap3A_211, %swap3A_212] {strides = array<i32>} : memref<128x128xf32, #tpu.memory_space<vmem>>, vector<1x16xf32>,
      %swap3A_214 = vector.shape_cast %swap3A_213 : vector<1x16xf32> to vector<16xf32>
      %swap3A_215 = vector.shape_cast %broadcast_in_dim3A_0 : vector<16xf32> to vector<1x16xf32>
      tpu.vector_store %arg14[%swap3A_211, %swap3A_212], %swap3A_215 {strides = array<i32>} : memref<128x128xf32, #tpu.memory_space<vmem>>, vector<1x16xf32>,
      %swap3A_216 = arith.index_cast %scan3A_186 : i32 to index
      %swap3A_217 = arith.constant 96 : index
      %swap3A_218 = tpu.vector_load %arg14[%swap3A_216, %swap3A_217] {strides = array<i32>} : memref<128x128xf32, #tpu.memory_space<vmem>>, vector<1x16xf32>,
      %swap3A_219 = vector.shape_cast %swap3A_218 : vector<1x16xf32> to vector<16xf32>
      %swap3A_220 = vector.shape_cast %broadcast_in_dim3A_0 : vector<16xf32> to vector<1x16xf32>
      tpu.vector_store %arg14[%swap3A_216, %swap3A_217], %swap3A_220 {strides = array<i32>} : memref<128x128xf32, #tpu.memory_space<vmem>>, vector<1x16xf32>,
      %swap3A_221 = arith.index_cast %scan3A_186 : i32 to index
      %swap3A_222 = arith.constant 112 : index
      %swap3A_223 = tpu.vector_load %arg14[%swap3A_221, %swap3A_222] {strides = array<i32>} : memref<128x128xf32, #tpu.memory_space<vmem>>, vector<1x16xf32>,
      %swap3A_224 = vector.shape_cast %swap3A_223 : vector<1x16xf32> to vector<16xf32>
      %swap3A_225 = vector.shape_cast %broadcast_in_dim3A_0 : vector<16xf32> to vector<1x16xf32>
      tpu.vector_store %arg14[%swap3A_221, %swap3A_222], %swap3A_225 {strides = array<i32>} : memref<128x128xf32, #tpu.memory_space<vmem>>, vector<1x16xf32>,
    }
    %scan3A_97 = arith.constant 128 : i32
    %mul3A_98 = arith.constant 632 : i32
    %mul3A_99 = arith.muli %arg1, %mul3A_98 : i32
    %add3A_100 = arith.constant 0 : i32
    %add3A_101 = arith.addi %mul3A_99, %add3A_100 : i32
    %multiple_of3A_102 = tpu.assume_multiple %add3A_101, 8 : i32
    "tpu.region"() ({
      %run_scoped3A = tpu.sem_alloc : memref<!tpu.dma_semaphore, #tpu.memory_space<semaphore_mem>>
      %dma_start3A = arith.constant 0 : i32
      %dma_start3A_186 = arith.constant 0 : i32
      %dma_start3A_187 = tpu.memref_slice %arg14[%dma_start3A, %dma_start3A_186] : memref<128x128xf32, #tpu.memory_space<vmem>> -> memref<128x128xf32, #tpu.memory_space<vmem>>
      %dma_start3A_188 = arith.constant 0 : i32
      %dma_start3A_189 = tpu.memref_slice %arg17[%multiple_of3A_102, %dma_start3A_188] : memref<10112x128xf32, #tpu.memory_space<vmem_shared>> -> memref<128x128xf32, #tpu.memory_space<vmem_shared>>
      %dma_start3A_190 = arith.constant 0 : i32
      %dma_start3A_191 = tpu.memref_slice %arg17[%multiple_of3A_102, %dma_start3A_190] : memref<10112x128xf32, #tpu.memory_space<vmem_shared>> -> memref<128x128xf32, #tpu.memory_space<vmem_shared>>
      %dma_start3A_192 = arith.constant 0 : i32
      %dma_start3A_193 = arith.constant 0 : i32
      %dma_start3A_194 = tpu.memref_slice %arg14[%dma_start3A_192, %dma_start3A_193] : memref<128x128xf32, #tpu.memory_space<vmem>> -> memref<128x128xf32, #tpu.memory_space<vmem>>
      tpu.enqueue_dma source(%dma_start3A_194 : memref<128x128xf32, #tpu.memory_space<vmem>>) target(%dma_start3A_191 : memref<128x128xf32, #tpu.memory_space<vmem_shared>>) target_semaphore(%run_scoped3A : memref<!tpu.dma_semaphore, #tpu.memory_space<semaphore_mem>>)
      %dma_wait3A = arith.constant 0 : i32
      %dma_wait3A_195 = arith.constant 0 : i32
      %dma_wait3A_196 = tpu.memref_slice %arg14[%dma_wait3A, %dma_wait3A_195] : memref<128x128xf32, #tpu.memory_space<vmem>> -> memref<128x128xf32, #tpu.memory_space<vmem>>
      %dma_wait3A_197 = arith.constant 0 : i32
      %dma_wait3A_198 = tpu.memref_slice %arg17[%multiple_of3A_102, %dma_wait3A_197] : memref<10112x128xf32, #tpu.memory_space<vmem_shared>> -> memref<128x128xf32, #tpu.memory_space<vmem_shared>>
      %dma_wait3A_199 = arith.constant 0 : i32
      %dma_wait3A_200 = tpu.memref_slice %arg17[%multiple_of3A_102, %dma_wait3A_199] : memref<10112x128xf32, #tpu.memory_space<vmem_shared>> -> memref<128x128xf32, #tpu.memory_space<vmem_shared>>
      %dma_wait3A_201 = arith.constant 0 : i32
      %dma_wait3A_202 = arith.constant 0 : i32
      %dma_wait3A_203 = tpu.memref_slice %arg14[%dma_wait3A_201, %dma_wait3A_202] : memref<128x128xf32, #tpu.memory_space<vmem>> -> memref<128x128xf32, #tpu.memory_space<vmem>>
      tpu.wait_dma2 semaphore(%run_scoped3A : memref<!tpu.dma_semaphore, #tpu.memory_space<semaphore_mem>>) src(%dma_wait3A_203 : memref<128x128xf32, #tpu.memory_space<vmem>>) dst(%dma_wait3A_200 : memref<128x128xf32, #tpu.memory_space<vmem_shared>>)
      tpu.yield
    }) : () -> ()
    %mul3A_103 = arith.constant 632 : i32
    %mul3A_104 = arith.muli %arg1, %mul3A_103 : i32
    %add3A_105 = arith.constant 128 : i32
    %add3A_106 = arith.addi %mul3A_104, %add3A_105 : i32
    %multiple_of3A_107 = tpu.assume_multiple %add3A_106, 8 : i32
    "tpu.region"() ({
      %run_scoped3A = tpu.sem_alloc : memref<!tpu.dma_semaphore, #tpu.memory_space<semaphore_mem>>
      %dma_start3A = arith.constant 0 : i32
      %dma_start3A_186 = arith.constant 0 : i32
      %dma_start3A_187 = tpu.memref_slice %arg14[%dma_start3A, %dma_start3A_186] : memref<128x128xf32, #tpu.memory_space<vmem>> -> memref<128x128xf32, #tpu.memory_space<vmem>>
      %dma_start3A_188 = arith.constant 0 : i32
      %dma_start3A_189 = tpu.memref_slice %arg17[%multiple_of3A_107, %dma_start3A_188] : memref<10112x128xf32, #tpu.memory_space<vmem_shared>> -> memref<128x128xf32, #tpu.memory_space<vmem_shared>>
      %dma_start3A_190 = arith.constant 0 : i32
      %dma_start3A_191 = tpu.memref_slice %arg17[%multiple_of3A_107, %dma_start3A_190] : memref<10112x128xf32, #tpu.memory_space<vmem_shared>> -> memref<128x128xf32, #tpu.memory_space<vmem_shared>>
      %dma_start3A_192 = arith.constant 0 : i32
      %dma_start3A_193 = arith.constant 0 : i32
      %dma_start3A_194 = tpu.memref_slice %arg14[%dma_start3A_192, %dma_start3A_193] : memref<128x128xf32, #tpu.memory_space<vmem>> -> memref<128x128xf32, #tpu.memory_space<vmem>>
      tpu.enqueue_dma source(%dma_start3A_194 : memref<128x128xf32, #tpu.memory_space<vmem>>) target(%dma_start3A_191 : memref<128x128xf32, #tpu.memory_space<vmem_shared>>) target_semaphore(%run_scoped3A : memref<!tpu.dma_semaphore, #tpu.memory_space<semaphore_mem>>)
      %dma_wait3A = arith.constant 0 : i32
      %dma_wait3A_195 = arith.constant 0 : i32
      %dma_wait3A_196 = tpu.memref_slice %arg14[%dma_wait3A, %dma_wait3A_195] : memref<128x128xf32, #tpu.memory_space<vmem>> -> memref<128x128xf32, #tpu.memory_space<vmem>>
      %dma_wait3A_197 = arith.constant 0 : i32
      %dma_wait3A_198 = tpu.memref_slice %arg17[%multiple_of3A_107, %dma_wait3A_197] : memref<10112x128xf32, #tpu.memory_space<vmem_shared>> -> memref<128x128xf32, #tpu.memory_space<vmem_shared>>
      %dma_wait3A_199 = arith.constant 0 : i32
      %dma_wait3A_200 = tpu.memref_slice %arg17[%multiple_of3A_107, %dma_wait3A_199] : memref<10112x128xf32, #tpu.memory_space<vmem_shared>> -> memref<128x128xf32, #tpu.memory_space<vmem_shared>>
      %dma_wait3A_201 = arith.constant 0 : i32
      %dma_wait3A_202 = arith.constant 0 : i32
      %dma_wait3A_203 = tpu.memref_slice %arg14[%dma_wait3A_201, %dma_wait3A_202] : memref<128x128xf32, #tpu.memory_space<vmem>> -> memref<128x128xf32, #tpu.memory_space<vmem>>
      tpu.wait_dma2 semaphore(%run_scoped3A : memref<!tpu.dma_semaphore, #tpu.memory_space<semaphore_mem>>) src(%dma_wait3A_203 : memref<128x128xf32, #tpu.memory_space<vmem>>) dst(%dma_wait3A_200 : memref<128x128xf32, #tpu.memory_space<vmem_shared>>)
      tpu.yield
    }) : () -> ()
    %mul3A_108 = arith.constant 632 : i32
    %mul3A_109 = arith.muli %arg1, %mul3A_108 : i32
    %add3A_110 = arith.constant 256 : i32
    %add3A_111 = arith.addi %mul3A_109, %add3A_110 : i32
    %multiple_of3A_112 = tpu.assume_multiple %add3A_111, 8 : i32
    "tpu.region"() ({
      %run_scoped3A = tpu.sem_alloc : memref<!tpu.dma_semaphore, #tpu.memory_space<semaphore_mem>>
      %dma_start3A = arith.constant 0 : i32
      %dma_start3A_186 = arith.constant 0 : i32
      %dma_start3A_187 = tpu.memref_slice %arg14[%dma_start3A, %dma_start3A_186] : memref<128x128xf32, #tpu.memory_space<vmem>> -> memref<128x128xf32, #tpu.memory_space<vmem>>
      %dma_start3A_188 = arith.constant 0 : i32
      %dma_start3A_189 = tpu.memref_slice %arg17[%multiple_of3A_112, %dma_start3A_188] : memref<10112x128xf32, #tpu.memory_space<vmem_shared>> -> memref<128x128xf32, #tpu.memory_space<vmem_shared>>
      %dma_start3A_190 = arith.constant 0 : i32
      %dma_start3A_191 = tpu.memref_slice %arg17[%multiple_of3A_112, %dma_start3A_190] : memref<10112x128xf32, #tpu.memory_space<vmem_shared>> -> memref<128x128xf32, #tpu.memory_space<vmem_shared>>
      %dma_start3A_192 = arith.constant 0 : i32
      %dma_start3A_193 = arith.constant 0 : i32
      %dma_start3A_194 = tpu.memref_slice %arg14[%dma_start3A_192, %dma_start3A_193] : memref<128x128xf32, #tpu.memory_space<vmem>> -> memref<128x128xf32, #tpu.memory_space<vmem>>
      tpu.enqueue_dma source(%dma_start3A_194 : memref<128x128xf32, #tpu.memory_space<vmem>>) target(%dma_start3A_191 : memref<128x128xf32, #tpu.memory_space<vmem_shared>>) target_semaphore(%run_scoped3A : memref<!tpu.dma_semaphore, #tpu.memory_space<semaphore_mem>>)
      %dma_wait3A = arith.constant 0 : i32
      %dma_wait3A_195 = arith.constant 0 : i32
      %dma_wait3A_196 = tpu.memref_slice %arg14[%dma_wait3A, %dma_wait3A_195] : memref<128x128xf32, #tpu.memory_space<vmem>> -> memref<128x128xf32, #tpu.memory_space<vmem>>
      %dma_wait3A_197 = arith.constant 0 : i32
      %dma_wait3A_198 = tpu.memref_slice %arg17[%multiple_of3A_112, %dma_wait3A_197] : memref<10112x128xf32, #tpu.memory_space<vmem_shared>> -> memref<128x128xf32, #tpu.memory_space<vmem_shared>>
      %dma_wait3A_199 = arith.constant 0 : i32
      %dma_wait3A_200 = tpu.memref_slice %arg17[%multiple_of3A_112, %dma_wait3A_199] : memref<10112x128xf32, #tpu.memory_space<vmem_shared>> -> memref<128x128xf32, #tpu.memory_space<vmem_shared>>
      %dma_wait3A_201 = arith.constant 0 : i32
      %dma_wait3A_202 = arith.constant 0 : i32
      %dma_wait3A_203 = tpu.memref_slice %arg14[%dma_wait3A_201, %dma_wait3A_202] : memref<128x128xf32, #tpu.memory_space<vmem>> -> memref<128x128xf32, #tpu.memory_space<vmem>>
      tpu.wait_dma2 semaphore(%run_scoped3A : memref<!tpu.dma_semaphore, #tpu.memory_space<semaphore_mem>>) src(%dma_wait3A_203 : memref<128x128xf32, #tpu.memory_space<vmem>>) dst(%dma_wait3A_200 : memref<128x128xf32, #tpu.memory_space<vmem_shared>>)
      tpu.yield
    }) : () -> ()
    %mul3A_113 = arith.constant 632 : i32
    %mul3A_114 = arith.muli %arg1, %mul3A_113 : i32
    %add3A_115 = arith.constant 384 : i32
    %add3A_116 = arith.addi %mul3A_114, %add3A_115 : i32
    %multiple_of3A_117 = tpu.assume_multiple %add3A_116, 8 : i32
    "tpu.region"() ({
      %run_scoped3A = tpu.sem_alloc : memref<!tpu.dma_semaphore, #tpu.memory_space<semaphore_mem>>
      %dma_start3A = arith.constant 0 : i32
      %dma_start3A_186 = arith.constant 0 : i32
      %dma_start3A_187 = tpu.memref_slice %arg14[%dma_start3A, %dma_start3A_186] : memref<128x128xf32, #tpu.memory_space<vmem>> -> memref<128x128xf32, #tpu.memory_space<vmem>>
      %dma_start3A_188 = arith.constant 0 : i32
      %dma_start3A_189 = tpu.memref_slice %arg17[%multiple_of3A_117, %dma_start3A_188] : memref<10112x128xf32, #tpu.memory_space<vmem_shared>> -> memref<128x128xf32, #tpu.memory_space<vmem_shared>>
      %dma_start3A_190 = arith.constant 0 : i32
      %dma_start3A_191 = tpu.memref_slice %arg17[%multiple_of3A_117, %dma_start3A_190] : memref<10112x128xf32, #tpu.memory_space<vmem_shared>> -> memref<128x128xf32, #tpu.memory_space<vmem_shared>>
      %dma_start3A_192 = arith.constant 0 : i32
      %dma_start3A_193 = arith.constant 0 : i32
      %dma_start3A_194 = tpu.memref_slice %arg14[%dma_start3A_192, %dma_start3A_193] : memref<128x128xf32, #tpu.memory_space<vmem>> -> memref<128x128xf32, #tpu.memory_space<vmem>>
      tpu.enqueue_dma source(%dma_start3A_194 : memref<128x128xf32, #tpu.memory_space<vmem>>) target(%dma_start3A_191 : memref<128x128xf32, #tpu.memory_space<vmem_shared>>) target_semaphore(%run_scoped3A : memref<!tpu.dma_semaphore, #tpu.memory_space<semaphore_mem>>)
      %dma_wait3A = arith.constant 0 : i32
      %dma_wait3A_195 = arith.constant 0 : i32
      %dma_wait3A_196 = tpu.memref_slice %arg14[%dma_wait3A, %dma_wait3A_195] : memref<128x128xf32, #tpu.memory_space<vmem>> -> memref<128x128xf32, #tpu.memory_space<vmem>>
      %dma_wait3A_197 = arith.constant 0 : i32
      %dma_wait3A_198 = tpu.memref_slice %arg17[%multiple_of3A_117, %dma_wait3A_197] : memref<10112x128xf32, #tpu.memory_space<vmem_shared>> -> memref<128x128xf32, #tpu.memory_space<vmem_shared>>
      %dma_wait3A_199 = arith.constant 0 : i32
      %dma_wait3A_200 = tpu.memref_slice %arg17[%multiple_of3A_117, %dma_wait3A_199] : memref<10112x128xf32, #tpu.memory_space<vmem_shared>> -> memref<128x128xf32, #tpu.memory_space<vmem_shared>>
      %dma_wait3A_201 = arith.constant 0 : i32
      %dma_wait3A_202 = arith.constant 0 : i32
      %dma_wait3A_203 = tpu.memref_slice %arg14[%dma_wait3A_201, %dma_wait3A_202] : memref<128x128xf32, #tpu.memory_space<vmem>> -> memref<128x128xf32, #tpu.memory_space<vmem>>
      tpu.wait_dma2 semaphore(%run_scoped3A : memref<!tpu.dma_semaphore, #tpu.memory_space<semaphore_mem>>) src(%dma_wait3A_203 : memref<128x128xf32, #tpu.memory_space<vmem>>) dst(%dma_wait3A_200 : memref<128x128xf32, #tpu.memory_space<vmem_shared>>)
      tpu.yield
    }) : () -> ()
    %mul3A_118 = arith.constant 632 : i32
    %mul3A_119 = arith.muli %arg1, %mul3A_118 : i32
    %add3A_120 = arith.constant 512 : i32
    %add3A_121 = arith.addi %mul3A_119, %add3A_120 : i32
    %multiple_of3A_122 = tpu.assume_multiple %add3A_121, 8 : i32
    "tpu.region"() ({
      %run_scoped3A = tpu.sem_alloc : memref<!tpu.dma_semaphore, #tpu.memory_space<semaphore_mem>>
      %dma_start3A = arith.constant 0 : i32
      %dma_start3A_186 = arith.constant 0 : i32
      %dma_start3A_187 = tpu.memref_slice %arg14[%dma_start3A, %dma_start3A_186] : memref<128x128xf32, #tpu.memory_space<vmem>> -> memref<120x128xf32, #tpu.memory_space<vmem>>
      %dma_start3A_188 = arith.constant 0 : i32
      %dma_start3A_189 = tpu.memref_slice %arg17[%multiple_of3A_122, %dma_start3A_188] : memref<10112x128xf32, #tpu.memory_space<vmem_shared>> -> memref<120x128xf32, #tpu.memory_space<vmem_shared>>
      %dma_start3A_190 = arith.constant 0 : i32
      %dma_start3A_191 = tpu.memref_slice %arg17[%multiple_of3A_122, %dma_start3A_190] : memref<10112x128xf32, #tpu.memory_space<vmem_shared>> -> memref<120x128xf32, #tpu.memory_space<vmem_shared>>
      %dma_start3A_192 = arith.constant 0 : i32
      %dma_start3A_193 = arith.constant 0 : i32
      %dma_start3A_194 = tpu.memref_slice %arg14[%dma_start3A_192, %dma_start3A_193] : memref<128x128xf32, #tpu.memory_space<vmem>> -> memref<120x128xf32, #tpu.memory_space<vmem>>
      tpu.enqueue_dma source(%dma_start3A_194 : memref<120x128xf32, #tpu.memory_space<vmem>>) target(%dma_start3A_191 : memref<120x128xf32, #tpu.memory_space<vmem_shared>>) target_semaphore(%run_scoped3A : memref<!tpu.dma_semaphore, #tpu.memory_space<semaphore_mem>>)
      %dma_wait3A = arith.constant 0 : i32
      %dma_wait3A_195 = arith.constant 0 : i32
      %dma_wait3A_196 = tpu.memref_slice %arg14[%dma_wait3A, %dma_wait3A_195] : memref<128x128xf32, #tpu.memory_space<vmem>> -> memref<120x128xf32, #tpu.memory_space<vmem>>
      %dma_wait3A_197 = arith.constant 0 : i32
      %dma_wait3A_198 = tpu.memref_slice %arg17[%multiple_of3A_122, %dma_wait3A_197] : memref<10112x128xf32, #tpu.memory_space<vmem_shared>> -> memref<120x128xf32, #tpu.memory_space<vmem_shared>>
      %dma_wait3A_199 = arith.constant 0 : i32
      %dma_wait3A_200 = tpu.memref_slice %arg17[%multiple_of3A_122, %dma_wait3A_199] : memref<10112x128xf32, #tpu.memory_space<vmem_shared>> -> memref<120x128xf32, #tpu.memory_space<vmem_shared>>
      %dma_wait3A_201 = arith.constant 0 : i32
      %dma_wait3A_202 = arith.constant 0 : i32
      %dma_wait3A_203 = tpu.memref_slice %arg14[%dma_wait3A_201, %dma_wait3A_202] : memref<128x128xf32, #tpu.memory_space<vmem>> -> memref<120x128xf32, #tpu.memory_space<vmem>>
      tpu.wait_dma2 semaphore(%run_scoped3A : memref<!tpu.dma_semaphore, #tpu.memory_space<semaphore_mem>>) src(%dma_wait3A_203 : memref<120x128xf32, #tpu.memory_space<vmem>>) dst(%dma_wait3A_200 : memref<120x128xf32, #tpu.memory_space<vmem_shared>>)
      tpu.yield
    }) : () -> ()
    %scan3A_123 = arith.constant 0 : i32
    %scan3A_124 = arith.constant 0 : i32
    %scan3A_125 = arith.constant 128 : i32
    %scan3A_126 = arith.addi %scan3A_124, %scan3A_125 : i32
    %scan3A_127 = arith.constant 1 : i32
    scf.for %scan3A_186 = %scan3A_124 to %scan3A_126 step %scan3A_127  : i32 {
      %swap3A = arith.index_cast %scan3A_186 : i32 to index
      %swap3A_187 = arith.constant 0 : index
      %swap3A_188 = tpu.vector_load %arg14[%swap3A, %swap3A_187] {strides = array<i32>} : memref<128x128xf32, #tpu.memory_space<vmem>>, vector<1x16xf32>,
      %swap3A_189 = vector.shape_cast %swap3A_188 : vector<1x16xf32> to vector<16xf32>
      %swap3A_190 = vector.shape_cast %convert_element_type3A : vector<16xf32> to vector<1x16xf32>
      tpu.vector_store %arg14[%swap3A, %swap3A_187], %swap3A_190 {strides = array<i32>} : memref<128x128xf32, #tpu.memory_space<vmem>>, vector<1x16xf32>,
    }
    %scan3A_128 = arith.constant 128 : i32
    %barrier3A_129 = arith.constant 0 : index
    tpu.barrier barrier_id(%barrier3A_129)
    %eq3A_130 = arith.constant 0 : i32
    %eq3A_131 = arith.cmpi eq, %arg0, %eq3A_130 : i32
    %convert_element_type3A_132 = arith.extui %eq3A_131 : i1 to i32
    %cond3A_133 = arith.constant 0 : i32
    %cond3A_134 = arith.cmpi ne, %convert_element_type3A_132, %cond3A_133 : i32
    scf.if %cond3A_134 {
      %scan3A_186 = arith.constant 0 : i32
      %scan3A_187 = arith.constant 0 : i32
      %scan3A_188 = arith.constant 51 : i32
      %scan3A_189 = arith.addi %scan3A_187, %scan3A_188 : i32
      %scan3A_190 = arith.constant 1 : i32
      scf.for %scan3A_192 = %scan3A_187 to %scan3A_189 step %scan3A_190  : i32 {
        %add3A_193 = arith.addi %mul3A_33, %scan3A_192 : i32
        %mul3A_194 = arith.constant 128 : i32
        %mul3A_195 = arith.muli %add3A_193, %mul3A_194 : i32
        %multiple_of3A_196 = tpu.assume_multiple %mul3A_195, 8 : i32
        "tpu.region"() ({
          %run_scoped3A = tpu.sem_alloc : memref<!tpu.dma_semaphore, #tpu.memory_space<semaphore_mem>>
          %dma_start3A = tpu.memref_slice %arg5[%multiple_of3A_196] : memref<163840xi32, #tpu.memory_space<hbm>> -> memref<128xi32, #tpu.memory_space<hbm>>
          %dma_start3A_197 = tpu.memref_slice %arg5[%multiple_of3A_196] : memref<163840xi32, #tpu.memory_space<hbm>> -> memref<128xi32, #tpu.memory_space<hbm>>
          tpu.enqueue_dma source(%dma_start3A_197 : memref<128xi32, #tpu.memory_space<hbm>>) target(%arg10 : memref<128xi32, #tpu.memory_space<vmem>>) target_semaphore(%run_scoped3A : memref<!tpu.dma_semaphore, #tpu.memory_space<semaphore_mem>>)
          %dma_wait3A = tpu.memref_slice %arg5[%multiple_of3A_196] : memref<163840xi32, #tpu.memory_space<hbm>> -> memref<128xi32, #tpu.memory_space<hbm>>
          %dma_wait3A_198 = tpu.memref_slice %arg5[%multiple_of3A_196] : memref<163840xi32, #tpu.memory_space<hbm>> -> memref<128xi32, #tpu.memory_space<hbm>>
          tpu.wait_dma2 semaphore(%run_scoped3A : memref<!tpu.dma_semaphore, #tpu.memory_space<semaphore_mem>>) src(%dma_wait3A_198 : memref<128xi32, #tpu.memory_space<hbm>>) dst(%arg10 : memref<128xi32, #tpu.memory_space<vmem>>)
          tpu.yield
        }) : () -> ()
        "tpu.region"() ({
          %run_scoped3A = tpu.sem_alloc : memref<!tpu.dma_semaphore, #tpu.memory_space<semaphore_mem>>
          %dma_start3A = arith.constant 0 : i32
          %dma_start3A_197 = arith.constant 0 : i32
          %dma_start3A_198 = tpu.memref_slice %arg17[%dma_start3A, %dma_start3A_197] : memref<10112x128xf32, #tpu.memory_space<vmem_shared>> -> memref<10112x128xf32, #tpu.memory_space<vmem_shared>>
          tpu.enqueue_indirect_dma source(%arg14 : memref<128x128xf32, #tpu.memory_space<vmem>>) target(%dma_start3A_198 : memref<10112x128xf32, #tpu.memory_space<vmem_shared>>) offsets(%arg10 : memref<128xi32, #tpu.memory_space<vmem>>) semaphore(%run_scoped3A : memref<!tpu.dma_semaphore, #tpu.memory_space<semaphore_mem>>) {add = true}
          %dma_wait3A = arith.constant 0 : i32
          %dma_wait3A_199 = arith.constant 0 : i32
          %dma_wait3A_200 = tpu.memref_slice %arg17[%dma_wait3A, %dma_wait3A_199] : memref<10112x128xf32, #tpu.memory_space<vmem_shared>> -> memref<10112x128xf32, #tpu.memory_space<vmem_shared>>
          tpu.wait_indirect_dma semaphore(%run_scoped3A : memref<!tpu.dma_semaphore, #tpu.memory_space<semaphore_mem>>) src(%arg14 : memref<128x128xf32, #tpu.memory_space<vmem>>) dst(%dma_wait3A_200 : memref<10112x128xf32, #tpu.memory_space<vmem_shared>>)
          tpu.yield
        }) : () -> ()
      }
      %scan3A_191 = arith.constant 51 : i32
    } else {
    }
    %eq3A_135 = arith.constant 1 : i32
    %eq3A_136 = arith.cmpi eq, %arg0, %eq3A_135 : i32
    %convert_element_type3A_137 = arith.extui %eq3A_136 : i1 to i32
    %cond3A_138 = arith.constant 0 : i32
    %cond3A_139 = arith.cmpi ne, %convert_element_type3A_137, %cond3A_138 : i32
    scf.if %cond3A_139 {
      %scan3A_186 = arith.constant 0 : i32
      %scan3A_187 = arith.constant 0 : i32
      %scan3A_188 = arith.constant 29 : i32
      %scan3A_189 = arith.addi %scan3A_187, %scan3A_188 : i32
      %scan3A_190 = arith.constant 1 : i32
      scf.for %scan3A_192 = %scan3A_187 to %scan3A_189 step %scan3A_190  : i32 {
        %add3A_193 = arith.addi %add3A_37, %scan3A_192 : i32
        %mul3A_194 = arith.constant 128 : i32
        %mul3A_195 = arith.muli %add3A_193, %mul3A_194 : i32
        %multiple_of3A_196 = tpu.assume_multiple %mul3A_195, 8 : i32
        "tpu.region"() ({
          %run_scoped3A = tpu.sem_alloc : memref<!tpu.dma_semaphore, #tpu.memory_space<semaphore_mem>>
          %dma_start3A = tpu.memref_slice %arg5[%multiple_of3A_196] : memref<163840xi32, #tpu.memory_space<hbm>> -> memref<128xi32, #tpu.memory_space<hbm>>
          %dma_start3A_197 = tpu.memref_slice %arg5[%multiple_of3A_196] : memref<163840xi32, #tpu.memory_space<hbm>> -> memref<128xi32, #tpu.memory_space<hbm>>
          tpu.enqueue_dma source(%dma_start3A_197 : memref<128xi32, #tpu.memory_space<hbm>>) target(%arg10 : memref<128xi32, #tpu.memory_space<vmem>>) target_semaphore(%run_scoped3A : memref<!tpu.dma_semaphore, #tpu.memory_space<semaphore_mem>>)
          %dma_wait3A = tpu.memref_slice %arg5[%multiple_of3A_196] : memref<163840xi32, #tpu.memory_space<hbm>> -> memref<128xi32, #tpu.memory_space<hbm>>
          %dma_wait3A_198 = tpu.memref_slice %arg5[%multiple_of3A_196] : memref<163840xi32, #tpu.memory_space<hbm>> -> memref<128xi32, #tpu.memory_space<hbm>>
          tpu.wait_dma2 semaphore(%run_scoped3A : memref<!tpu.dma_semaphore, #tpu.memory_space<semaphore_mem>>) src(%dma_wait3A_198 : memref<128xi32, #tpu.memory_space<hbm>>) dst(%arg10 : memref<128xi32, #tpu.memory_space<vmem>>)
          tpu.yield
        }) : () -> ()
        "tpu.region"() ({
          %run_scoped3A = tpu.sem_alloc : memref<!tpu.dma_semaphore, #tpu.memory_space<semaphore_mem>>
          %dma_start3A = arith.constant 0 : i32
          %dma_start3A_197 = arith.constant 0 : i32
          %dma_start3A_198 = tpu.memref_slice %arg17[%dma_start3A, %dma_start3A_197] : memref<10112x128xf32, #tpu.memory_space<vmem_shared>> -> memref<10112x128xf32, #tpu.memory_space<vmem_shared>>
          tpu.enqueue_indirect_dma source(%arg14 : memref<128x128xf32, #tpu.memory_space<vmem>>) target(%dma_start3A_198 : memref<10112x128xf32, #tpu.memory_space<vmem_shared>>) offsets(%arg10 : memref<128xi32, #tpu.memory_space<vmem>>) semaphore(%run_scoped3A : memref<!tpu.dma_semaphore, #tpu.memory_space<semaphore_mem>>) {add = true}
          %dma_wait3A = arith.constant 0 : i32
          %dma_wait3A_199 = arith.constant 0 : i32
          %dma_wait3A_200 = tpu.memref_slice %arg17[%dma_wait3A, %dma_wait3A_199] : memref<10112x128xf32, #tpu.memory_space<vmem_shared>> -> memref<10112x128xf32, #tpu.memory_space<vmem_shared>>
          tpu.wait_indirect_dma semaphore(%run_scoped3A : memref<!tpu.dma_semaphore, #tpu.memory_space<semaphore_mem>>) src(%arg14 : memref<128x128xf32, #tpu.memory_space<vmem>>) dst(%dma_wait3A_200 : memref<10112x128xf32, #tpu.memory_space<vmem_shared>>)
          tpu.yield
        }) : () -> ()
      }
      %scan3A_191 = arith.constant 29 : i32
    } else {
    }
    %barrier3A_140 = arith.constant 0 : index
    tpu.barrier barrier_id(%barrier3A_140)
    %mul3A_141 = arith.constant 632 : i32
    %mul3A_142 = arith.muli %arg1, %mul3A_141 : i32
    %add3A_143 = arith.constant 0 : i32
    %add3A_144 = arith.addi %mul3A_142, %add3A_143 : i32
    %multiple_of3A_145 = tpu.assume_multiple %add3A_144, 8 : i32
    %mul3A_146 = arith.constant 10112 : i32
    %mul3A_147 = arith.muli %arg0, %mul3A_146 : i32
    %add3A_148 = arith.addi %mul3A_147, %multiple_of3A_145 : i32
    %multiple_of3A_149 = tpu.assume_multiple %add3A_148, 8 : i32
    "tpu.region"() ({
      %run_scoped3A = tpu.sem_alloc : memref<!tpu.dma_semaphore, #tpu.memory_space<semaphore_mem>>
      %dma_start3A = arith.constant 0 : i32
      %dma_start3A_186 = tpu.memref_slice %arg8[%multiple_of3A_149, %dma_start3A] : memref<20224x128xf32, #tpu.memory_space<hbm>> -> memref<128x128xf32, #tpu.memory_space<hbm>>
      %dma_start3A_187 = arith.constant 0 : i32
      %dma_start3A_188 = tpu.memref_slice %arg17[%multiple_of3A_145, %dma_start3A_187] : memref<10112x128xf32, #tpu.memory_space<vmem_shared>> -> memref<128x128xf32, #tpu.memory_space<vmem_shared>>
      tpu.enqueue_dma source(%dma_start3A_188 : memref<128x128xf32, #tpu.memory_space<vmem_shared>>) target(%dma_start3A_186 : memref<128x128xf32, #tpu.memory_space<hbm>>) target_semaphore(%run_scoped3A : memref<!tpu.dma_semaphore, #tpu.memory_space<semaphore_mem>>)
      %dma_wait3A = arith.constant 0 : i32
      %dma_wait3A_189 = tpu.memref_slice %arg8[%multiple_of3A_149, %dma_wait3A] : memref<20224x128xf32, #tpu.memory_space<hbm>> -> memref<128x128xf32, #tpu.memory_space<hbm>>
      %dma_wait3A_190 = arith.constant 0 : i32
      %dma_wait3A_191 = tpu.memref_slice %arg17[%multiple_of3A_145, %dma_wait3A_190] : memref<10112x128xf32, #tpu.memory_space<vmem_shared>> -> memref<128x128xf32, #tpu.memory_space<vmem_shared>>
      tpu.wait_dma2 semaphore(%run_scoped3A : memref<!tpu.dma_semaphore, #tpu.memory_space<semaphore_mem>>) src(%dma_wait3A_191 : memref<128x128xf32, #tpu.memory_space<vmem_shared>>) dst(%dma_wait3A_189 : memref<128x128xf32, #tpu.memory_space<hbm>>)
      tpu.yield
    }) : () -> ()
    %mul3A_150 = arith.constant 632 : i32
    %mul3A_151 = arith.muli %arg1, %mul3A_150 : i32
    %add3A_152 = arith.constant 128 : i32
    %add3A_153 = arith.addi %mul3A_151, %add3A_152 : i32
    %multiple_of3A_154 = tpu.assume_multiple %add3A_153, 8 : i32
    %mul3A_155 = arith.constant 10112 : i32
    %mul3A_156 = arith.muli %arg0, %mul3A_155 : i32
    %add3A_157 = arith.addi %mul3A_156, %multiple_of3A_154 : i32
    %multiple_of3A_158 = tpu.assume_multiple %add3A_157, 8 : i32
    "tpu.region"() ({
      %run_scoped3A = tpu.sem_alloc : memref<!tpu.dma_semaphore, #tpu.memory_space<semaphore_mem>>
      %dma_start3A = arith.constant 0 : i32
      %dma_start3A_186 = tpu.memref_slice %arg8[%multiple_of3A_158, %dma_start3A] : memref<20224x128xf32, #tpu.memory_space<hbm>> -> memref<128x128xf32, #tpu.memory_space<hbm>>
      %dma_start3A_187 = arith.constant 0 : i32
      %dma_start3A_188 = tpu.memref_slice %arg17[%multiple_of3A_154, %dma_start3A_187] : memref<10112x128xf32, #tpu.memory_space<vmem_shared>> -> memref<128x128xf32, #tpu.memory_space<vmem_shared>>
      tpu.enqueue_dma source(%dma_start3A_188 : memref<128x128xf32, #tpu.memory_space<vmem_shared>>) target(%dma_start3A_186 : memref<128x128xf32, #tpu.memory_space<hbm>>) target_semaphore(%run_scoped3A : memref<!tpu.dma_semaphore, #tpu.memory_space<semaphore_mem>>)
      %dma_wait3A = arith.constant 0 : i32
      %dma_wait3A_189 = tpu.memref_slice %arg8[%multiple_of3A_158, %dma_wait3A] : memref<20224x128xf32, #tpu.memory_space<hbm>> -> memref<128x128xf32, #tpu.memory_space<hbm>>
      %dma_wait3A_190 = arith.constant 0 : i32
      %dma_wait3A_191 = tpu.memref_slice %arg17[%multiple_of3A_154, %dma_wait3A_190] : memref<10112x128xf32, #tpu.memory_space<vmem_shared>> -> memref<128x128xf32, #tpu.memory_space<vmem_shared>>
      tpu.wait_dma2 semaphore(%run_scoped3A : memref<!tpu.dma_semaphore, #tpu.memory_space<semaphore_mem>>) src(%dma_wait3A_191 : memref<128x128xf32, #tpu.memory_space<vmem_shared>>) dst(%dma_wait3A_189 : memref<128x128xf32, #tpu.memory_space<hbm>>)
      tpu.yield
    }) : () -> ()
    %mul3A_159 = arith.constant 632 : i32
    %mul3A_160 = arith.muli %arg1, %mul3A_159 : i32
    %add3A_161 = arith.constant 256 : i32
    %add3A_162 = arith.addi %mul3A_160, %add3A_161 : i32
    %multiple_of3A_163 = tpu.assume_multiple %add3A_162, 8 : i32
    %mul3A_164 = arith.constant 10112 : i32
    %mul3A_165 = arith.muli %arg0, %mul3A_164 : i32
    %add3A_166 = arith.addi %mul3A_165, %multiple_of3A_163 : i32
    %multiple_of3A_167 = tpu.assume_multiple %add3A_166, 8 : i32
    "tpu.region"() ({
      %run_scoped3A = tpu.sem_alloc : memref<!tpu.dma_semaphore, #tpu.memory_space<semaphore_mem>>
      %dma_start3A = arith.constant 0 : i32
      %dma_start3A_186 = tpu.memref_slice %arg8[%multiple_of3A_167, %dma_start3A] : memref<20224x128xf32, #tpu.memory_space<hbm>> -> memref<128x128xf32, #tpu.memory_space<hbm>>
      %dma_start3A_187 = arith.constant 0 : i32
      %dma_start3A_188 = tpu.memref_slice %arg17[%multiple_of3A_163, %dma_start3A_187] : memref<10112x128xf32, #tpu.memory_space<vmem_shared>> -> memref<128x128xf32, #tpu.memory_space<vmem_shared>>
      tpu.enqueue_dma source(%dma_start3A_188 : memref<128x128xf32, #tpu.memory_space<vmem_shared>>) target(%dma_start3A_186 : memref<128x128xf32, #tpu.memory_space<hbm>>) target_semaphore(%run_scoped3A : memref<!tpu.dma_semaphore, #tpu.memory_space<semaphore_mem>>)
      %dma_wait3A = arith.constant 0 : i32
      %dma_wait3A_189 = tpu.memref_slice %arg8[%multiple_of3A_167, %dma_wait3A] : memref<20224x128xf32, #tpu.memory_space<hbm>> -> memref<128x128xf32, #tpu.memory_space<hbm>>
      %dma_wait3A_190 = arith.constant 0 : i32
      %dma_wait3A_191 = tpu.memref_slice %arg17[%multiple_of3A_163, %dma_wait3A_190] : memref<10112x128xf32, #tpu.memory_space<vmem_shared>> -> memref<128x128xf32, #tpu.memory_space<vmem_shared>>
      tpu.wait_dma2 semaphore(%run_scoped3A : memref<!tpu.dma_semaphore, #tpu.memory_space<semaphore_mem>>) src(%dma_wait3A_191 : memref<128x128xf32, #tpu.memory_space<vmem_shared>>) dst(%dma_wait3A_189 : memref<128x128xf32, #tpu.memory_space<hbm>>)
      tpu.yield
    }) : () -> ()
    %mul3A_168 = arith.constant 632 : i32
    %mul3A_169 = arith.muli %arg1, %mul3A_168 : i32
    %add3A_170 = arith.constant 384 : i32
    %add3A_171 = arith.addi %mul3A_169, %add3A_170 : i32
    %multiple_of3A_172 = tpu.assume_multiple %add3A_171, 8 : i32
    %mul3A_173 = arith.constant 10112 : i32
    %mul3A_174 = arith.muli %arg0, %mul3A_173 : i32
    %add3A_175 = arith.addi %mul3A_174, %multiple_of3A_172 : i32
    %multiple_of3A_176 = tpu.assume_multiple %add3A_175, 8 : i32
    "tpu.region"() ({
      %run_scoped3A = tpu.sem_alloc : memref<!tpu.dma_semaphore, #tpu.memory_space<semaphore_mem>>
      %dma_start3A = arith.constant 0 : i32
      %dma_start3A_186 = tpu.memref_slice %arg8[%multiple_of3A_176, %dma_start3A] : memref<20224x128xf32, #tpu.memory_space<hbm>> -> memref<128x128xf32, #tpu.memory_space<hbm>>
      %dma_start3A_187 = arith.constant 0 : i32
      %dma_start3A_188 = tpu.memref_slice %arg17[%multiple_of3A_172, %dma_start3A_187] : memref<10112x128xf32, #tpu.memory_space<vmem_shared>> -> memref<128x128xf32, #tpu.memory_space<vmem_shared>>
      tpu.enqueue_dma source(%dma_start3A_188 : memref<128x128xf32, #tpu.memory_space<vmem_shared>>) target(%dma_start3A_186 : memref<128x128xf32, #tpu.memory_space<hbm>>) target_semaphore(%run_scoped3A : memref<!tpu.dma_semaphore, #tpu.memory_space<semaphore_mem>>)
      %dma_wait3A = arith.constant 0 : i32
      %dma_wait3A_189 = tpu.memref_slice %arg8[%multiple_of3A_176, %dma_wait3A] : memref<20224x128xf32, #tpu.memory_space<hbm>> -> memref<128x128xf32, #tpu.memory_space<hbm>>
      %dma_wait3A_190 = arith.constant 0 : i32
      %dma_wait3A_191 = tpu.memref_slice %arg17[%multiple_of3A_172, %dma_wait3A_190] : memref<10112x128xf32, #tpu.memory_space<vmem_shared>> -> memref<128x128xf32, #tpu.memory_space<vmem_shared>>
      tpu.wait_dma2 semaphore(%run_scoped3A : memref<!tpu.dma_semaphore, #tpu.memory_space<semaphore_mem>>) src(%dma_wait3A_191 : memref<128x128xf32, #tpu.memory_space<vmem_shared>>) dst(%dma_wait3A_189 : memref<128x128xf32, #tpu.memory_space<hbm>>)
      tpu.yield
    }) : () -> ()
    %mul3A_177 = arith.constant 632 : i32
    %mul3A_178 = arith.muli %arg1, %mul3A_177 : i32
    %add3A_179 = arith.constant 512 : i32
    %add3A_180 = arith.addi %mul3A_178, %add3A_179 : i32
    %multiple_of3A_181 = tpu.assume_multiple %add3A_180, 8 : i32
    %mul3A_182 = arith.constant 10112 : i32
    %mul3A_183 = arith.muli %arg0, %mul3A_182 : i32
    %add3A_184 = arith.addi %mul3A_183, %multiple_of3A_181 : i32
    %multiple_of3A_185 = tpu.assume_multiple %add3A_184, 8 : i32
    "tpu.region"() ({
      %run_scoped3A = tpu.sem_alloc : memref<!tpu.dma_semaphore, #tpu.memory_space<semaphore_mem>>
      %dma_start3A = arith.constant 0 : i32
      %dma_start3A_186 = tpu.memref_slice %arg8[%multiple_of3A_185, %dma_start3A] : memref<20224x128xf32, #tpu.memory_space<hbm>> -> memref<120x128xf32, #tpu.memory_space<hbm>>
      %dma_start3A_187 = arith.constant 0 : i32
      %dma_start3A_188 = tpu.memref_slice %arg17[%multiple_of3A_181, %dma_start3A_187] : memref<10112x128xf32, #tpu.memory_space<vmem_shared>> -> memref<120x128xf32, #tpu.memory_space<vmem_shared>>
      tpu.enqueue_dma source(%dma_start3A_188 : memref<120x128xf32, #tpu.memory_space<vmem_shared>>) target(%dma_start3A_186 : memref<120x128xf32, #tpu.memory_space<hbm>>) target_semaphore(%run_scoped3A : memref<!tpu.dma_semaphore, #tpu.memory_space<semaphore_mem>>)
      %dma_wait3A = arith.constant 0 : i32
      %dma_wait3A_189 = tpu.memref_slice %arg8[%multiple_of3A_185, %dma_wait3A] : memref<20224x128xf32, #tpu.memory_space<hbm>> -> memref<120x128xf32, #tpu.memory_space<hbm>>
      %dma_wait3A_190 = arith.constant 0 : i32
      %dma_wait3A_191 = tpu.memref_slice %arg17[%multiple_of3A_181, %dma_wait3A_190] : memref<10112x128xf32, #tpu.memory_space<vmem_shared>> -> memref<120x128xf32, #tpu.memory_space<vmem_shared>>
      tpu.wait_dma2 semaphore(%run_scoped3A : memref<!tpu.dma_semaphore, #tpu.memory_space<semaphore_mem>>) src(%dma_wait3A_191 : memref<120x128xf32, #tpu.memory_space<vmem_shared>>) dst(%dma_wait3A_189 : memref<120x128xf32, #tpu.memory_space<hbm>>)
      tpu.yield
    }) : () -> ()
    return
  }
}

module attributes {stable_mosaic.version = 14 : i64} {
  func.func @body(%arg0: i32, %arg1: memref<1000x128xf32, #tpu.memory_space<vmem>>, %arg2: memref<2x1000x128xf32, #tpu.memory_space<vmem>>, %arg3: memref<2x1000x128xf32, #tpu.memory_space<vmem>>, %arg4: memref<256x128xf32, #tpu.memory_space<vmem>>, %arg5: memref<1x128xf32, #tpu.memory_space<vmem>>, %arg6: memref<1000x128xf32, #tpu.memory_space<vmem>>) attributes {dimension_semantics = [#tpu.dimension_semantics<arbitrary>], iteration_bounds = array<i64: 10>, scalar_prefetch = 0 : i64, scratch_operands = 0 : i64, tpu.core_type = #tpu.core_type<tc>, window_params = [{transform_indices = @transform_0, window_bounds = array<i64: 1000, 128>}, {transform_indices = @transform_1, window_bounds = array<i64: 2, 1000, 128>}, {transform_indices = @transform_2, window_bounds = array<i64: 2, 1000, 128>}, {pipeline_mode = #tpu.pipeline_mode<synchronous>, transform_indices = @transform_3, window_bounds = array<i64: 256, 128>}, {pipeline_mode = #tpu.pipeline_mode<synchronous>, transform_indices = @transform_4, window_bounds = array<i64: 1, 128>}, {transform_indices = @transform_5, window_bounds = array<i64: 1000, 128>}]} {
    %get3A = arith.constant 0 : index
    %get3A_0 = arith.constant 0 : index
    %get3A_1 = arith.constant 0 : index
    %get3A_2 = vector.load %arg2[%get3A, %get3A_0, %get3A_1] : memref<2x1000x128xf32, #tpu.memory_space<vmem>>, vector<1x1000x128xf32>
    %get3A_3 = vector.shape_cast %get3A_2 : vector<1x1000x128xf32> to vector<1000x128xf32>
    %get3A_4 = arith.constant 1 : index
    %get3A_5 = arith.constant 0 : index
    %get3A_6 = arith.constant 0 : index
    %get3A_7 = vector.load %arg2[%get3A_4, %get3A_5, %get3A_6] : memref<2x1000x128xf32, #tpu.memory_space<vmem>>, vector<1x1000x128xf32>
    %get3A_8 = vector.shape_cast %get3A_7 : vector<1x1000x128xf32> to vector<1000x128xf32>
    %add3A = arith.addf %get3A_3, %get3A_8 : vector<1000x128xf32>
    %get3A_9 = arith.constant 0 : index
    %get3A_10 = arith.constant 0 : index
    %get3A_11 = arith.constant 0 : index
    %get3A_12 = vector.load %arg3[%get3A_9, %get3A_10, %get3A_11] : memref<2x1000x128xf32, #tpu.memory_space<vmem>>, vector<1x1000x1xf32>
    %get3A_13 = vector.shape_cast %get3A_12 : vector<1x1000x1xf32> to vector<1000x1xf32>
    %get3A_14 = arith.constant 1 : index
    %get3A_15 = arith.constant 0 : index
    %get3A_16 = arith.constant 0 : index
    %get3A_17 = vector.load %arg3[%get3A_14, %get3A_15, %get3A_16] : memref<2x1000x128xf32, #tpu.memory_space<vmem>>, vector<1x1000x1xf32>
    %get3A_18 = vector.shape_cast %get3A_17 : vector<1x1000x1xf32> to vector<1000x1xf32>
    %add3A_19 = arith.addf %get3A_13, %get3A_18 : vector<1000x1xf32>
    %max3A = arith.constant 1.000000e+00 : f32
    %max3A_20 = vector.broadcast %max3A : f32 to vector<1000x1xf32>
    %max3A_21 = arith.maximumf %add3A_19, %max3A_20 : vector<1000x1xf32>
    %div3A = vector.broadcast %max3A_21 : vector<1000x1xf32> to vector<1000x128xf32>
    %div3A_22 = arith.divf %add3A, %div3A : vector<1000x128xf32>
    %get3A_23 = arith.constant 0 : index
    %get3A_24 = arith.constant 0 : index
    %get3A_25 = vector.load %arg1[%get3A_23, %get3A_24] : memref<1000x128xf32, #tpu.memory_space<vmem>>, vector<1000x128xf32>
    %get3A_26 = arith.constant 0 : index
    %get3A_27 = arith.constant 0 : index
    %get3A_28 = vector.load %arg4[%get3A_26, %get3A_27] : memref<256x128xf32, #tpu.memory_space<vmem>>, vector<128x128xf32>
    %dot_general3A = arith.constant dense<0.000000e+00> : vector<1000x128xf32>
    %dot_general3A_29 = tpu.matmul %get3A_25, %get3A_28, %dot_general3A {dimension_numbers = #tpu.dot_dimension_numbers<[1], [0], [0], [1], [0, 0, 1, 1], [], []>, precision = #tpu.contract_precision<fp32>, transpose_lhs_hint = false} : vector<1000x128xf32>, vector<128x128xf32>, vector<1000x128xf32> -> vector<1000x128xf32>
    %get3A_30 = arith.constant 128 : index
    %get3A_31 = arith.constant 0 : index
    %get3A_32 = vector.load %arg4[%get3A_30, %get3A_31] : memref<256x128xf32, #tpu.memory_space<vmem>>, vector<128x128xf32>
    %dot_general3A_33 = arith.constant dense<0.000000e+00> : vector<1000x128xf32>
    %dot_general3A_34 = tpu.matmul %div3A_22, %get3A_32, %dot_general3A_33 {dimension_numbers = #tpu.dot_dimension_numbers<[1], [0], [0], [1], [0, 0, 1, 1], [], []>, precision = #tpu.contract_precision<fp32>, transpose_lhs_hint = false} : vector<1000x128xf32>, vector<128x128xf32>, vector<1000x128xf32> -> vector<1000x128xf32>
    %add3A_35 = arith.addf %dot_general3A_29, %dot_general3A_34 : vector<1000x128xf32>
    %get3A_36 = arith.constant 0 : index
    %get3A_37 = arith.constant 0 : index
    %get3A_38 = vector.load %arg5[%get3A_36, %get3A_37] : memref<1x128xf32, #tpu.memory_space<vmem>>, vector<1x128xf32>
    %add3A_39 = vector.broadcast %get3A_38 : vector<1x128xf32> to vector<1000x128xf32>
    %add3A_40 = arith.addf %add3A_35, %add3A_39 : vector<1000x128xf32>
    %ge3A = arith.constant 0.000000e+00 : f32
    %ge3A_41 = vector.broadcast %ge3A : f32 to vector<1000x128xf32>
    %ge3A_42 = arith.cmpf oge, %add3A_40, %ge3A_41 : vector<1000x128xf32>
    %mul3A = arith.constant 0.00999999977 : f32
    %mul3A_43 = vector.broadcast %mul3A : f32 to vector<1000x128xf32>
    %mul3A_44 = arith.mulf %mul3A_43, %add3A_40 : vector<1000x128xf32>
    %select_n3A = arith.select %ge3A_42, %add3A_40, %mul3A_44 : vector<1000x128xi1>, vector<1000x128xf32>
    %swap3A = arith.constant 0 : index
    %swap3A_45 = arith.constant 0 : index
    %swap3A_46 = vector.load %arg6[%swap3A, %swap3A_45] : memref<1000x128xf32, #tpu.memory_space<vmem>>, vector<1000x128xf32>
    tpu.vector_store %arg6[%swap3A, %swap3A_45], %select_n3A {strides = array<i32>} : memref<1000x128xf32, #tpu.memory_space<vmem>>, vector<1000x128xf32>,
    return
  }
  func.func @transform_0(%arg0: i32) -> (i32, i32) {
    %c0_i32 = arith.constant 0 : i32
    %c0_i32_0 = arith.constant 0 : i32
    return %arg0, %c0_i32 : i32, i32
  }
  func.func @transform_1(%arg0: i32) -> (i32, i32, i32) {
    %c0_i32 = arith.constant 0 : i32
    %c0_i32_0 = arith.constant 0 : i32
    %c0_i32_1 = arith.constant 0 : i32
    return %c0_i32, %arg0, %c0_i32_0 : i32, i32, i32
  }
  func.func @transform_2(%arg0: i32) -> (i32, i32, i32) {
    %c0_i32 = arith.constant 0 : i32
    %c0_i32_0 = arith.constant 0 : i32
    %c0_i32_1 = arith.constant 0 : i32
    return %c0_i32, %arg0, %c0_i32_0 : i32, i32, i32
  }
  func.func @transform_3(%arg0: i32) -> (i32, i32) {
    %c0_i32 = arith.constant 0 : i32
    %c0_i32_0 = arith.constant 0 : i32
    %c0_i32_1 = arith.constant 0 : i32
    return %c0_i32, %c0_i32_0 : i32, i32
  }
  func.func @transform_4(%arg0: i32) -> (i32, i32) {
    %c0_i32 = arith.constant 0 : i32
    %c0_i32_0 = arith.constant 0 : i32
    %c0_i32_1 = arith.constant 0 : i32
    return %c0_i32, %c0_i32_0 : i32, i32
  }
  func.func @transform_5(%arg0: i32) -> (i32, i32) {
    %c0_i32 = arith.constant 0 : i32
    %c0_i32_0 = arith.constant 0 : i32
    return %arg0, %c0_i32 : i32, i32
  }
}

module attributes {stable_mosaic.version = 14 : i64} {
  func.func @body(%arg0: i32, %arg1: i32, %arg2: memref<1000x128xf32, #tpu.memory_space<vmem>>, %arg3: memref<1x128x128xf32, #tpu.memory_space<vmem>>, %arg4: memref<1000x128xf32, #tpu.memory_space<vmem>>) attributes {dimension_semantics = [#tpu.dimension_semantics<arbitrary>, #tpu.dimension_semantics<arbitrary>], iteration_bounds = array<i64: 8, 10>, scalar_prefetch = 0 : i64, scratch_operands = 0 : i64, tpu.core_type = #tpu.core_type<tc>, window_params = [{transform_indices = @transform_0, window_bounds = array<i64: 1000, 128>}, {transform_indices = @transform_1, window_bounds = array<i64: 1, 128, 128>}, {transform_indices = @transform_2, window_bounds = array<i64: 1000, 128>}]} {
    %get3A = arith.constant 0 : index
    %get3A_0 = arith.constant 0 : index
    %get3A_1 = vector.load %arg2[%get3A, %get3A_0] : memref<1000x128xf32, #tpu.memory_space<vmem>>, vector<1000x128xf32>
    %get3A_2 = arith.constant 0 : index
    %get3A_3 = arith.constant 0 : index
    %get3A_4 = arith.constant 0 : index
    %get3A_5 = vector.load %arg3[%get3A_2, %get3A_3, %get3A_4] : memref<1x128x128xf32, #tpu.memory_space<vmem>>, vector<1x128x128xf32>
    %get3A_6 = vector.shape_cast %get3A_5 : vector<1x128x128xf32> to vector<128x128xf32>
    %dot_general3A = arith.constant dense<0.000000e+00> : vector<1000x128xf32>
    %dot_general3A_7 = tpu.matmul %get3A_1, %get3A_6, %dot_general3A {dimension_numbers = #tpu.dot_dimension_numbers<[1], [0], [0], [1], [0, 0, 1, 1], [], []>, precision = #tpu.contract_precision<fp32>, transpose_lhs_hint = false} : vector<1000x128xf32>, vector<128x128xf32>, vector<1000x128xf32> -> vector<1000x128xf32>
    %swap3A = arith.constant 0 : index
    %swap3A_8 = arith.constant 0 : index
    %swap3A_9 = vector.load %arg4[%swap3A, %swap3A_8] : memref<1000x128xf32, #tpu.memory_space<vmem>>, vector<1000x128xf32>
    tpu.vector_store %arg4[%swap3A, %swap3A_8], %dot_general3A_7 {strides = array<i32>} : memref<1000x128xf32, #tpu.memory_space<vmem>>, vector<1000x128xf32>,
    return
  }
  func.func @transform_0(%arg0: i32, %arg1: i32) -> (i32, i32) {
    %c0_i32 = arith.constant 0 : i32
    %c0_i32_0 = arith.constant 0 : i32
    return %arg1, %c0_i32 : i32, i32
  }
  func.func @transform_1(%arg0: i32, %arg1: i32) -> (i32, i32, i32) {
    %c0_i32 = arith.constant 0 : i32
    %c0_i32_0 = arith.constant 0 : i32
    %c0_i32_1 = arith.constant 0 : i32
    return %arg0, %c0_i32, %c0_i32_0 : i32, i32, i32
  }
  func.func @transform_2(%arg0: i32, %arg1: i32) -> (i32, i32) {
    %mul3A = arith.constant 10 : i32
    %mul3A_0 = arith.muli %arg0, %mul3A : i32
    %add3A = arith.addi %mul3A_0, %arg1 : i32
    %c0_i32 = arith.constant 0 : i32
    %c0_i32_1 = arith.constant 0 : i32
    return %add3A, %c0_i32 : i32, i32
  }
}

</mosaic_0001>

<sc_bundles>
// kernel: kernel.5.cloned.1.call-start
scs
__scs_entry_jumppad:
0x0: {  	(pc) =	sbr.rel $0x88, $3  }
0x1: {  	(tag) =	ssettag $0x0;
	lr =	simm.s32 $0x1  }
0x2: {  	[smem:$0x3F9B] =	sst lr;
	_ =	strace $0xD0000000  }
0x3: {  	_ = 	snop  }
0x4: {  	_ = 	snop  }
0x5: {  	_ = 	snop  }
0x6: {  	_ = 	snop  }
0x7: {  	_ = 	snop  }
__scs_overlays_trampoline_lowered:
0x8: {  	[smem:$0x3FAA] =	sst s0  }
0x9: {  	[smem:$0x3FAB] =	sst s1  }
0xa: {  	[smem:$0x3FAC] =	sst s2  }
0xb: {  	[smem:$0x3FAD] =	sst s3  }
0xc: {  	[smem:$0x3FAE] =	sst s4  }
0xd: {  	[smem:$0x3FAF] =	sst s5  }
0xe: {  	[smem:$0x3FB0] =	sst s6  }
0xf: {  	[smem:$0x3FB1] =	sst s7  }
0x10: {  	[smem:$0x3FB2] =	sst s8  }
0x11: {  	[smem:$0x3FB3] =	sst s9;
	s0 =	simm.s32 @!p0 $0x0  }
0x12: {  	s1 =	sld [smem:$0x3F99];
	s0 =	simm.s32 @p0 $0x1  }
0x13: {  	[smem:$0x3FB4] =	sst s0;
	s0 =	simm.s32 @!p1 $0x0  }
0x14: {  	s2 =	sld [smem:$0x3F98];
	s0 =	simm.s32 @p1 $0x1  }
0x15: {  	[smem:$0x3FB5] =	sst s0;
	s0 =	simm.s32 @!p2 $0x0  }
0x16: {  	s3 =	sld [smem:$0x3FDB];
	s0 =	simm.s32 @p2 $0x1  }
0x17: {  	s4 =	simm.s32 $0x1BF5;
	[smem:$0x3FB7] =	sst s0  }
0x18: {  	s0 =	sld [smem:$0x3F9A];
	_ =	swait.ge [sflag:s4], $0x0  }
0x19: {  	s7 =	sld [smem:$0x3F9B]  }
0x1a: {  	s8 =	sadd.s32 $0xFFFFE003, lr  }
0x1b: {  	s9 =	sadd.s32 $0xFFFFFEF7, lr;
	s5 =	simm.s32 $0xFFFFFFFF;
	p2 =	slt.u32 s8, $0xFFFFF086  }
0x1c: {  	p1 =	slt.u32 s9, $0xF7A;
	s5 =	simm.s32 @!p2 $0x0  }
0x1d: {  	s5 =	simm.s32 @p1 $0x1;
	p0 =	seq.s32 s7, s2  }
0x1e: {  	s7 =	smul.u32 @!p0 $0xF7A, s2;
	p2 =	seq.s32 @!p0 s5, $0x0  }
0x1f: {  	s9 =	smul.u32 $0xF7A, s1;
	s8 =	simm.s32 @!p0 $0x1BF5;
	p2 =	por !p2, p0  }
0x20: {  	[sflag:s8] =	ssyncset.s32 @!p0 $0xFFFFF086;
	s6 =	sadd.s32 @!p0 s3, s7;
	s7 =	simm.s32 @!p0 $0x108  }
0x21: {  	s3 =	sadd.s32 s3, s9;
	s6 =	sadd.s32 @!p0 $0x88, s6;
	s7 =	simm.s32 @p2 $0x1082  }
0x22: {  	[simem:s7], [sflag:s8] =	dma.local @!p0 [hbm:s6], $0xF7A  }
0x23: {  	s9 =	sor.u32 $0xD0000000, s2;
	s6 =	simm.s32 $0x108;
	_ =	swait.ge @!p0 [sflag:s8], $0x0  }
0x24: {  	s3 =	sadd.s32 $0x88, s3;
	s6 =	simm.s32 @!p1 $0x1082;
	[sflag:s4] =	ssyncset.s32 $0xFFFFF086  }
0x25: {  	[simem:s6], [sflag:s4] =	dma.local [hbm:s3], $0xF7A  }
0x26: {  	[smem:$0x3F9B] =	sst s1;
	(tag) =	ssettag s2;
	_ =	strace s9  }
0x27: {  	s1 =	sld [smem:$0x3FAB]  }
0x28: {  	s2 =	sld [smem:$0x3FAC]  }
0x29: {  	s4 =	sld [smem:$0x3FAE]  }
0x2a: {  	p0 =	seq.s32 s5, $0x0;
	s5 =	sld [smem:$0x3FAF]  }
0x2b: {  	s6 =	sld [smem:$0x3FB0]  }
0x2c: {  	s7 =	sld [smem:$0x3FB1]  }
0x2d: {  	s3 =	simm.s32 $0x108;
	s8 =	sld [smem:$0x3FB2]  }
0x2e: {  	s3 =	simm.s32 @!p0 $0x1082;
	s9 =	sld [smem:$0x3FB3]  }
0x2f: {  	lr =	sadd.s32 s0, s3;
	s0 =	sld [smem:$0x3FAA]  }
0x30: {  	s3 =	sld [smem:$0x3FAD]  }
0x31: {  	[smem:$0x3FB6] =	sst s10  }
0x32: {  	s10 =	sld [smem:$0x3FB4];
	_ =	sdelay $0x3  }
0x33: {  	p0 =	seq.s32 s10, $0x1;
	s10 =	sld [smem:$0x3FB6];
	_ =	sdelay $0x3  }
0x34: {  	[smem:$0x3FB6] =	sst s10  }
0x35: {  	s10 =	sld [smem:$0x3FB5];
	_ =	sdelay $0x3  }
0x36: {  	p1 =	seq.s32 s10, $0x1;
	s10 =	sld [smem:$0x3FB6];
	_ =	sdelay $0x3  }
0x37: {  	[smem:$0x3FB6] =	sst s10  }
0x38: {  	s10 =	sld [smem:$0x3FB7]  }
0x39: {  	_ = 	snop;
	(pc) =	sbr.ind lr, $3  }
0x3a: {  	_ = 	snop  }
0x3b: {  	_ = 	snop  }
0x3c: {  	p2 =	seq.s32 s10, $0x1;
	s10 =	sld [smem:$0x3FB6]  }
0x3d: {  	_ =	shalt  }
0x3e: {  	_ =	shalt  }
0x3f: {  	_ =	shalt  }
0x40: {  	_ =	shalt  }
0x41: {  	_ =	shalt  }
0x42: {  	_ =	shalt  }
0x43: {  	_ =	shalt  }
0x44: {  	_ =	shalt  }
0x45: {  	_ =	shalt  }
0x46: {  	_ =	shalt  }
0x47: {  	_ =	shalt  }
0x48: {  	_ =	shalt  }
0x49: {  	_ =	shalt  }
0x4a: {  	_ =	shalt  }
0x4b: {  	_ =	shalt  }
0x4c: {  	_ =	shalt  }
0x4d: {  	_ =	shalt  }
0x4e: {  	_ =	shalt  }
0x4f: {  	_ =	shalt  }
0x50: {  	_ =	shalt  }
0x51: {  	_ =	shalt  }
0x52: {  	_ =	shalt  }
0x53: {  	_ =	shalt  }
0x54: {  	_ =	shalt  }
0x55: {  	_ =	shalt  }
0x56: {  	_ =	shalt  }
0x57: {  	_ =	shalt  }
0x58: {  	_ =	shalt  }
0x59: {  	_ =	shalt  }
0x5a: {  	_ =	shalt  }
0x5b: {  	_ =	shalt  }
0x5c: {  	_ =	shalt  }
0x5d: {  	_ =	shalt  }
0x5e: {  	_ =	shalt  }
0x5f: {  	_ =	shalt  }
0x60: {  	_ =	shalt  }
0x61: {  	_ =	shalt  }
0x62: {  	_ =	shalt  }
0x63: {  	_ =	shalt  }
0x64: {  	_ =	shalt  }
0x65: {  	_ =	shalt  }
0x66: {  	_ =	shalt  }
0x67: {  	_ =	shalt  }
0x68: {  	_ =	shalt  }
0x69: {  	_ =	shalt  }
0x6a: {  	_ =	shalt  }
0x6b: {  	_ =	shalt  }
0x6c: {  	_ =	shalt  }
0x6d: {  	_ =	shalt  }
0x6e: {  	_ =	shalt  }
0x6f: {  	_ =	shalt  }
0x70: {  	_ =	shalt  }
0x71: {  	_ =	shalt  }
0x72: {  	_ =	shalt  }
0x73: {  	_ =	shalt  }
0x74: {  	_ =	shalt  }
0x75: {  	_ =	shalt  }
0x76: {  	_ =	shalt  }
0x77: {  	_ =	shalt  }
0x78: {  	_ =	shalt  }
0x79: {  	_ =	shalt  }
0x7a: {  	_ =	shalt  }
0x7b: {  	_ =	shalt  }
0x7c: {  	_ =	shalt  }
0x7d: {  	_ =	shalt  }
0x7e: {  	_ =	shalt  }
0x7f: {  	_ =	shalt  }
0x80: {  	_ =	shalt  }
0x81: {  	_ =	shalt  }
0x82: {  	_ =	shalt  }
0x83: {  	_ =	shalt  }
0x84: {  	_ =	shalt  }
0x85: {  	_ =	shalt  }
0x86: {  	_ =	shalt  }
0x87: {  	_ =	shalt  }
.Lfunc_end0:
.L_simem_size_0:
called_computation_lowered:
.L_overlay_start_0:
0x88: {  	s2 =	sld [smem:$0x3FD9]  }
0x89: {  	s3 =	sld [smem:$0x3FFE];
	_ =	sdelay $0x1  }
0x8a: {  	s1 =	srdreg.scid  }
0x8b: {  	s0 =	sand.u32 $0x1, s1  }
0x8c: {  	s17 =	sshll.u32 s0, $0xA;
	s2 =	sadd.s32 s3, s2  }
0x8d: {  	s2 =	sadd.s32 s2, s17  }
0x8e: {  	[smem:$0x3FC2] =	sst s2  }
0x8f: {  	_ = 	snop  }
0x90: {  	s2 =	sld [smem:$0x3FC9]  }
0x91: {  	s18 =	sld [smem:$0x3FD0];
	(tm) =	ssettm $0x1  }
0x92: {  	s4 =	sld [smem:$0x3FFB];
	_ =	sdelay $0x3  }
0x93: {  	_ =	strace s4  }
0x94: {  	s4 =	sld [smem:$0x3FFC];
	_ =	sdelay $0x3  }
0x95: {  	_ =	strace s4  }
0x96: {  	s4 =	sld [smem:$0x3FFD];
	_ =	sdelay $0x3  }
0x97: {  	_ =	strace s4  }
0x98: {  	_ =	strace $0x8FFFFFFF  }
0x99: {  	s19 =	sld [smem:$0x3FDB];
	_ =	sdelay $0x1  }
0x9a: {  	s5 =	simm.s32 $_scs_section_size  }
0x9b: {  	s6 =	simm.s32 $_size__tile_overlayer_lowered;
	s7 =	simm.s32 $_tile_overlayer_lowered  }
0x9c: {  	s22 =	simm.s32 $0x1BFF;
	s21 =	sshll.u32 s7, $0x1;
	s4 =	sadd.s32 s5, s19  }
0x9d: {  	s8 =	simm.s32 $0x0;
	s20 =	sshll.u32 s6, $0x1;
	s6 =	sadd.s32 s21, s4  }
0x9e: {  	[timem:s8], [sflag:s22] =	dma.local [hbm:s6], s20  }
0x9f: {  	_ =	swait.ge [sflag:s22], s20  }
0xa0: {  	s5 =	ssub.s32 $0x0, s20;
	[sflag:s22] =	ssyncset.done $0x0  }
0xa1: {  	[sflag:s22] =	ssyncadd.s32 s5;
	_ =	sdelay $0x1  }
0xa2: {  	s23 =	simm.s32 $0x1B8B  }
0xa3: {  	_ =	swait.ge [sflag:s23], $0x1  }
0xa4: {  	[sflag:s23] =	ssyncset.done $0x0  }
0xa5: {  	s25 =	simm.s32 $0x1B8E;
	s24 =	sld [smem:$0x3FFE];
	[sflag:s23] =	ssyncadd.s32 $0xFFFFFFFF  }
0xa6: {  	s26 =	simm.s32 $execute0_lowered;
	[smem:$0x3FD2] =	sst s25  }
0xa7: {  	s6 =	sshll.u32 s26, $0x1;
	_ =	strace $0x80000046;
	[dreg:$0x1] =	wrdreg $0xFFFFFFFF  }
0xa8: {  	s28 =	simm.s32 $_size_execute0_lowered;
	s4 =	sadd.s32 s4, s6;
	[dreg:$0x0] =	wrdreg $0x0  }
0xa9: {  	s6 =	sshll.u32 s28, $0x1;
	[dreg:$0x2] =	wrdreg s4  }
0xaa: {  	[dreg:$0x3] =	wrdreg s6  }
0xab: {  	[dreg:$0x4] =	wrdreg $0xC0  }
0xac: {  	_ =	task [dreg:s8], $0x5FFFF  }
0xad: {  	[dreg:$0x1] =	wrdreg $0xFFFFFFFF  }
0xae: {  	[dreg:$0x0] =	wrdreg $0x60  }
0xaf: {  	[dreg:$0x2] =	wrdreg s24  }
0xb0: {  	[dreg:$0x3] =	wrdreg s2  }
0xb1: {  	[dreg:$0x4] =	wrdreg s18  }
0xb2: {  	[dreg:$0x5] =	wrdreg $0xC2800  }
0xb3: {  	[dreg:$0x6] =	wrdreg $0x9  }
0xb4: {  	_ =	task.clear_ibuf [dreg:s8], $0x7FFFF;
	_ =	strace $0x90000046  }
0xb5: {  	s29 =	simm.s32 $0x9;
	_ =	strace $0x80000048  }
0xb6: {  	_ =	swait.ge [sflag:s29], $0x1  }
0xb7: {  	[sflag:s29] =	ssyncadd.s32 $0xFFFFFFFF  }
0xb8: {  	_ =	strace $0x90000048  }
0xb9: {  	_ =	sfence  }
0xba: {  	s30 =	sld [smem:$0x0];
	_ =	sdelay $0x2  }
0xbb: {  	s31 =	sshll.u32 s1, $0xD;
	s1 =	sshrl.u32 s1, $0x2  }
0xbc: {  	s3 =	sand.u32 $0x4000, s31;
	s1 =	sadd.s32 s1, s30  }
0xbd: {  	s0 =	sor.u32 s3, s0;
	s1 =	sshll.u32 s1, $0x11  }
0xbe: {  	s0 =	sor.u32 s1, s0  }
0xbf: {  	s0 =	sadd.s32 $0x8F2B, s0  }
0xc0: {  	[sflag:s0] =	ssyncadd.remote.s32 $0x1  }
0xc1: {  	_ =	sfence.sel $0xFFFF  }
0xc2: {  	[dreg:$0x0] =	wrdreg $0xFFFFFFFF;
	(pc) =	sbr.abs _section_cstart, $3  }
0xc3: {  	[dreg:$0x1] =	wrdreg $0xFFFFFFFF  }
0xc4: {  	_ =	task.clear_ibuf [dreg:s8], $0x2FFFF;
	_ =	strace $0x9FFFFFFF  }
0xc5: {  	(tm) =	ssettm $0x7FFFFFFF  }
tec
execute0_lowered:
.L_overlay_start_1:
0x0: {  	(tag) =	ssettag $0x1  }
0x1: {  	s0 =	rddreg [dreg:$0x0]  }
0x2: {  	s1 =	rddreg [dreg:$0x1]  }
0x3: {  	s2 =	rddreg [dreg:$0x2]  }
0x4: {  	s3 =	rddreg [dreg:$0x3]  }
0x5: {  	s4 =	simm.s32 $0x0;
	s5 =	srdreg.scid;
	s20 =	stileid.u32  }
0x6: {  	s30 =	simm.s32 $0x280;
	s31 =	simm.s32 $0x4;
	[smem:$0x7FF] =	sst s4  }
0x7: {  	s6 =	sadd.s32 $0x6400, s0;
	s7 =	sadd.s32 $0x143C00, s0;
	s9 =	smul.u32 $0x278, s20  }
0x8: {  	s5 =	sand.u32 $0x1, s5;
	s10 =	sadd.s32 $0x192C00, s0;
	s29 =	smul.u32 $0x33, s20  }
0x9: {  	_ =	strace $0x80000047;
	s8 =	ssub.s32 $0x2, s5;
	s12 =	smul.u32 $0x2780, s5  }
0xa: {  	p0 =	sne.s32 s5, $0x0;
	s11 =	sshrl.u32 s8, $0x1;
	s13 =	sadd.s32 $0x80, s9  }
0xb: {  	s14 =	sadd.s32 $0x100, s9;
	s19 =	sadd.s32 $0x180, s9;
	s8 =	ssub.s32 s8, s11  }
0xc: {  	s11 =	smul.u32 $0x4F000, s20;
	s15 =	sadd.s32 s9, s12;
	s16 =	sadd.s32 s12, s13  }
0xd: {  	s9 =	sadd.s32 $0x200, s9;
	s21 =	sadd.s32 s12, s14;
	s15 =	sshll.u32 s15, $0x4  }
0xe: {  	s14 =	sshll.u32 s14, $0x7;
	s16 =	sshll.u32 s16, $0x4;
	s17 =	sadd.s32 s7, s15  }
0xf: {  	s18 =	sadd.s32 s7, s16;
	s23 =	sadd.s32 s10, s15;
	s24 =	sadd.s32 s10, s16  }
0x10: {  	s11 =	sshrl.u32 s11, $0x2;
	s15 =	smul.u32 $0x1D, s20;
	[dreg:$0x5] =	wrdreg s17  }
0x11: {  	s16 =	sshll.u32 s19, $0x7;
	[dreg:$0x6] =	wrdreg s18;
	s18 =	sadd.s32 s12, s19  }
0x12: {  	s12 =	sadd.s32 s12, s9;
	s17 =	sshll.u32 s21, $0x4;
	[dreg:$0xa] =	wrdreg s23  }
0x13: {  	[dreg:$0xb] =	wrdreg s24;
	s19 =	sshll.u32 s9, $0x7;
	s5 =	sadd.s32 s16, s3  }
0x14: {  	s23 =	smul.u32 $0x330, s20;
	s9 =	simm.s32 $0x4280;
	s18 =	sshll.u32 s18, $0x4  }
0x15: {  	s12 =	sshll.u32 s12, $0x4;
	s21 =	sadd.s32 s7, s17;
	s25 =	sadd.s32 s10, s17  }
0x16: {  	s17 =	sadd.s32 $0x13EC00, s0;
	[dreg:$0x12] =	wrdreg s5;
	s24 =	sadd.s32 $0x330, s15  }
0x17: {  	s5 =	simm.s32 $0x100;
	[dreg:$0x7] =	wrdreg s21;
	s22 =	sadd.s32 s7, s18  }
0x18: {  	s7 =	sadd.s32 s7, s12;
	[dreg:$0xc] =	wrdreg s25;
	s26 =	sadd.s32 s10, s18  }
0x19: {  	s10 =	sadd.s32 s10, s12;
	s18 =	sadd.s32 $0x1400, s0;
	[dreg:$0x8] =	wrdreg s22  }
0x1a: {  	s12 =	sshll.u32 s13, $0x7;
	s0 =	sadd.s32 s11, s3;
	[dreg:$0x9] =	wrdreg s7  }
0x1b: {  	s21 =	smul.u32 $0x1D0, s20;
	s25 =	smax.u32 s8, $0x1;
	[dreg:$0xd] =	wrdreg s26  }
0x1c: {  	s28 =	sadd.s32 s23, s17;
	s8 =	simm.s32 $0x200;
	[dreg:$0xe] =	wrdreg s10  }
0x1d: {  	s11 =	simm.s32 $0x1;
	[dreg:$0xf] =	wrdreg s0;
	s13 =	sadd.s32 s12, s3  }
.Ltmp0:
0x1e: {  	s0 =	sadd.s32 s14, s3;
	[dreg:$0x14] =	wrdreg s25;
	(pc) =	sbr.rel .LBB2_1-.Ltmp0, $4  }
0x1f: {  	s22 =	sadd.s32 s19, s3;
	s7 =	simm.s32 $0x180;
	[dreg:$0x10] =	wrdreg s13  }
0x20: {  	s10 =	simm.s32 $0x8280;
	s12 =	simm.s32 $0x2;
	[dreg:$0x11] =	wrdreg s0  }
0x21: {  	v0 =	vimm.f32 $0.0e+00;
	vm0 =	vcmask $0x300;
	s14 =	simm.s32 $0x0;
	[dreg:$0x13] =	wrdreg s22;
	s26 =	sadd.s32 s21, s17  }
0x22: {  	v1 =	vsel vm0, $0x3F800000, v0;
	s0 =	simm.s32 $0x80;
	s13 =	simm.s32 $0x3;
	s26 =	sadd.s32 $0x3300, s26  }
.LBB2_21:
0x23: {  	[bflag:$0x0] =	sbarrier.arrive $0xFFFF  }
0x24: {  	s1 =	rddreg [dreg:$0xa]  }
0x25: {  	[hbm:s1], [sflag:s15] =	dma.local [spmem:s16], $0x800  }
0x26: {  	_ =	swait.ge [sflag:s31], $0x800  }
0x27: {  	[sflag:s31] =	ssyncset.done $0x0  }
0x28: {  	s23 =	rddreg [dreg:$0xb];
	[sflag:s31] =	ssyncadd.s32 $0xFFFFF800  }
0x29: {  	[hbm:s23], [sflag:s15] =	dma.local [spmem:s25], $0x800  }
0x2a: {  	_ =	swait.ge [sflag:s31], $0x800  }
0x2b: {  	[sflag:s31] =	ssyncset.done $0x0  }
0x2c: {  	s16 =	rddreg [dreg:$0xc];
	[sflag:s31] =	ssyncadd.s32 $0xFFFFF800  }
0x2d: {  	[hbm:s16], [sflag:s15] =	dma.local [spmem:s19], $0x800  }
0x2e: {  	_ =	swait.ge [sflag:s31], $0x800  }
0x2f: {  	[sflag:s31] =	ssyncset.done $0x0  }
0x30: {  	s22 =	rddreg [dreg:$0xd];
	[sflag:s31] =	ssyncadd.s32 $0xFFFFF800  }
0x31: {  	[hbm:s22], [sflag:s15] =	dma.local [spmem:s20], $0x800  }
0x32: {  	_ =	swait.ge [sflag:s31], $0x800  }
0x33: {  	[sflag:s31] =	ssyncset.done $0x0  }
0x34: {  	s23 =	rddreg [dreg:$0xe];
	[sflag:s31] =	ssyncadd.s32 $0xFFFFF800  }
0x35: {  	[hbm:s23], [sflag:s15] =	dma.local [spmem:s21], $0x780  }
0x36: {  	_ =	swait.ge [sflag:s31], $0x780  }
0x37: {  	s14 =	sadd.s32 $0x1, s14;
	s25 =	rddreg [dreg:$0x14]  }
0x38: {  	p1 =	sne.s32 s14, s25  }
.Ltmp1:
0x39: {  	_ = 	snop;
	(pc) =	sbr.rel @!p1 .LBB2_22-.Ltmp1, $4  }
0x3a: {  	_ = 	snop  }
0x3b: {  	[sflag:s31] =	ssyncset.done $0x0  }
0x3c: {  	[sflag:s31] =	ssyncadd.s32 $0xFFFFF880  }
0x3d: {  	s1 =	rddreg [dreg:$0x1]  }
.LBB2_1:
0x3e: {  	[dreg:$0x15] =	wrdreg s14;
	s15 =	simm.s32 $0x0;
	s16 =	simm.s32 $0x200  }
.LBB2_2:
0x3f: {  	p1 =	sne.s32 s16, $0xFE00;
	[tilespmem:s15+$0x2F0] =	vst v0  }
0x40: {  	[tilespmem:s15+$0x280] =	vst v0  }
0x41: {  	[tilespmem:s15+$0x290] =	vst v0  }
.Ltmp2:
0x42: {  	[tilespmem:s15+$0x2A0] =	vst v0;
	(pc) =	sbr.rel @p1 .LBB2_2-.Ltmp2, $4  }
0x43: {  	[tilespmem:s15+$0x2B0] =	vst v0  }
0x44: {  	[tilespmem:s15+$0x2C0] =	vst v0  }
0x45: {  	[tilespmem:s15+$0x2D0] =	vst v0  }
0x46: {  	[tilespmem:s15+$0x2E0] =	vst v0;
	s15 =	sshra.s32 s16, $0x2;
	s16 =	sadd.s32 $0x200, s16  }
0x47: {  	[tilespmem:s15+$0x2F0] =	vst v0  }
0x48: {  	[tilespmem:s15+$0x280] =	vst v0  }
0x49: {  	[tilespmem:s15+$0x290] =	vst v0  }
0x4a: {  	[tilespmem:s15+$0x2A0] =	vst v0  }
0x4b: {  	[tilespmem:s15+$0x2B0] =	vst v0  }
0x4c: {  	[tilespmem:s15+$0x2C0] =	vst v0  }
0x4d: {  	[tilespmem:s15+$0x2D0] =	vst v0  }
0x4e: {  	[tilespmem:s15+$0x2E0] =	vst v0;
	s14 =	rddreg [dreg:$0xf]  }
0x4f: {  	[spmem:s14] =	stream.linear.scatter [tilespmem:s30], [sflag:$0x4], $0x4000, $0x38;
	[tilespmem:$0x1FE80] =	vst v63  }
0x50: {  	_ =	swait.ge [sflag:s31], $0x4000  }
0x51: {  	[sflag:s31] =	ssyncset.done $0x0  }
0x52: {  	s21 =	rddreg [dreg:$0x10];
	[sflag:s31] =	ssyncadd.s32 $0xFFFFC000  }
0x53: {  	[spmem:s21] =	stream.linear.scatter [tilespmem:s30], [sflag:$0x4], $0x4000, $0x38;
	[tilespmem:$0x1FE80] =	vst v63  }
0x54: {  	_ =	swait.ge [sflag:s31], $0x4000  }
0x55: {  	[sflag:s31] =	ssyncset.done $0x0  }
0x56: {  	s22 =	rddreg [dreg:$0x11];
	[sflag:s31] =	ssyncadd.s32 $0xFFFFC000  }
0x57: {  	[spmem:s22] =	stream.linear.scatter [tilespmem:s30], [sflag:$0x4], $0x4000, $0x38;
	[tilespmem:$0x1FE80] =	vst v63  }
0x58: {  	_ =	swait.ge [sflag:s31], $0x4000  }
0x59: {  	[sflag:s31] =	ssyncset.done $0x0  }
0x5a: {  	s23 =	rddreg [dreg:$0x12];
	[sflag:s31] =	ssyncadd.s32 $0xFFFFC000  }
0x5b: {  	[spmem:s23] =	stream.linear.scatter [tilespmem:s30], [sflag:$0x4], $0x4000, $0x38;
	[tilespmem:$0x1FE80] =	vst v63  }
0x5c: {  	_ =	swait.ge [sflag:s31], $0x4000  }
0x5d: {  	[sflag:s31] =	ssyncset.done $0x0  }
0x5e: {  	s25 =	rddreg [dreg:$0x13];
	[sflag:s31] =	ssyncadd.s32 $0xFFFFC000  }
0x5f: {  	[spmem:s25] =	stream.linear.scatter [tilespmem:s30], [sflag:$0x4], $0x3C00, $0x38;
	[tilespmem:$0x1FE80] =	vst v63  }
.Ltmp3:
0x60: {  	_ =	swait.ge [sflag:s31], $0x3C00;
	(pc) =	sbr.rel @p0 .LBB2_7-.Ltmp3, $4  }
0x61: {  	[sflag:s31] =	ssyncset.done $0x0  }
0x62: {  	[sflag:s31] =	ssyncadd.s32 $0xFFFFC400  }
0x63: {  	[bflag:$0x0] =	sbarrier.arrive $0xFFFF  }
0x64: {  	s15 =	simm.s32 $0x0;
	s16 =	simm.s32 $0x0;
	s25 =	simm.s32 $0x0  }
.LBB2_4:
0x65: {  	s19 =	sadd.s32 s29, s16  }
0x66: {  	s19 =	sshll.u32 s19, $0x4  }
0x67: {  	s20 =	sadd.s32 s2, s19  }
0x68: {  	[tilespmem:s15], [sflag:$0x4] =	stream.linear.gather [hbm4b:s20+s15], $0x80, $0x38;
	[tilespmem:$0x1FE80] =	vst v63  }
0x69: {  	_ =	swait.ge [sflag:s31], $0x80  }
0x6a: {  	[sflag:s31] =	ssyncset.done $0x0  }
0x6b: {  	s25 =	sadd.s32 s17, s19;
	[sflag:s31] =	ssyncadd.s32 $0xFFFFFF80  }
0x6c: {  	[tilespmem:s0], [sflag:$0x4] =	stream.linear.gather [hbm4b:s25+s15], $0x80, $0x38;
	[tilespmem:$0x1FE80] =	vst v63  }
0x6d: {  	_ =	swait.ge [sflag:s31], $0x80  }
0x6e: {  	[sflag:s31] =	ssyncset.done $0x0  }
0x6f: {  	s19 =	sadd.s32 s18, s19;
	[sflag:s31] =	ssyncadd.s32 $0xFFFFFF80  }
0x70: {  	[tilespmem:s5], [sflag:$0x4] =	stream.linear.gather [hbm4b:s19+s15], $0x80, $0x38;
	[tilespmem:$0x1FE80] =	vst v63  }
0x71: {  	_ =	swait.ge [sflag:s31], $0x80  }
0x72: {  	[sflag:s31] =	ssyncset.done $0x0  }
0x73: {  	[sflag:s31] =	ssyncadd.s32 $0xFFFFFF80  }
0x74: {  	v2 =	vld [tilespmem:$0x100]  }
0x75: {  	v3 =	vld [tilespmem:$0x80]  }
0x76: {  	v4 =	vld [tilespmem:$0x0]  }
0x77: {  	v5 =	vld [tilespmem:$0x110]  }
0x78: {  	v6 =	vld [tilespmem:$0x90]  }
0x79: {  	v7 =	vld [tilespmem:$0x10]  }
0x7a: {  	v8 =	vld [tilespmem:$0x120]  }
0x7b: {  	v9 =	vld [tilespmem:$0xA0]  }
0x7c: {  	v10 =	vld [tilespmem:$0x20]  }
0x7d: {  	v11 =	vld [tilespmem:$0x130]  }
0x7e: {  	v12 =	vld [tilespmem:$0xB0]  }
0x7f: {  	v13 =	vld [tilespmem:$0x30]  }
0x80: {  	v14 =	vld [tilespmem:$0x140];
	v2 =	vmul.u32 $0x2710, v2  }
0x81: {  	v15 =	vld [tilespmem:$0xC0]  }
0x82: {  	v3 =	vadd.s32 v3, v2;
	v2 =	vadd.s32 v4, v2;
	v4 =	vmul.u32 $0x2710, v5;
	v5 =	vld [tilespmem:$0x40]  }
0x83: {  	[tilespmem:$0x180] =	vst v3;
	v2 =	vadd.s32 $0x9C40, v2;
	v3 =	vld [tilespmem:$0x150]  }
0x84: {  	[tilespmem:$0x200] =	vst v2;
	v2 =	vadd.s32 v6, v4;
	v4 =	vadd.s32 v7, v4;
	v6 =	vmul.u32 $0x2710, v8;
	v7 =	vld [tilespmem:$0xD0]  }
0x85: {  	v8 =	vmul.u32 $0x2710, v11;
	v11 =	vld [tilespmem:$0x60];
	[tilespmem:$0x190] =	vst v2;
	v2 =	vadd.s32 $0x9C40, v4  }
0x86: {  	v4 =	vld [tilespmem:$0x50];
	[tilespmem:$0x210] =	vst v2;
	v2 =	vadd.s32 v9, v6;
	v6 =	vadd.s32 v10, v6  }
0x87: {  	v9 =	vld [tilespmem:$0x160];
	[tilespmem:$0x1A0] =	vst v2;
	v2 =	vadd.s32 $0x9C40, v6  }
0x88: {  	v10 =	vmul.u32 $0x2710, v14;
	v6 =	vld [tilespmem:$0xE0];
	[tilespmem:$0x220] =	vst v2;
	v2 =	vadd.s32 v12, v8;
	v8 =	vadd.s32 v13, v8  }
0x89: {  	[tilespmem:$0x1B0] =	vst v2;
	v2 =	vadd.s32 $0x9C40, v8;
	v8 =	vld [tilespmem:$0x170]  }
0x8a: {  	v5 =	vadd.s32 v5, v10;
	v3 =	vmul.u32 $0x2710, v3;
	[tilespmem:$0x230] =	vst v2;
	v2 =	vadd.s32 v15, v10;
	v10 =	vld [tilespmem:$0xF0]  }
0x8b: {  	[tilespmem:$0x1C0] =	vst v2;
	v2 =	vadd.s32 $0x9C40, v5;
	v5 =	vld [tilespmem:$0x70]  }
0x8c: {  	[tilespmem:$0x240] =	vst v2;
	v2 =	vadd.s32 v7, v3;
	v3 =	vadd.s32 v4, v3;
	v4 =	vmul.u32 $0x2710, v9  }
0x8d: {  	[tilespmem:$0x1D0] =	vst v2;
	v2 =	vadd.s32 $0x9C40, v3  }
0x8e: {  	[tilespmem:$0x250] =	vst v2;
	v2 =	vadd.s32 v6, v4;
	v3 =	vadd.s32 v11, v4;
	v4 =	vmul.u32 $0x2710, v8  }
0x8f: {  	[tilespmem:$0x1E0] =	vst v2;
	v2 =	vadd.s32 $0x9C40, v3  }
0x90: {  	[tilespmem:$0x260] =	vst v2;
	v2 =	vadd.s32 v10, v4;
	v3 =	vadd.s32 v5, v4  }
0x91: {  	[tilespmem:$0x1F0] =	vst v2;
	v2 =	vadd.s32 $0x9C40, v3  }
0x92: {  	[tilespmem:$0x270] =	vst v2  }
0x93: {  	[tilespmem:s30], [sflag:$0x1] =	stream.indirect.gather [hbm4b:s6+s0], $0x80, s7, s0, $0xb8;
	[tilespmem:$0x1FE80] =	vst v63  }
0x94: {  	_ = 	snop  }
0x95: {  	[tilespmem:s9], [sflag:$0x2] =	stream.indirect.gather [hbm4b:s6+s0], $0x80, s8, s0, $0xb8;
	[tilespmem:$0x1FE80] =	vst v63  }
0x96: {  	_ = 	snop  }
0x97: {  	[tilespmem:s10], [sflag:$0x3] =	stream.indirect.gather [hbm4b:s1+s0], $0x80, s15, s0, $0xb8;
	[tilespmem:$0x1FE80] =	vst v63  }
0x98: {  	_ =	swait.ge [sflag:s11], $0x4000  }
0x99: {  	[sflag:s11] =	ssyncset.done $0x0  }
0x9a: {  	[sflag:s11] =	ssyncadd.s32 $0xFFFFC000  }
0x9b: {  	_ =	swait.ge [sflag:s12], $0x4000  }
0x9c: {  	[sflag:s12] =	ssyncset.done $0x0  }
0x9d: {  	[sflag:s12] =	ssyncadd.s32 $0xFFFFC000  }
0x9e: {  	_ =	swait.ge [sflag:s13], $0x4000  }
0x9f: {  	[sflag:s13] =	ssyncset.done $0x0  }
0xa0: {  	s25 =	simm.s32 $0x0;
	[sflag:s13] =	ssyncadd.s32 $0xFFFFC000  }
0xa1: {  	v2 =	vld [tilespmem:s25+$0x42D0]  }
0xa2: {  	v3 =	vld [tilespmem:s25+$0x2D0]  }
0xa3: {  	v4 =	vld [tilespmem:s25+$0x42C0]  }
0xa4: {  	v5 =	vld [tilespmem:s25+$0x42B0]  }
0xa5: {  	v7 =	vld [tilespmem:s25+$0x4290]  }
0xa6: {  	v8 =	vld [tilespmem:s25+$0x2B0]  }
0xa7: {  	v9 =	vld [tilespmem:s25+$0x290];
	v2 =	vadd.f32 v2, v3  }
0xa8: {  	v3 =	vld [tilespmem:s25+$0x2C0]  }
0xa9: {  	v10 =	vld [tilespmem:s25+$0x42F0];
	v2 =	vsub.f32 $0.0e+00, v2  }
0xaa: {  	v11 =	vld [tilespmem:s25+$0x2F0]  }
0xab: {  	v6 =	vld [tilespmem:s25+$0x4280];
	v2 =	vmul.f32 $1.442695020e+00, v2  }
0xac: {  	v63 =	vld [tilespmem:s25+$0x280]  }
0xad: {  	(erf) = vpow2.f32 v2;
	v2 =	vadd.f32 v4, v3  }
0xae: {  	v3 =	vadd.f32 v5, v8;
	v5 =	vadd.f32 v7, v9  }
0xaf: {  	v4 =	vld [tilespmem:s25+$0x42E0];
	v8 =	vadd.f32 v10, v11;
	v2 =	vsub.f32 $0.0e+00, v2  }
0xb0: {  	v7 =	vld [tilespmem:s25+$0x2E0];
	v3 =	vsub.f32 $0.0e+00, v3;
	v5 =	vsub.f32 $0.0e+00, v5  }
0xb1: {  	v6 =	vadd.f32 v6, v63;
	v9 =	vld [tilespmem:s25+$0x42A0];
	v2 =	vmul.f32 $1.442695020e+00, v2  }
0xb2: {  	v10 =	vld [tilespmem:s25+$0x2A0];
	v8 =	vsub.f32 $0.0e+00, v8;
	v3 =	vmul.f32 $1.442695020e+00, v3;
	v5 =	vmul.f32 $1.442695020e+00, v5  }
0xb3: {  	(erf) = vpow2.f32 v2;
	v2 =	vsub.f32 $0.0e+00, v6  }
0xb4: {  	(erf) = vpow2.f32 v3;
	v3 =	vmul.f32 $1.442695020e+00, v8  }
0xb5: {  	v4 =	vadd.f32 v4, v7;
	(erf) = vpow2.f32 v5;
	v2 =	vmul.f32 $1.442695020e+00, v2  }
0xb6: {  	v5 =	vpop (erf);
	(erf) = vpow2.f32 v3  }
0xb7: {  	v4 =	vsub.f32 $0.0e+00, v4;
	(erf) = vpow2.f32 v2;
	v2 =	vadd.f32 v9, v10  }
0xb8: {  	v5 =	vadd.f32 $1.000000000e+00, v5  }
0xb9: {  	v3 =	vmul.f32 $1.442695020e+00, v4;
	v2 =	vsub.f32 $0.0e+00, v2  }
0xba: {  	(erf) = vrcp.f32 v5  }
0xbb: {  	(erf) = vpow2.f32 v3;
	v2 =	vmul.f32 $1.442695020e+00, v2  }
0xbc: {  	v4 =	vpop (erf)  }
0xbd: {  	v5 =	vpop (erf);
	(erf) = vpow2.f32 v2  }
0xbe: {  	v6 =	vld [tilespmem:s25+$0x82D0]  }
0xbf: {  	v3 =	vld [tilespmem:s25+$0x82C0];
	v4 =	vadd.f32 $1.000000000e+00, v4  }
0xc0: {  	v2 =	vld [tilespmem:s25+$0x82A0];
	v5 =	vadd.f32 $1.000000000e+00, v5;
	v7 =	vpop (erf)  }
0xc1: {  	v7 =	vadd.f32 $1.000000000e+00, v7;
	(erf) = vrcp.f32 v4;
	v4 =	vld [tilespmem:s25+$0x82E0];
	v8 =	vpop (erf)  }
0xc2: {  	(erf) = vrcp.f32 v5;
	v5 =	vld [tilespmem:s25+$0x8280];
	v11 =	vadd.f32 $1.000000000e+00, v8;
	v8 =	vpop (erf)  }
0xc3: {  	(erf) = vrcp.f32 v7;
	v7 =	vld [tilespmem:s25+$0x8290];
	v9 =	vpop (erf)  }
0xc4: {  	s20 =	simm.s32 $0x200;
	s19 =	simm.s32 $0x400;
	v8 =	vadd.f32 $1.000000000e+00, v8;
	(erf) = vrcp.f32 v11;
	v9 =	vmul.f32 v9, v6;
	v6 =	vld [tilespmem:s25+$0x82F0];
	v10 =	vpop (erf)  }
.LBB2_5:
0xc5: {  	p1 =	sne.s32 s19, $0xFE00  }
0xc6: {  	s21 =	sshra.s32 s20, $0x2;
	v11 =	vld [tilespmem:s25+$0x82B0];
	v10 =	vadd.f32 $1.000000000e+00, v10;
	(erf) = vrcp.f32 v8;
	v8 =	vpop (erf);
	s20 =	smov.u32 s19;
	s19 =	sadd.s32 $0x200, s19  }
0xc7: {  	v12 =	vld [tilespmem:s21+$0x42D0];
	v8 =	vadd.f32 $1.000000000e+00, v8;
	[tilespmem:s25+$0x2D0] =	vst v9  }
0xc8: {  	v9 =	vld [tilespmem:s21+$0x2D0];
	(erf) = vrcp.f32 v10  }
0xc9: {  	v10 =	vld [tilespmem:s21+$0x42C0];
	(erf) = vrcp.f32 v8  }
0xca: {  	v8 =	vld [tilespmem:s21+$0x42A0];
	v13 =	vpop (erf)  }
0xcb: {  	v14 =	vld [tilespmem:s21+$0x42B0];
	v3 =	vmul.f32 v13, v3;
	v13 =	vpop (erf)  }
0xcc: {  	v15 =	vld [tilespmem:s21+$0x4280];
	v17 =	vmul.f32 v13, v11;
	v13 =	vpop (erf)  }
0xcd: {  	v16 =	vld [tilespmem:s21+$0x4290];
	v9 =	vadd.f32 v12, v9;
	v13 =	vmul.f32 v13, v7;
	[tilespmem:s25+$0x2C0] =	vst v3  }
0xce: {  	v3 =	vld [tilespmem:s21+$0x2C0];
	[tilespmem:s25+$0x2B0] =	vst v17;
	v11 =	vpop (erf)  }
0xcf: {  	v12 =	vld [tilespmem:s21+$0x2B0];
	v9 =	vsub.f32 $0.0e+00, v9;
	[tilespmem:s25+$0x290] =	vst v13;
	v13 =	vmul.f32 v11, v6;
	v7 =	vpop (erf)  }
0xd0: {  	v11 =	vld [tilespmem:s21+$0x290];
	v17 =	vmul.f32 v7, v5  }
0xd1: {  	v7 =	vmul.f32 $1.442695020e+00, v9;
	v9 =	vld [tilespmem:s21+$0x42F0];
	[tilespmem:s25+$0x2F0] =	vst v13;
	v6 =	vpop (erf)  }
0xd2: {  	v13 =	vld [tilespmem:s21+$0x2F0];
	[tilespmem:s25+$0x280] =	vst v17;
	v4 =	vmul.f32 v6, v4;
	v5 =	vpop (erf)  }
0xd3: {  	v6 =	vld [tilespmem:s21+$0x280];
	v3 =	vadd.f32 v10, v3;
	(erf) = vpow2.f32 v7;
	v2 =	vmul.f32 v5, v2  }
0xd4: {  	v5 =	vadd.f32 v14, v12;
	v7 =	vld [tilespmem:s21+$0x42E0];
	[tilespmem:s25+$0x2E0] =	vst v4  }
0xd5: {  	v4 =	vadd.f32 v16, v11;
	v3 =	vsub.f32 $0.0e+00, v3;
	v10 =	vld [tilespmem:s21+$0x2E0];
	[tilespmem:s25+$0x2A0] =	vst v2;
	s25 =	smov.u32 s21  }
0xd6: {  	v2 =	vld [tilespmem:s25+$0x2A0];
	v5 =	vsub.f32 $0.0e+00, v5  }
0xd7: {  	v4 =	vsub.f32 $0.0e+00, v4;
	v11 =	vmul.f32 $1.442695020e+00, v3;
	v3 =	vld [tilespmem:s25+$0x82C0];
	v9 =	vadd.f32 v9, v13  }
0xd8: {  	v6 =	vadd.f32 v15, v6;
	v5 =	vmul.f32 $1.442695020e+00, v5  }
0xd9: {  	v4 =	vmul.f32 $1.442695020e+00, v4;
	v9 =	vsub.f32 $0.0e+00, v9;
	(erf) = vpow2.f32 v11  }
0xda: {  	v6 =	vsub.f32 $0.0e+00, v6;
	v10 =	vadd.f32 v7, v10;
	(erf) = vpow2.f32 v5  }
0xdb: {  	v2 =	vadd.f32 v8, v2;
	v5 =	vmul.f32 $1.442695020e+00, v9;
	(erf) = vpow2.f32 v4  }
0xdc: {  	v4 =	vmul.f32 $1.442695020e+00, v6;
	v6 =	vsub.f32 $0.0e+00, v10;
	v7 =	vpop (erf)  }
0xdd: {  	v2 =	vsub.f32 $0.0e+00, v2;
	v7 =	vadd.f32 $1.000000000e+00, v7;
	(erf) = vpow2.f32 v5  }
0xde: {  	v5 =	vmul.f32 $1.442695020e+00, v6;
	(erf) = vpow2.f32 v4  }
0xdf: {  	v4 =	vmul.f32 $1.442695020e+00, v2;
	(erf) = vrcp.f32 v7  }
0xe0: {  	(erf) = vpow2.f32 v5  }
0xe1: {  	(erf) = vpow2.f32 v4  }
0xe2: {  	v2 =	vpop (erf)  }
0xe3: {  	v4 =	vadd.f32 $1.000000000e+00, v2;
	v6 =	vld [tilespmem:s25+$0x82D0];
	v2 =	vpop (erf)  }
0xe4: {  	v5 =	vadd.f32 $1.000000000e+00, v2;
	v2 =	vpop (erf)  }
.Ltmp4:
0xe5: {  	v7 =	vadd.f32 $1.000000000e+00, v2;
	v2 =	vld [tilespmem:s25+$0x82A0];
	(erf) = vrcp.f32 v4;
	(pc) =	sbr.rel @p1 .LBB2_5-.Ltmp4, $4  }
0xe6: {  	v4 =	vld [tilespmem:s25+$0x82E0];
	(erf) = vrcp.f32 v5;
	v8 =	vpop (erf)  }
0xe7: {  	v5 =	vld [tilespmem:s25+$0x8280];
	v11 =	vadd.f32 $1.000000000e+00, v8;
	v8 =	vpop (erf);
	(erf) = vrcp.f32 v7  }
0xe8: {  	v8 =	vadd.f32 $1.000000000e+00, v8;
	v7 =	vld [tilespmem:s25+$0x8290];
	v9 =	vpop (erf)  }
0xe9: {  	v9 =	vmul.f32 v9, v6;
	v6 =	vld [tilespmem:s25+$0x82F0];
	v10 =	vpop (erf);
	(erf) = vrcp.f32 v11  }
0xea: {  	_ =	sdelay $0x1  }
0xeb: {  	s19 =	sshra.s32 s20, $0x2;
	v11 =	vld [tilespmem:s25+$0x82B0]  }
0xec: {  	v14 =	vpop (erf);
	v12 =	vld [tilespmem:s19+$0x42D0];
	[tilespmem:s25+$0x2D0] =	vst v9  }
0xed: {  	(erf) = vrcp.f32 v8;
	v10 =	vadd.f32 $1.000000000e+00, v10;
	v9 =	vld [tilespmem:s19+$0x2D0];
	v27 =	vpop (erf)  }
0xee: {  	v29 =	vadd.f32 $1.000000000e+00, v14;
	v13 =	vld [tilespmem:s19+$0x42C0];
	v3 =	vmul.f32 v27, v3  }
0xef: {  	v15 =	vld [tilespmem:s19+$0x42A0];
	(erf) = vrcp.f32 v10  }
0xf0: {  	v16 =	vld [tilespmem:s19+$0x42B0];
	(erf) = vrcp.f32 v29  }
0xf1: {  	v28 =	vld [tilespmem:s19+$0x4280];
	v17 =	vpop (erf)  }
0xf2: {  	v18 =	vld [tilespmem:s19+$0x4290];
	v11 =	vmul.f32 v17, v11;
	[tilespmem:s25+$0x2C0] =	vst v3;
	v3 =	vpop (erf)  }
0xf3: {  	v3 =	vmul.f32 v3, v7  }
0xf4: {  	v30 =	vld [tilespmem:s19+$0x2C0];
	[tilespmem:s25+$0x2B0] =	vst v11;
	v32 =	vpop (erf)  }
0xf5: {  	v9 =	vadd.f32 v12, v9;
	v31 =	vld [tilespmem:s19+$0x2B0];
	[tilespmem:s25+$0x290] =	vst v3;
	v3 =	vmul.f32 v32, v6  }
0xf6: {  	v34 =	vpop (erf);
	v33 =	vld [tilespmem:s19+$0x290]  }
0xf7: {  	v5 =	vmul.f32 v34, v5;
	v11 =	vld [tilespmem:s19+$0x42F0];
	[tilespmem:s25+$0x2F0] =	vst v3;
	v3 =	vsub.f32 $0.0e+00, v9  }
0xf8: {  	v36 =	vpop (erf)  }
0xf9: {  	v4 =	vmul.f32 v36, v4;
	v37 =	vpop (erf);
	v35 =	vld [tilespmem:s19+$0x2F0];
	[tilespmem:s25+$0x280] =	vst v5;
	v3 =	vmul.f32 $1.442695020e+00, v3  }
0xfa: {  	v2 =	vmul.f32 v37, v2;
	v5 =	vld [tilespmem:s19+$0x280]  }
0xfb: {  	v38 =	vld [tilespmem:s19+$0x42E0];
	[tilespmem:s25+$0x2E0] =	vst v4;
	(erf) = vpow2.f32 v3;
	v3 =	vadd.f32 v13, v30  }
0xfc: {  	v39 =	vadd.f32 v16, v31;
	v40 =	vld [tilespmem:s19+$0x2E0];
	[tilespmem:s25+$0x2A0] =	vst v2  }
0xfd: {  	v2 =	vsub.f32 $0.0e+00, v3;
	v3 =	vld [tilespmem:s19+$0x2A0]  }
0xfe: {  	v4 =	vsub.f32 $0.0e+00, v39;
	v6 =	vadd.f32 v18, v33  }
0xff: {  	v9 =	vadd.f32 v11, v35;
	v2 =	vmul.f32 $1.442695020e+00, v2  }
0x100: {  	v4 =	vmul.f32 $1.442695020e+00, v4;
	v6 =	vsub.f32 $0.0e+00, v6;
	v5 =	vadd.f32 v28, v5  }
0x101: {  	v41 =	vsub.f32 $0.0e+00, v9;
	v42 =	vadd.f32 v38, v40;
	(erf) = vpow2.f32 v2  }
0x102: {  	v6 =	vmul.f32 $1.442695020e+00, v6;
	v2 =	vsub.f32 $0.0e+00, v5;
	v3 =	vadd.f32 v15, v3  }
0x103: {  	v43 =	vmul.f32 $1.442695020e+00, v41;
	v5 =	vsub.f32 $0.0e+00, v42;
	(erf) = vpow2.f32 v4  }
0x104: {  	(erf) = vpow2.f32 v6;
	v2 =	vmul.f32 $1.442695020e+00, v2;
	v44 =	vpop (erf);
	v3 =	vsub.f32 $0.0e+00, v3  }
0x105: {  	v45 =	vmul.f32 $1.442695020e+00, v5;
	(erf) = vpow2.f32 v43;
	v6 =	vadd.f32 $1.000000000e+00, v44  }
0x106: {  	(erf) = vpow2.f32 v2;
	v2 =	vmul.f32 $1.442695020e+00, v3  }
0x107: {  	(erf) = vrcp.f32 v6  }
0x108: {  	(erf) = vpow2.f32 v45  }
0x109: {  	(erf) = vpow2.f32 v2  }
0x10a: {  	v2 =	vpop (erf)  }
0x10b: {  	v2 =	vadd.f32 $1.000000000e+00, v2  }
0x10c: {  	v3 =	vpop (erf)  }
0x10d: {  	v46 =	vpop (erf)  }
0x10e: {  	v3 =	vadd.f32 $1.000000000e+00, v3;
	v47 =	vpop (erf)  }
0x10f: {  	v4 =	vadd.f32 $1.000000000e+00, v46;
	(erf) = vrcp.f32 v2;
	v2 =	vpop (erf)  }
0x110: {  	(erf) = vrcp.f32 v3;
	v3 =	vadd.f32 $1.000000000e+00, v47;
	v48 =	vpop (erf)  }
0x111: {  	(erf) = vrcp.f32 v4;
	v2 =	vadd.f32 $1.000000000e+00, v2;
	v49 =	vpop (erf)  }
0x112: {  	(erf) = vrcp.f32 v3;
	v3 =	vadd.f32 $1.000000000e+00, v49;
	v50 =	vpop (erf)  }
0x113: {  	v51 =	vld [tilespmem:s19+$0x82D0];
	(erf) = vrcp.f32 v2;
	v2 =	vadd.f32 $1.000000000e+00, v50  }
0x114: {  	v52 =	vld [tilespmem:s19+$0x82C0];
	(erf) = vrcp.f32 v3  }
0x115: {  	v3 =	vld [tilespmem:s19+$0x82B0];
	(erf) = vrcp.f32 v2  }
0x116: {  	v2 =	vld [tilespmem:s19+$0x8290]  }
0x117: {  	v53 =	vld [tilespmem:s19+$0x82F0]  }
0x118: {  	v54 =	vld [tilespmem:s19+$0x8280];
	v5 =	vmul.f32 v48, v51;
	v55 =	vpop (erf)  }
0x119: {  	v56 =	vld [tilespmem:s19+$0x82E0];
	v4 =	vmul.f32 v55, v52;
	v57 =	vpop (erf)  }
0x11a: {  	v58 =	vld [tilespmem:s19+$0x82A0];
	[tilespmem:s19+$0x2D0] =	vst v5;
	v59 =	vpop (erf);
	v3 =	vmul.f32 v57, v3  }
0x11b: {  	[tilespmem:s19+$0x2C0] =	vst v4;
	v60 =	vpop (erf);
	v2 =	vmul.f32 v59, v2  }
0x11c: {  	[tilespmem:s19+$0x2B0] =	vst v3;
	v3 =	vmul.f32 v60, v53;
	v61 =	vpop (erf)  }
0x11d: {  	[tilespmem:s19+$0x290] =	vst v2;
	v2 =	vmul.f32 v61, v54;
	v62 =	vpop (erf)  }
0x11e: {  	[tilespmem:s19+$0x2F0] =	vst v3;
	v3 =	vmul.f32 v62, v56;
	v63 =	vpop (erf)  }
0x11f: {  	[tilespmem:s19+$0x280] =	vst v2;
	v2 =	vmul.f32 v63, v58  }
0x120: {  	s16 =	sadd.s32 $0x1, s16;
	[tilespmem:s19+$0x2E0] =	vst v3  }
0x121: {  	p1 =	seq.s32 s16, $0x33;
	[tilespmem:s19+$0x2A0] =	vst v2  }
0x122: {  	[spmem:s3] =	stream.indirect.scatter.add.f32 [tilespmem:s30], [sflag:$0x4], $0x80, s0, s0, $0xb8;
	[tilespmem:$0x1FE80] =	vst v63  }
.Ltmp5:
0x123: {  	_ = 	snop;
	(pc) =	sbr.rel @!p1 .LBB2_4-.Ltmp5, $4  }
.Ltmp6:
0x124: {  	_ = 	snop;
	(pc) =	sbr.rel @p1 .LBB2_10-.Ltmp6, $4  }
0x125: {  	_ =	swait.ge [sflag:s31], $0x4000  }
0x126: {  	[sflag:s31] =	ssyncset.done $0x0  }
0x127: {  	[sflag:s31] =	ssyncadd.s32 $0xFFFFC000  }
0x128: {  	_ = 	snop  }
.LBB2_7:
0x129: {  	s16 =	sadd.s32 s24, s25  }
0x12a: {  	s16 =	sshll.u32 s16, $0x4  }
0x12b: {  	s19 =	sadd.s32 s2, s16  }
0x12c: {  	[tilespmem:s15], [sflag:$0x4] =	stream.linear.gather [hbm4b:s19+s15], $0x80, $0x38;
	[tilespmem:$0x1FE80] =	vst v63  }
0x12d: {  	_ =	swait.ge [sflag:s31], $0x80  }
0x12e: {  	[sflag:s31] =	ssyncset.done $0x0  }
0x12f: {  	s23 =	sadd.s32 s17, s16;
	[sflag:s31] =	ssyncadd.s32 $0xFFFFFF80  }
0x130: {  	[tilespmem:s0], [sflag:$0x4] =	stream.linear.gather [hbm4b:s23+s15], $0x80, $0x38;
	[tilespmem:$0x1FE80] =	vst v63  }
0x131: {  	_ =	swait.ge [sflag:s31], $0x80  }
0x132: {  	[sflag:s31] =	ssyncset.done $0x0  }
0x133: {  	s16 =	sadd.s32 s18, s16;
	[sflag:s31] =	ssyncadd.s32 $0xFFFFFF80  }
0x134: {  	[tilespmem:s5], [sflag:$0x4] =	stream.linear.gather [hbm4b:s16+s15], $0x80, $0x38;
	[tilespmem:$0x1FE80] =	vst v63  }
0x135: {  	_ =	swait.ge [sflag:s31], $0x80  }
0x136: {  	[sflag:s31] =	ssyncset.done $0x0  }
0x137: {  	[sflag:s31] =	ssyncadd.s32 $0xFFFFFF80  }
0x138: {  	v2 =	vld [tilespmem:$0x100]  }
0x139: {  	v3 =	vld [tilespmem:$0x80]  }
0x13a: {  	v4 =	vld [tilespmem:$0x0]  }
0x13b: {  	v5 =	vld [tilespmem:$0x110]  }
0x13c: {  	v6 =	vld [tilespmem:$0x90]  }
0x13d: {  	v7 =	vld [tilespmem:$0x10]  }
0x13e: {  	v8 =	vld [tilespmem:$0x120]  }
0x13f: {  	v9 =	vld [tilespmem:$0xA0]  }
0x140: {  	v10 =	vld [tilespmem:$0x20]  }
0x141: {  	v11 =	vld [tilespmem:$0x130]  }
0x142: {  	v12 =	vld [tilespmem:$0xB0]  }
0x143: {  	v13 =	vld [tilespmem:$0x30]  }
0x144: {  	v14 =	vld [tilespmem:$0x140];
	v2 =	vmul.u32 $0x2710, v2  }
0x145: {  	v15 =	vld [tilespmem:$0xC0]  }
0x146: {  	v3 =	vadd.s32 v3, v2;
	v2 =	vadd.s32 v4, v2;
	v4 =	vmul.u32 $0x2710, v5;
	v5 =	vld [tilespmem:$0x40]  }
0x147: {  	[tilespmem:$0x180] =	vst v3;
	v2 =	vadd.s32 $0x9C40, v2;
	v3 =	vld [tilespmem:$0x150]  }
0x148: {  	[tilespmem:$0x200] =	vst v2;
	v2 =	vadd.s32 v6, v4;
	v4 =	vadd.s32 v7, v4;
	v6 =	vmul.u32 $0x2710, v8;
	v7 =	vld [tilespmem:$0xD0]  }
0x149: {  	v8 =	vmul.u32 $0x2710, v11;
	v11 =	vld [tilespmem:$0x60];
	[tilespmem:$0x190] =	vst v2;
	v2 =	vadd.s32 $0x9C40, v4  }
0x14a: {  	v4 =	vld [tilespmem:$0x50];
	[tilespmem:$0x210] =	vst v2;
	v2 =	vadd.s32 v9, v6;
	v6 =	vadd.s32 v10, v6  }
0x14b: {  	v9 =	vld [tilespmem:$0x160];
	[tilespmem:$0x1A0] =	vst v2;
	v2 =	vadd.s32 $0x9C40, v6  }
0x14c: {  	v10 =	vmul.u32 $0x2710, v14;
	v6 =	vld [tilespmem:$0xE0];
	[tilespmem:$0x220] =	vst v2;
	v2 =	vadd.s32 v12, v8;
	v8 =	vadd.s32 v13, v8  }
0x14d: {  	[tilespmem:$0x1B0] =	vst v2;
	v2 =	vadd.s32 $0x9C40, v8;
	v8 =	vld [tilespmem:$0x170]  }
0x14e: {  	v5 =	vadd.s32 v5, v10;
	v3 =	vmul.u32 $0x2710, v3;
	[tilespmem:$0x230] =	vst v2;
	v2 =	vadd.s32 v15, v10;
	v10 =	vld [tilespmem:$0xF0]  }
0x14f: {  	[tilespmem:$0x1C0] =	vst v2;
	v2 =	vadd.s32 $0x9C40, v5;
	v5 =	vld [tilespmem:$0x70]  }
0x150: {  	[tilespmem:$0x240] =	vst v2;
	v2 =	vadd.s32 v7, v3;
	v3 =	vadd.s32 v4, v3;
	v4 =	vmul.u32 $0x2710, v9  }
0x151: {  	[tilespmem:$0x1D0] =	vst v2;
	v2 =	vadd.s32 $0x9C40, v3  }
0x152: {  	[tilespmem:$0x250] =	vst v2;
	v2 =	vadd.s32 v6, v4;
	v3 =	vadd.s32 v11, v4;
	v4 =	vmul.u32 $0x2710, v8  }
0x153: {  	[tilespmem:$0x1E0] =	vst v2;
	v2 =	vadd.s32 $0x9C40, v3  }
0x154: {  	[tilespmem:$0x260] =	vst v2;
	v2 =	vadd.s32 v10, v4;
	v3 =	vadd.s32 v5, v4  }
0x155: {  	[tilespmem:$0x1F0] =	vst v2;
	v2 =	vadd.s32 $0x9C40, v3  }
0x156: {  	[tilespmem:$0x270] =	vst v2  }
0x157: {  	[tilespmem:s30], [sflag:$0x1] =	stream.indirect.gather [hbm4b:s6+s0], $0x80, s7, s0, $0xb8;
	[tilespmem:$0x1FE80] =	vst v63  }
0x158: {  	_ = 	snop  }
0x159: {  	[tilespmem:s9], [sflag:$0x2] =	stream.indirect.gather [hbm4b:s6+s0], $0x80, s8, s0, $0xb8;
	[tilespmem:$0x1FE80] =	vst v63  }
0x15a: {  	_ = 	snop  }
0x15b: {  	[tilespmem:s10], [sflag:$0x3] =	stream.indirect.gather [hbm4b:s1+s0], $0x80, s15, s0, $0xb8;
	[tilespmem:$0x1FE80] =	vst v63  }
0x15c: {  	_ =	swait.ge [sflag:s11], $0x4000  }
0x15d: {  	[sflag:s11] =	ssyncset.done $0x0  }
0x15e: {  	[sflag:s11] =	ssyncadd.s32 $0xFFFFC000  }
0x15f: {  	_ =	swait.ge [sflag:s12], $0x4000  }
0x160: {  	[sflag:s12] =	ssyncset.done $0x0  }
0x161: {  	[sflag:s12] =	ssyncadd.s32 $0xFFFFC000  }
0x162: {  	_ =	swait.ge [sflag:s13], $0x4000  }
0x163: {  	[sflag:s13] =	ssyncset.done $0x0  }
0x164: {  	s16 =	simm.s32 $0x0;
	[sflag:s13] =	ssyncadd.s32 $0xFFFFC000  }
0x165: {  	v2 =	vld [tilespmem:s16+$0x42D0]  }
0x166: {  	v3 =	vld [tilespmem:s16+$0x2D0]  }
0x167: {  	v4 =	vld [tilespmem:s16+$0x42C0]  }
0x168: {  	v5 =	vld [tilespmem:s16+$0x42B0]  }
0x169: {  	v7 =	vld [tilespmem:s16+$0x4290]  }
0x16a: {  	v8 =	vld [tilespmem:s16+$0x2B0]  }
0x16b: {  	v9 =	vld [tilespmem:s16+$0x290];
	v2 =	vadd.f32 v2, v3  }
0x16c: {  	v3 =	vld [tilespmem:s16+$0x2C0]  }
0x16d: {  	v10 =	vld [tilespmem:s16+$0x42F0];
	v2 =	vsub.f32 $0.0e+00, v2  }
0x16e: {  	v11 =	vld [tilespmem:s16+$0x2F0]  }
0x16f: {  	v6 =	vld [tilespmem:s16+$0x4280];
	v2 =	vmul.f32 $1.442695020e+00, v2  }
0x170: {  	v63 =	vld [tilespmem:s16+$0x280]  }
0x171: {  	(erf) = vpow2.f32 v2;
	v2 =	vadd.f32 v4, v3  }
0x172: {  	v3 =	vadd.f32 v5, v8;
	v5 =	vadd.f32 v7, v9  }
0x173: {  	v4 =	vld [tilespmem:s16+$0x42E0];
	v8 =	vadd.f32 v10, v11;
	v2 =	vsub.f32 $0.0e+00, v2  }
0x174: {  	v7 =	vld [tilespmem:s16+$0x2E0];
	v3 =	vsub.f32 $0.0e+00, v3;
	v5 =	vsub.f32 $0.0e+00, v5  }
0x175: {  	v6 =	vadd.f32 v6, v63;
	v9 =	vld [tilespmem:s16+$0x42A0];
	v2 =	vmul.f32 $1.442695020e+00, v2  }
0x176: {  	v10 =	vld [tilespmem:s16+$0x2A0];
	v8 =	vsub.f32 $0.0e+00, v8;
	v3 =	vmul.f32 $1.442695020e+00, v3;
	v5 =	vmul.f32 $1.442695020e+00, v5  }
0x177: {  	(erf) = vpow2.f32 v2;
	v2 =	vsub.f32 $0.0e+00, v6  }
0x178: {  	(erf) = vpow2.f32 v3;
	v3 =	vmul.f32 $1.442695020e+00, v8  }
0x179: {  	v4 =	vadd.f32 v4, v7;
	(erf) = vpow2.f32 v5;
	v2 =	vmul.f32 $1.442695020e+00, v2  }
0x17a: {  	v5 =	vpop (erf);
	(erf) = vpow2.f32 v3  }
0x17b: {  	v4 =	vsub.f32 $0.0e+00, v4;
	(erf) = vpow2.f32 v2;
	v2 =	vadd.f32 v9, v10  }
0x17c: {  	v5 =	vadd.f32 $1.000000000e+00, v5  }
0x17d: {  	v3 =	vmul.f32 $1.442695020e+00, v4;
	v2 =	vsub.f32 $0.0e+00, v2  }
0x17e: {  	(erf) = vrcp.f32 v5  }
0x17f: {  	(erf) = vpow2.f32 v3;
	v2 =	vmul.f32 $1.442695020e+00, v2  }
0x180: {  	v4 =	vpop (erf)  }
0x181: {  	v5 =	vpop (erf);
	(erf) = vpow2.f32 v2  }
0x182: {  	v6 =	vld [tilespmem:s16+$0x82D0]  }
0x183: {  	v3 =	vld [tilespmem:s16+$0x82C0];
	v4 =	vadd.f32 $1.000000000e+00, v4  }
0x184: {  	v2 =	vld [tilespmem:s16+$0x82A0];
	v5 =	vadd.f32 $1.000000000e+00, v5;
	v7 =	vpop (erf)  }
0x185: {  	v7 =	vadd.f32 $1.000000000e+00, v7;
	(erf) = vrcp.f32 v4;
	v4 =	vld [tilespmem:s16+$0x82E0];
	v8 =	vpop (erf)  }
0x186: {  	(erf) = vrcp.f32 v5;
	v5 =	vld [tilespmem:s16+$0x8280];
	v11 =	vadd.f32 $1.000000000e+00, v8;
	v8 =	vpop (erf)  }
0x187: {  	(erf) = vrcp.f32 v7;
	v7 =	vld [tilespmem:s16+$0x8290];
	v9 =	vpop (erf)  }
0x188: {  	s20 =	simm.s32 $0x200;
	s19 =	simm.s32 $0x400;
	v8 =	vadd.f32 $1.000000000e+00, v8;
	(erf) = vrcp.f32 v11;
	v9 =	vmul.f32 v9, v6;
	v6 =	vld [tilespmem:s16+$0x82F0];
	v10 =	vpop (erf)  }
.LBB2_8:
0x189: {  	p1 =	sne.s32 s19, $0xFE00  }
0x18a: {  	s21 =	sshra.s32 s20, $0x2;
	v11 =	vld [tilespmem:s16+$0x82B0];
	v10 =	vadd.f32 $1.000000000e+00, v10;
	(erf) = vrcp.f32 v8;
	v8 =	vpop (erf);
	s20 =	smov.u32 s19;
	s19 =	sadd.s32 $0x200, s19  }
0x18b: {  	v12 =	vld [tilespmem:s21+$0x42D0];
	v8 =	vadd.f32 $1.000000000e+00, v8;
	[tilespmem:s16+$0x2D0] =	vst v9  }
0x18c: {  	v9 =	vld [tilespmem:s21+$0x2D0];
	(erf) = vrcp.f32 v10  }
0x18d: {  	v10 =	vld [tilespmem:s21+$0x42C0];
	(erf) = vrcp.f32 v8  }
0x18e: {  	v8 =	vld [tilespmem:s21+$0x42A0];
	v13 =	vpop (erf)  }
0x18f: {  	v14 =	vld [tilespmem:s21+$0x42B0];
	v3 =	vmul.f32 v13, v3;
	v13 =	vpop (erf)  }
0x190: {  	v15 =	vld [tilespmem:s21+$0x4280];
	v17 =	vmul.f32 v13, v11;
	v13 =	vpop (erf)  }
0x191: {  	v16 =	vld [tilespmem:s21+$0x4290];
	v9 =	vadd.f32 v12, v9;
	v13 =	vmul.f32 v13, v7;
	[tilespmem:s16+$0x2C0] =	vst v3  }
0x192: {  	v3 =	vld [tilespmem:s21+$0x2C0];
	[tilespmem:s16+$0x2B0] =	vst v17;
	v11 =	vpop (erf)  }
0x193: {  	v12 =	vld [tilespmem:s21+$0x2B0];
	v9 =	vsub.f32 $0.0e+00, v9;
	[tilespmem:s16+$0x290] =	vst v13;
	v13 =	vmul.f32 v11, v6;
	v7 =	vpop (erf)  }
0x194: {  	v11 =	vld [tilespmem:s21+$0x290];
	v17 =	vmul.f32 v7, v5  }
0x195: {  	v7 =	vmul.f32 $1.442695020e+00, v9;
	v9 =	vld [tilespmem:s21+$0x42F0];
	[tilespmem:s16+$0x2F0] =	vst v13;
	v6 =	vpop (erf)  }
0x196: {  	v13 =	vld [tilespmem:s21+$0x2F0];
	[tilespmem:s16+$0x280] =	vst v17;
	v4 =	vmul.f32 v6, v4;
	v5 =	vpop (erf)  }
0x197: {  	v6 =	vld [tilespmem:s21+$0x280];
	v3 =	vadd.f32 v10, v3;
	(erf) = vpow2.f32 v7;
	v2 =	vmul.f32 v5, v2  }
0x198: {  	v5 =	vadd.f32 v14, v12;
	v7 =	vld [tilespmem:s21+$0x42E0];
	[tilespmem:s16+$0x2E0] =	vst v4  }
0x199: {  	v4 =	vadd.f32 v16, v11;
	v3 =	vsub.f32 $0.0e+00, v3;
	v10 =	vld [tilespmem:s21+$0x2E0];
	[tilespmem:s16+$0x2A0] =	vst v2;
	s16 =	smov.u32 s21  }
0x19a: {  	v2 =	vld [tilespmem:s16+$0x2A0];
	v5 =	vsub.f32 $0.0e+00, v5  }
0x19b: {  	v4 =	vsub.f32 $0.0e+00, v4;
	v11 =	vmul.f32 $1.442695020e+00, v3;
	v3 =	vld [tilespmem:s16+$0x82C0];
	v9 =	vadd.f32 v9, v13  }
0x19c: {  	v6 =	vadd.f32 v15, v6;
	v5 =	vmul.f32 $1.442695020e+00, v5  }
0x19d: {  	v4 =	vmul.f32 $1.442695020e+00, v4;
	v9 =	vsub.f32 $0.0e+00, v9;
	(erf) = vpow2.f32 v11  }
0x19e: {  	v6 =	vsub.f32 $0.0e+00, v6;
	v10 =	vadd.f32 v7, v10;
	(erf) = vpow2.f32 v5  }
0x19f: {  	v2 =	vadd.f32 v8, v2;
	v5 =	vmul.f32 $1.442695020e+00, v9;
	(erf) = vpow2.f32 v4  }
0x1a0: {  	v4 =	vmul.f32 $1.442695020e+00, v6;
	v6 =	vsub.f32 $0.0e+00, v10;
	v7 =	vpop (erf)  }
0x1a1: {  	v2 =	vsub.f32 $0.0e+00, v2;
	v7 =	vadd.f32 $1.000000000e+00, v7;
	(erf) = vpow2.f32 v5  }
0x1a2: {  	v5 =	vmul.f32 $1.442695020e+00, v6;
	(erf) = vpow2.f32 v4  }
0x1a3: {  	v4 =	vmul.f32 $1.442695020e+00, v2;
	(erf) = vrcp.f32 v7  }
0x1a4: {  	(erf) = vpow2.f32 v5  }
0x1a5: {  	(erf) = vpow2.f32 v4  }
0x1a6: {  	v2 =	vpop (erf)  }
0x1a7: {  	v4 =	vadd.f32 $1.000000000e+00, v2;
	v6 =	vld [tilespmem:s16+$0x82D0];
	v2 =	vpop (erf)  }
0x1a8: {  	v5 =	vadd.f32 $1.000000000e+00, v2;
	v2 =	vpop (erf)  }
.Ltmp7:
0x1a9: {  	v7 =	vadd.f32 $1.000000000e+00, v2;
	v2 =	vld [tilespmem:s16+$0x82A0];
	(erf) = vrcp.f32 v4;
	(pc) =	sbr.rel @p1 .LBB2_8-.Ltmp7, $4  }
0x1aa: {  	v4 =	vld [tilespmem:s16+$0x82E0];
	(erf) = vrcp.f32 v5;
	v8 =	vpop (erf)  }
0x1ab: {  	v5 =	vld [tilespmem:s16+$0x8280];
	v11 =	vadd.f32 $1.000000000e+00, v8;
	v8 =	vpop (erf);
	(erf) = vrcp.f32 v7  }
0x1ac: {  	v8 =	vadd.f32 $1.000000000e+00, v8;
	v7 =	vld [tilespmem:s16+$0x8290];
	v9 =	vpop (erf)  }
0x1ad: {  	v9 =	vmul.f32 v9, v6;
	v6 =	vld [tilespmem:s16+$0x82F0];
	v10 =	vpop (erf);
	(erf) = vrcp.f32 v11  }
0x1ae: {  	_ =	sdelay $0x1  }
0x1af: {  	s19 =	sshra.s32 s20, $0x2;
	v11 =	vld [tilespmem:s16+$0x82B0]  }
0x1b0: {  	v14 =	vpop (erf);
	v12 =	vld [tilespmem:s19+$0x42D0];
	[tilespmem:s16+$0x2D0] =	vst v9  }
0x1b1: {  	(erf) = vrcp.f32 v8;
	v10 =	vadd.f32 $1.000000000e+00, v10;
	v9 =	vld [tilespmem:s19+$0x2D0];
	v27 =	vpop (erf)  }
0x1b2: {  	v29 =	vadd.f32 $1.000000000e+00, v14;
	v13 =	vld [tilespmem:s19+$0x42C0];
	v3 =	vmul.f32 v27, v3  }
0x1b3: {  	v15 =	vld [tilespmem:s19+$0x42A0];
	(erf) = vrcp.f32 v10  }
0x1b4: {  	v16 =	vld [tilespmem:s19+$0x42B0];
	(erf) = vrcp.f32 v29  }
0x1b5: {  	v28 =	vld [tilespmem:s19+$0x4280];
	v17 =	vpop (erf)  }
0x1b6: {  	v18 =	vld [tilespmem:s19+$0x4290];
	v11 =	vmul.f32 v17, v11;
	[tilespmem:s16+$0x2C0] =	vst v3;
	v3 =	vpop (erf)  }
0x1b7: {  	v3 =	vmul.f32 v3, v7  }
0x1b8: {  	v30 =	vld [tilespmem:s19+$0x2C0];
	[tilespmem:s16+$0x2B0] =	vst v11;
	v32 =	vpop (erf)  }
0x1b9: {  	v9 =	vadd.f32 v12, v9;
	v31 =	vld [tilespmem:s19+$0x2B0];
	[tilespmem:s16+$0x290] =	vst v3;
	v3 =	vmul.f32 v32, v6  }
0x1ba: {  	v34 =	vpop (erf);
	v33 =	vld [tilespmem:s19+$0x290]  }
0x1bb: {  	v5 =	vmul.f32 v34, v5;
	v11 =	vld [tilespmem:s19+$0x42F0];
	[tilespmem:s16+$0x2F0] =	vst v3;
	v3 =	vsub.f32 $0.0e+00, v9  }
0x1bc: {  	v36 =	vpop (erf)  }
0x1bd: {  	v4 =	vmul.f32 v36, v4;
	v37 =	vpop (erf);
	v35 =	vld [tilespmem:s19+$0x2F0];
	[tilespmem:s16+$0x280] =	vst v5;
	v3 =	vmul.f32 $1.442695020e+00, v3  }
0x1be: {  	v2 =	vmul.f32 v37, v2;
	v5 =	vld [tilespmem:s19+$0x280]  }
0x1bf: {  	v38 =	vld [tilespmem:s19+$0x42E0];
	[tilespmem:s16+$0x2E0] =	vst v4;
	(erf) = vpow2.f32 v3;
	v3 =	vadd.f32 v13, v30  }
0x1c0: {  	v39 =	vadd.f32 v16, v31;
	v40 =	vld [tilespmem:s19+$0x2E0];
	[tilespmem:s16+$0x2A0] =	vst v2  }
0x1c1: {  	v2 =	vsub.f32 $0.0e+00, v3;
	v3 =	vld [tilespmem:s19+$0x2A0]  }
0x1c2: {  	v4 =	vsub.f32 $0.0e+00, v39;
	v6 =	vadd.f32 v18, v33  }
0x1c3: {  	v9 =	vadd.f32 v11, v35;
	v2 =	vmul.f32 $1.442695020e+00, v2  }
0x1c4: {  	v4 =	vmul.f32 $1.442695020e+00, v4;
	v6 =	vsub.f32 $0.0e+00, v6;
	v5 =	vadd.f32 v28, v5  }
0x1c5: {  	v41 =	vsub.f32 $0.0e+00, v9;
	v42 =	vadd.f32 v38, v40;
	(erf) = vpow2.f32 v2  }
0x1c6: {  	v6 =	vmul.f32 $1.442695020e+00, v6;
	v2 =	vsub.f32 $0.0e+00, v5;
	v3 =	vadd.f32 v15, v3  }
0x1c7: {  	v43 =	vmul.f32 $1.442695020e+00, v41;
	v5 =	vsub.f32 $0.0e+00, v42;
	(erf) = vpow2.f32 v4  }
0x1c8: {  	(erf) = vpow2.f32 v6;
	v2 =	vmul.f32 $1.442695020e+00, v2;
	v44 =	vpop (erf);
	v3 =	vsub.f32 $0.0e+00, v3  }
0x1c9: {  	v45 =	vmul.f32 $1.442695020e+00, v5;
	(erf) = vpow2.f32 v43;
	v6 =	vadd.f32 $1.000000000e+00, v44  }
0x1ca: {  	(erf) = vpow2.f32 v2;
	v2 =	vmul.f32 $1.442695020e+00, v3  }
0x1cb: {  	(erf) = vrcp.f32 v6  }
0x1cc: {  	(erf) = vpow2.f32 v45  }
0x1cd: {  	(erf) = vpow2.f32 v2  }
0x1ce: {  	v2 =	vpop (erf)  }
0x1cf: {  	v2 =	vadd.f32 $1.000000000e+00, v2  }
0x1d0: {  	v3 =	vpop (erf)  }
0x1d1: {  	v46 =	vpop (erf)  }
0x1d2: {  	v3 =	vadd.f32 $1.000000000e+00, v3;
	v47 =	vpop (erf)  }
0x1d3: {  	v4 =	vadd.f32 $1.000000000e+00, v46;
	(erf) = vrcp.f32 v2;
	v2 =	vpop (erf)  }
0x1d4: {  	(erf) = vrcp.f32 v3;
	v3 =	vadd.f32 $1.000000000e+00, v47;
	v48 =	vpop (erf)  }
0x1d5: {  	(erf) = vrcp.f32 v4;
	v2 =	vadd.f32 $1.000000000e+00, v2;
	v49 =	vpop (erf)  }
0x1d6: {  	(erf) = vrcp.f32 v3;
	v3 =	vadd.f32 $1.000000000e+00, v49;
	v50 =	vpop (erf)  }
0x1d7: {  	v51 =	vld [tilespmem:s19+$0x82D0];
	(erf) = vrcp.f32 v2;
	v2 =	vadd.f32 $1.000000000e+00, v50  }
0x1d8: {  	v52 =	vld [tilespmem:s19+$0x82C0];
	(erf) = vrcp.f32 v3  }
0x1d9: {  	v3 =	vld [tilespmem:s19+$0x82B0];
	(erf) = vrcp.f32 v2  }
0x1da: {  	v2 =	vld [tilespmem:s19+$0x8290]  }
0x1db: {  	v53 =	vld [tilespmem:s19+$0x82F0]  }
0x1dc: {  	v54 =	vld [tilespmem:s19+$0x8280];
	v5 =	vmul.f32 v48, v51;
	v55 =	vpop (erf)  }
0x1dd: {  	v56 =	vld [tilespmem:s19+$0x82E0];
	v4 =	vmul.f32 v55, v52;
	v57 =	vpop (erf)  }
0x1de: {  	v58 =	vld [tilespmem:s19+$0x82A0];
	[tilespmem:s19+$0x2D0] =	vst v5;
	v59 =	vpop (erf);
	v3 =	vmul.f32 v57, v3  }
0x1df: {  	[tilespmem:s19+$0x2C0] =	vst v4;
	v60 =	vpop (erf);
	v2 =	vmul.f32 v59, v2  }
0x1e0: {  	[tilespmem:s19+$0x2B0] =	vst v3;
	v3 =	vmul.f32 v60, v53;
	v61 =	vpop (erf)  }
0x1e1: {  	[tilespmem:s19+$0x290] =	vst v2;
	v2 =	vmul.f32 v61, v54;
	v62 =	vpop (erf)  }
0x1e2: {  	[tilespmem:s19+$0x2F0] =	vst v3;
	v3 =	vmul.f32 v62, v56;
	v63 =	vpop (erf)  }
0x1e3: {  	s25 =	sadd.s32 $0x1, s25;
	[tilespmem:s19+$0x280] =	vst v2;
	v2 =	vmul.f32 v63, v58  }
0x1e4: {  	p1 =	sne.s32 s25, $0x1D;
	[tilespmem:s19+$0x2E0] =	vst v3  }
.Ltmp8:
0x1e5: {  	[tilespmem:s19+$0x2A0] =	vst v2;
	(pc) =	sbr.rel @p1 .LBB2_7-.Ltmp8, $4  }
0x1e6: {  	[spmem:s3] =	stream.indirect.scatter.add.f32 [tilespmem:s30], [sflag:$0x4], $0x80, s0, s0, $0xb8;
	[tilespmem:$0x1FE80] =	vst v63  }
0x1e7: {  	_ =	swait.ge [sflag:s31], $0x4000  }
0x1e8: {  	[sflag:s31] =	ssyncset.done $0x0  }
0x1e9: {  	[sflag:s31] =	ssyncadd.s32 $0xFFFFC000  }
.LBB2_10:
0x1ea: {  	s1 =	stileid.u32  }
0x1eb: {  	[bflag:$0x0] =	sbarrier.arrive $0xFFFF;
	s15 =	sshll.u32 s1, $0x6  }
0x1ec: {  	s16 =	sshrl.u32 s14, $0x3;
	s19 =	rddreg [dreg:$0x5];
	s15 =	sor.u32 $0x1C04, s15  }
0x1ed: {  	[hbm:s19], [sflag:s15] =	dma.local [spmem:s16], $0x800  }
0x1ee: {  	_ =	swait.ge [sflag:s31], $0x800  }
0x1ef: {  	[sflag:s31] =	ssyncset.done $0x0;
	s20 =	rddreg [dreg:$0x10]  }
0x1f0: {  	s21 =	rddreg [dreg:$0x6];
	[sflag:s31] =	ssyncadd.s32 $0xFFFFF800;
	s25 =	sshrl.u32 s20, $0x3  }
0x1f1: {  	[hbm:s21], [sflag:s15] =	dma.local [spmem:s25], $0x800  }
0x1f2: {  	_ =	swait.ge [sflag:s31], $0x800  }
0x1f3: {  	[sflag:s31] =	ssyncset.done $0x0;
	s22 =	rddreg [dreg:$0x11]  }
0x1f4: {  	s23 =	rddreg [dreg:$0x7];
	[sflag:s31] =	ssyncadd.s32 $0xFFFFF800;
	s19 =	sshrl.u32 s22, $0x3  }
0x1f5: {  	[hbm:s23], [sflag:s15] =	dma.local [spmem:s19], $0x800  }
0x1f6: {  	_ =	swait.ge [sflag:s31], $0x800  }
0x1f7: {  	[sflag:s31] =	ssyncset.done $0x0;
	s20 =	rddreg [dreg:$0x12]  }
0x1f8: {  	s21 =	rddreg [dreg:$0x8];
	[sflag:s31] =	ssyncadd.s32 $0xFFFFF800;
	s20 =	sshrl.u32 s20, $0x3  }
0x1f9: {  	[hbm:s21], [sflag:s15] =	dma.local [spmem:s20], $0x800  }
0x1fa: {  	_ =	swait.ge [sflag:s31], $0x800  }
0x1fb: {  	[sflag:s31] =	ssyncset.done $0x0;
	s22 =	rddreg [dreg:$0x13]  }
0x1fc: {  	s23 =	rddreg [dreg:$0x9];
	[sflag:s31] =	ssyncadd.s32 $0xFFFFF800;
	s21 =	sshrl.u32 s22, $0x3  }
0x1fd: {  	[hbm:s23], [sflag:s15] =	dma.local [spmem:s21], $0x780  }
0x1fe: {  	_ =	swait.ge [sflag:s31], $0x780  }
0x1ff: {  	[sflag:s31] =	ssyncset.done $0x0  }
0x200: {  	s22 =	simm.s32 $0x0;
	s23 =	simm.s32 $0x200;
	[sflag:s31] =	ssyncadd.s32 $0xFFFFF880  }
.LBB2_11:
0x201: {  	p1 =	sne.s32 s23, $0xFE00;
	[tilespmem:s22+$0x2F0] =	vst v0  }
0x202: {  	[tilespmem:s22+$0x280] =	vst v0  }
0x203: {  	[tilespmem:s22+$0x290] =	vst v0  }
.Ltmp9:
0x204: {  	[tilespmem:s22+$0x2A0] =	vst v0;
	(pc) =	sbr.rel @p1 .LBB2_11-.Ltmp9, $4  }
0x205: {  	[tilespmem:s22+$0x2B0] =	vst v0  }
0x206: {  	[tilespmem:s22+$0x2C0] =	vst v0  }
0x207: {  	[tilespmem:s22+$0x2D0] =	vst v0  }
0x208: {  	[tilespmem:s22+$0x2E0] =	vst v0;
	s22 =	sshra.s32 s23, $0x2;
	s23 =	sadd.s32 $0x200, s23  }
0x209: {  	[tilespmem:s22+$0x2F0] =	vst v0  }
0x20a: {  	[tilespmem:s22+$0x280] =	vst v0  }
0x20b: {  	[tilespmem:s22+$0x290] =	vst v0  }
0x20c: {  	[tilespmem:s22+$0x2A0] =	vst v0  }
0x20d: {  	[tilespmem:s22+$0x2B0] =	vst v0  }
0x20e: {  	[tilespmem:s22+$0x2C0] =	vst v0  }
0x20f: {  	[tilespmem:s22+$0x2D0] =	vst v0  }
0x210: {  	[tilespmem:s22+$0x2E0] =	vst v0  }
0x211: {  	[spmem:s14] =	stream.linear.scatter [tilespmem:s30], [sflag:$0x4], $0x4000, $0x38;
	[tilespmem:$0x1FE80] =	vst v63  }
0x212: {  	_ =	swait.ge [sflag:s31], $0x4000  }
0x213: {  	[sflag:s31] =	ssyncset.done $0x0  }
0x214: {  	s1 =	rddreg [dreg:$0x10];
	[sflag:s31] =	ssyncadd.s32 $0xFFFFC000  }
0x215: {  	[spmem:s1] =	stream.linear.scatter [tilespmem:s30], [sflag:$0x4], $0x4000, $0x38;
	[tilespmem:$0x1FE80] =	vst v63  }
0x216: {  	_ =	swait.ge [sflag:s31], $0x4000  }
0x217: {  	[sflag:s31] =	ssyncset.done $0x0  }
0x218: {  	s14 =	rddreg [dreg:$0x11];
	[sflag:s31] =	ssyncadd.s32 $0xFFFFC000  }
0x219: {  	[spmem:s14] =	stream.linear.scatter [tilespmem:s30], [sflag:$0x4], $0x4000, $0x38;
	[tilespmem:$0x1FE80] =	vst v63  }
0x21a: {  	_ =	swait.ge [sflag:s31], $0x4000  }
0x21b: {  	[sflag:s31] =	ssyncset.done $0x0  }
0x21c: {  	s22 =	rddreg [dreg:$0x12];
	[sflag:s31] =	ssyncadd.s32 $0xFFFFC000  }
0x21d: {  	[spmem:s22] =	stream.linear.scatter [tilespmem:s30], [sflag:$0x4], $0x4000, $0x38;
	[tilespmem:$0x1FE80] =	vst v63  }
0x21e: {  	_ =	swait.ge [sflag:s31], $0x4000  }
0x21f: {  	[sflag:s31] =	ssyncset.done $0x0  }
0x220: {  	s23 =	rddreg [dreg:$0x13];
	[sflag:s31] =	ssyncadd.s32 $0xFFFFC000  }
0x221: {  	[spmem:s23] =	stream.linear.scatter [tilespmem:s30], [sflag:$0x4], $0x3C00, $0x38;
	[tilespmem:$0x1FE80] =	vst v63  }
0x222: {  	_ =	swait.ge [sflag:s31], $0x3C00  }
0x223: {  	[sflag:s31] =	ssyncset.done $0x0  }
0x224: {  	s22 =	simm.s32 $0x200;
	s23 =	simm.s32 $0x0;
	[sflag:s31] =	ssyncadd.s32 $0xFFFFC400  }
.LBB2_13:
0x225: {  	p1 =	sne.s32 s22, $0xFE00;
	[tilespmem:s23+$0x280] =	vst v1;
	s23 =	smov.u32 s22;
	s22 =	sadd.s32 $0x200, s22  }
.Ltmp10:
0x226: {  	(pc) =	sbr.rel @p1 .LBB2_13-.Ltmp10, $2  }
0x227: {  	_ =	sdelay $0x2  }
0x228: {  	s23 =	sshra.s32 s23, $0x2  }
.Ltmp11:
0x229: {  	(pc) =	sbr.rel @p0 .LBB2_18-.Ltmp11, $3  }
0x22a: {  	_ = 	snop  }
0x22b: {  	[tilespmem:s23+$0x280] =	vst v1  }
0x22c: {  	[bflag:$0x0] =	sbarrier.arrive $0xFFFF;
	_ =	sdelay $0x1  }
0x22d: {  	s22 =	sadd.s32 $0x0, s28  }
0x22e: {  	[tilespmem:s0], [sflag:$0x4] =	stream.linear.gather [hbm4b:s22+s4], $0x80, $0x38;
	[tilespmem:$0x1FE80] =	vst v63  }
0x22f: {  	_ =	swait.ge [sflag:s31], $0x80  }
0x230: {  	[sflag:s31] =	ssyncset.done $0x0  }
0x231: {  	[sflag:s31] =	ssyncadd.s32 $0xFFFFFF80  }
0x232: {  	[spmem:s3] =	stream.indirect.scatter.add.f32 [tilespmem:s30], [sflag:$0x4], $0x80, s0, s0, $0xb8;
	[tilespmem:$0x1FE80] =	vst v63  }
0x233: {  	_ =	swait.ge [sflag:s31], $0x4000  }
0x234: {  	s23 =	simm.s32 $0x20;
	s22 =	simm.s32 $0x10;
	[sflag:s31] =	ssyncset.done $0x0  }
.LBB2_16:
0x235: {  	s14 =	sadd.s32 s22, s28  }
0x236: {  	[sflag:s31] =	ssyncadd.s32 $0xFFFFC000;
	s22 =	smov.u32 s23;
	s1 =	sadd.s32 $0x10, s23  }
0x237: {  	[tilespmem:s0], [sflag:$0x4] =	stream.linear.gather [hbm4b:s14+s4], $0x80, $0x38;
	[tilespmem:$0x1FE80] =	vst v63  }
0x238: {  	p1 =	seq.s32 s23, $0x320;
	_ =	swait.ge [sflag:s31], $0x80  }
.Ltmp12:
0x239: {  	[sflag:s31] =	ssyncset.done $0x0;
	(pc) =	sbr.rel @!p1 .LBB2_16-.Ltmp12, $4  }
0x23a: {  	[sflag:s31] =	ssyncadd.s32 $0xFFFFFF80  }
0x23b: {  	[spmem:s3] =	stream.indirect.scatter.add.f32 [tilespmem:s30], [sflag:$0x4], $0x80, s0, s0, $0xb8;
	[tilespmem:$0x1FE80] =	vst v63  }
0x23c: {  	_ =	swait.ge [sflag:s31], $0x4000  }
0x23d: {  	s23 =	smov.u32 s1;
	[sflag:s31] =	ssyncset.done $0x0  }
0x23e: {  	s1 =	sadd.s32 s22, s28;
	[sflag:s31] =	ssyncadd.s32 $0xFFFFC000  }
0x23f: {  	[tilespmem:s0], [sflag:$0x4] =	stream.linear.gather [hbm4b:s1+s4], $0x80, $0x38;
	[tilespmem:$0x1FE80] =	vst v63  }
0x240: {  	_ =	swait.ge [sflag:s31], $0x80  }
0x241: {  	[sflag:s31] =	ssyncset.done $0x0  }
.Ltmp13:
0x242: {  	[sflag:s31] =	ssyncadd.s32 $0xFFFFFF80;
	(pc) =	sbr.rel .LBB2_21-.Ltmp13, $4  }
0x243: {  	[spmem:s3] =	stream.indirect.scatter.add.f32 [tilespmem:s30], [sflag:$0x4], $0x80, s0, s0, $0xb8;
	[tilespmem:$0x1FE80] =	vst v63  }
0x244: {  	_ =	swait.ge [sflag:s31], $0x4000  }
0x245: {  	[sflag:s31] =	ssyncset.done $0x0  }
0x246: {  	s14 =	rddreg [dreg:$0x15];
	[sflag:s31] =	ssyncadd.s32 $0xFFFFC000  }
.LBB2_18:
0x247: {  	s1 =	sadd.s32 $0x0, s26  }
0x248: {  	[tilespmem:s0], [sflag:$0x4] =	stream.linear.gather [hbm4b:s1+s4], $0x80, $0x38;
	[tilespmem:$0x1FE80] =	vst v63  }
0x249: {  	_ =	swait.ge [sflag:s31], $0x80  }
0x24a: {  	[sflag:s31] =	ssyncset.done $0x0  }
0x24b: {  	[sflag:s31] =	ssyncadd.s32 $0xFFFFFF80  }
0x24c: {  	[spmem:s3] =	stream.indirect.scatter.add.f32 [tilespmem:s30], [sflag:$0x4], $0x80, s0, s0, $0xb8;
	[tilespmem:$0x1FE80] =	vst v63  }
0x24d: {  	_ =	swait.ge [sflag:s31], $0x4000  }
0x24e: {  	s22 =	simm.s32 $0x10;
	s23 =	simm.s32 $0x20;
	[sflag:s31] =	ssyncset.done $0x0  }
.LBB2_19:
0x24f: {  	s1 =	sadd.s32 s22, s26  }
0x250: {  	[sflag:s31] =	ssyncadd.s32 $0xFFFFC000;
	s22 =	smov.u32 s23;
	s14 =	sadd.s32 $0x10, s23  }
0x251: {  	[tilespmem:s0], [sflag:$0x4] =	stream.linear.gather [hbm4b:s1+s4], $0x80, $0x38;
	[tilespmem:$0x1FE80] =	vst v63  }
0x252: {  	p1 =	sne.s32 s23, $0x1C0;
	_ =	swait.ge [sflag:s31], $0x80  }
.Ltmp14:
0x253: {  	[sflag:s31] =	ssyncset.done $0x0;
	(pc) =	sbr.rel @p1 .LBB2_19-.Ltmp14, $4  }
0x254: {  	[sflag:s31] =	ssyncadd.s32 $0xFFFFFF80  }
0x255: {  	[spmem:s3] =	stream.indirect.scatter.add.f32 [tilespmem:s30], [sflag:$0x4], $0x80, s0, s0, $0xb8;
	[tilespmem:$0x1FE80] =	vst v63  }
0x256: {  	_ =	swait.ge [sflag:s31], $0x4000  }
0x257: {  	s23 =	smov.u32 s14;
	[sflag:s31] =	ssyncset.done $0x0  }
0x258: {  	s1 =	sadd.s32 s22, s26;
	[sflag:s31] =	ssyncadd.s32 $0xFFFFC000  }
0x259: {  	[tilespmem:s0], [sflag:$0x4] =	stream.linear.gather [hbm4b:s1+s4], $0x80, $0x38;
	[tilespmem:$0x1FE80] =	vst v63  }
0x25a: {  	_ =	swait.ge [sflag:s31], $0x80  }
0x25b: {  	[sflag:s31] =	ssyncset.done $0x0  }
.Ltmp15:
0x25c: {  	[sflag:s31] =	ssyncadd.s32 $0xFFFFFF80;
	(pc) =	sbr.rel .LBB2_21-.Ltmp15, $4  }
0x25d: {  	[spmem:s3] =	stream.indirect.scatter.add.f32 [tilespmem:s30], [sflag:$0x4], $0x80, s0, s0, $0xb8;
	[tilespmem:$0x1FE80] =	vst v63  }
0x25e: {  	_ =	swait.ge [sflag:s31], $0x4000  }
0x25f: {  	[sflag:s31] =	ssyncset.done $0x0  }
0x260: {  	s14 =	rddreg [dreg:$0x15];
	[sflag:s31] =	ssyncadd.s32 $0xFFFFC000  }
.LBB2_22:
0x261: {  	_ =	sfence.sel $0x180000  }
0x262: {  	[bflag:$0x0] =	sbarrier.arrive $0xFFFF  }
0x263: {  	_ =	strace $0x90000047  }
0x264: {  	s0 =	stileid.u32;
	[bflag:$0x2] =	sbarrier.arrive $0xFFFF  }
0x265: {  	p0 =	sne.s32 s0, $0x0;
	s0 =	rddreg [dreg:$0x4]  }
0x266: {  	s0 =	sadd.s32 @!p0 $0x100000, s0  }
0x267: {  	[sflag:s0] =	ssyncadd.tile.s32 @!p0 $0x1;
	_ =	shalt  }
.Lfunc_end2:
_tile_overlayer_lowered:
.L_overlay_start_2:
0x268: {  	(tag) =	ssettag $0x2  }
0x269: {  	s0 =	rddreg [dreg:$0x0];
	s2 =	stileid.u32  }
0x26a: {  	s1 =	rddreg [dreg:$0x1];
	p0 =	sne.s32 s2, $0x0  }
0x26b: {  	s3 =	rddreg [dreg:$0x2];
	[bflag:$0x3] =	sbarrier.arrive $0xFFFF;
	s2 =	simm.s32 @!p0 $0x1C04  }
0x26c: {  	[timem:s3], [sflag:s2] =	dma.local @!p0 [hbm:s0], s1  }
0x26d: {  	s0 =	simm.s32 @!p0 $0x4  }
0x26e: {  	_ =	swait.ge @!p0 [sflag:s0], s1  }
0x26f: {  	s1 =	ssub.s32 @!p0 $0x0, s1;
	[sflag:s0] =	ssyncset.done @!p0 $0x0  }
0x270: {  	[sflag:s0] =	ssyncadd.s32 @!p0 s1  }
0x271: {  	[bflag:$0x3] =	sbarrier.arrive $0xFFFF  }
0x272: {  	_ =	shalt  }

</sc_bundles>
